<compile_context>
chip_gen: v7x
topology: tpu7x:2x2x1
jax: 0.10.2.dev20260603
libtpu: 0.0.44.dev20260713+nightly
codegen_flags: <defaults>
</compile_context>

<pallas_src>
import functools

import jax
import jax.numpy as jnp
from jax import lax
from jax.experimental import pallas as pl
from jax.experimental.pallas import tpu as pltpu
from jax.experimental.pallas import tpu_sc as plsc

B = 4096
OBS = 64
BITS = 12
NK = BITS + 1
SIZE = 512
NR2 = 43
NV = 4096

NC = 2
NS = 16
NW = NC * NS
BPW = B // NW

NBB = 4
BB = B // NBB
WPB = BB // BPW


def _addr_body(x_ref, thr_ref, tab_ref, out_ref, w_ref, sem):
    b = pl.program_id(0)

    @pl.when(b == 0)
    def _():
        cps = [pltpu.async_copy(tab_ref.at[:, 2 ** k - 1, :], w_ref.at[k], sem)
               for k in range(NK)]
        for cp in cps:
            cp.wait()

    x = x_ref[...]
    thr = thr_ref[...]
    c = jnp.zeros((BB, OBS), jnp.int32)
    for t in range(BITS):
        c = c + (x > thr[:, t][None, :]).astype(jnp.int32)
    e = jnp.concatenate(
        [(c == kk).astype(jnp.bfloat16) for kk in range(NK)], axis=1)
    w = w_ref[...].reshape(NK * OBS, SIZE)
    w_hi = w.astype(jnp.bfloat16)
    r1 = w - w_hi.astype(jnp.float32)
    w_mid = r1.astype(jnp.bfloat16)
    w_lo = (r1 - w_mid.astype(jnp.float32)).astype(jnp.bfloat16)
    h1 = (jnp.dot(e, w_hi, preferred_element_type=jnp.float32)
          + jnp.dot(e, w_mid, preferred_element_type=jnp.float32)
          + jnp.dot(e, w_lo, preferred_element_type=jnp.float32))
    bits = (h1 > 0).astype(jnp.float32)
    ri = lax.broadcasted_iota(jnp.int32, (SIZE, NR2), 0)
    cj = lax.broadcasted_iota(jnp.int32, (SIZE, NR2), 1)
    pw = jnp.where(ri // BITS == cj,
                   jnp.left_shift(1, ri % BITS), 0).astype(jnp.float32)
    af = jnp.dot(bits, pw, precision=lax.Precision.HIGHEST,
                 preferred_element_type=jnp.float32)
    addr = af.astype(jnp.int32)
    out_ref[...] = addr.reshape(WPB, BPW, NR2).transpose(0, 2, 1)


def _layer2_addresses(x, thresholds, table1):
    return pl.pallas_call(
        _addr_body,
        grid=(NBB,),
        in_specs=[
            pl.BlockSpec((BB, OBS), lambda b: (b, 0)),
            pl.BlockSpec((OBS, BITS), lambda b: (0, 0)),
            pl.BlockSpec(memory_space=pl.ANY),
        ],
        out_specs=pl.BlockSpec((WPB, NR2, BPW), lambda b: (b, 0, 0)),
        out_shape=jax.ShapeDtypeStruct((NW, NR2, BPW), jnp.int32),
        scratch_shapes=[pltpu.VMEM((NK, OBS, SIZE), jnp.float32),
                        pltpu.SemaphoreType.DMA],
    )(x, thresholds, table1)


def _sc_body(idx_hbm, tab_hbm, sb_hbm, out_hbm,
             idx_v, rows_v, out_v, sb_v, sem):
    wid = lax.axis_index("s") * NC + lax.axis_index("c")
    pltpu.sync_copy(idx_hbm.at[wid], idx_v)
    pltpu.sync_copy(sb_hbm, sb_v)

    groups = [list(range(g, min(g + 11, NR2))) for g in range(0, NR2, 11)]
    copies = {}

    def fire(g):
        for j in groups[g]:
            copies[j] = pltpu.async_copy(
                tab_hbm.at[j].at[idx_v.at[j]],
                rows_v.at[pl.ds(j * BPW, BPW), :], sem)

    def drain(g):
        for j in groups[g]:
            copies[j].wait()

    fire(0)
    for g in range(1, len(groups)):
        fire(g)
        drain(g - 1)
    drain(len(groups) - 1)

    iota = lax.iota(jnp.int32, 16)
    scale16 = sb_v[pl.ds(0, 16)]
    bias16 = sb_v[pl.ds(16, 16)]
    col16 = jnp.bitwise_and(iota, 7)
    half = jnp.right_shift(iota, 3)

    def pair(p, _):
        e16 = 2 * p + half
        acc = jnp.zeros((16,), jnp.float32)
        for j in range(NR2):
            acc = acc + plsc.load_gather(rows_v, [j * BPW + e16, col16])
        e = jnp.exp(acc + acc)
        th = 1.0 - 2.0 / (e + 1.0)
        out_v[pl.ds(p * 16, 16)] = th * scale16 + bias16
        return _

    lax.fori_loop(0, BPW // 2, pair, None)
    pltpu.sync_copy(out_v, out_hbm.at[pl.ds(wid * BPW * 8, BPW * 8)])


def _sc_gather(idx, tab2, sb):
    call = functools.partial(
        pl.kernel,
        out_type=jax.ShapeDtypeStruct((B * 8,), jnp.float32),
        mesh=plsc.VectorSubcoreMesh(
            core_axis_name="c", subcore_axis_name="s", num_cores=NC),
        compiler_params=pltpu.CompilerParams(
            use_tc_tiling_on_sc=False, needs_layout_passes=False),
        scratch_types=[
            pltpu.VMEM((NR2, BPW), jnp.int32),
            pltpu.VMEM((NR2 * BPW, 8), jnp.float32),
            pltpu.VMEM((BPW * 8,), jnp.float32),
            pltpu.VMEM((32,), jnp.float32),
            pltpu.SemaphoreType.DMA,
        ],
    )(_sc_body)
    return call(idx, tab2, sb)


def kernel(x, thresholds, table1, table2, action_scale, action_bias):
    idx = _layer2_addresses(x, thresholds, table1)
    sb = jnp.concatenate([jnp.tile(action_scale, 2), jnp.tile(action_bias, 2)])
    out = _sc_gather(idx, table2, sb)
    return out.reshape(B, 8)

# --- scband reference (transcript-rebuilt; emitter-appended) ---
"""Pipeline reference for scband-wnnactor-19430432047686 (READ-ONLY COPY).

The authoritative reference and input builder live on the scoring server;
editing this copy changes nothing except your own understanding.
"""

import jax, jax.numpy as jnp
import numpy as np
from jax.scipy.special import ndtri

OBS_DIM = 64
ACT_DIM = 8
BITS = 12
SIZE = 512
BATCH = 4096
N_VALS = 2 ** BITS
N_RAMS1 = (OBS_DIM * BITS) // BITS  # 64
N_RAMS2 = (SIZE + BITS - 1) // BITS  # 43
PAD2 = N_RAMS2 * BITS - SIZE  # 4


def setup_inputs(seed: int = 0) -> dict:
    key = jax.random.key(seed)
    k1, k2, k3 = jax.random.split(key, 3)
    x = jax.random.normal(k1, (BATCH, OBS_DIM), dtype=jnp.float32) * 3.0
    # ThermometerGaussian fit with min=-10, max=10 per feature
    min_v = jnp.full((OBS_DIM,), -10.0, dtype=jnp.float32)
    max_v = jnp.full((OBS_DIM,), 10.0, dtype=jnp.float32)
    mean = (min_v + max_v) / 2.0
    std = (max_v - min_v) / 6.0
    q = ndtri(jnp.arange(1, BITS + 1, dtype=jnp.float32) / (BITS + 1))
    thresholds = mean[:, None] + std[:, None] * q[None, :]  # [OBS_DIM, BITS]
    table1 = jax.random.normal(k2, (N_RAMS1, N_VALS, SIZE), dtype=jnp.float32) * 0.02
    table2 = jax.random.normal(k3, (N_RAMS2, N_VALS, ACT_DIM), dtype=jnp.float32) * 0.02
    action_scale = jnp.ones((ACT_DIM,), dtype=jnp.float32)
    action_bias = jnp.zeros((ACT_DIM,), dtype=jnp.float32)
    return {"x": x, "thresholds": thresholds, "table1": table1, "table2": table2,
            "action_scale": action_scale, "action_bias": action_bias}


def _addr(bits_f, n_rams):
    b = bits_f.reshape(bits_f.shape[0], n_rams, BITS)
    w = (2 ** jnp.arange(BITS, dtype=jnp.int32)).astype(jnp.float32)
    a = jnp.sum(jax.lax.stop_gradient(jnp.round(b)) * w[None, None, :], axis=-1)
    return a.astype(jnp.int32)


def _lut(table, addr):
    n_rams = table.shape[0]
    g = table[jnp.arange(n_rams)[None, :], addr]  # gather: [B, n_rams, out]
    return jnp.sum(g, axis=1)


def reference(x, thresholds, table1, table2, action_scale, action_bias):
    # thermometer-gaussian binary encoding
    enc = (x[:, :, None] > thresholds[None, :, :]).astype(jnp.float32)
    enc = enc.reshape(x.shape[0], OBS_DIM * BITS)
    # WNN layer 1: RAM LUT lookups + sum
    a1 = _addr(enc, N_RAMS1)
    h1 = _lut(table1, a1)  # [B, SIZE]
    # binarize with straight-through estimator
    hard = (h1 > 0).astype(jnp.float32)
    b1 = hard + (h1 - jax.lax.stop_gradient(h1))
    b1 = jnp.pad(b1, ((0, 0), (0, PAD2)))
    # WNN layer 2 -> action mean
    a2 = _addr(b1, N_RAMS2)
    out = _lut(table2, a2)  # [B, ACT_DIM]
    out = jnp.tanh(out)
    return out * action_scale[None, :] + action_bias[None, :]

if __name__ == "__main__":
    import jax
    _d = setup_inputs()
    print(jax.jit(kernel)(*tuple(_d.values())))

</pallas_src>

<mosaic_0001>
#map = affine_map<(d0, d1) -> (0, 0, 0)>
#map1 = affine_map<(d0, d1) -> (0)>
module attributes {stable_mosaic.version = 14 : i64} {
  func.func @_sc_body(%arg0: i32, %arg1: i32, %arg2: memref<32x43x128xi32, #tpu.memory_space<hbm>>, %arg3: memref<43x4096x8xf32, #tpu.memory_space<hbm>>, %arg4: memref<32xf32, #tpu.memory_space<hbm>>, %arg5: memref<32768xf32, #tpu.memory_space<hbm>>, %arg6: memref<43x128xi32, #tpu.memory_space<vmem>>, %arg7: memref<5504x8xf32, #tpu.memory_space<vmem>>, %arg8: memref<1024xf32, #tpu.memory_space<vmem>>, %arg9: memref<32xf32, #tpu.memory_space<vmem>>, %arg10: memref<!tpu.dma_semaphore, #tpu.memory_space<semaphore_mem>>) attributes {dimension_semantics = [#tpu.dimension_semantics<core_parallel>, #tpu.dimension_semantics<subcore_parallel>], iteration_bounds = array<i64: 2, 16>, scalar_prefetch = 0 : i64, scratch_operands = 5 : i64, tpu.core_type = #tpu.core_type<sc_vector_subcore>, window_params = [{transform_indices = #map}, {transform_indices = #map}, {transform_indices = #map1}, {transform_indices = #map1}]} {
    %mul3A = arith.constant 2 : i32
    %mul3A_0 = arith.muli %arg1, %mul3A : i32
    %add3A = arith.addi %mul3A_0, %arg0 : i32
    "tpu.region"() ({
      %run_scoped3A = tpu.sem_alloc : memref<!tpu.dma_semaphore, #tpu.memory_space<semaphore_mem>>
      %dma_start3A_1304 = arith.constant 0 : i32
      %dma_start3A_1305 = arith.constant 0 : i32
      %dma_start3A_1306 = tpu.memref_slice %arg2[%add3A, %dma_start3A_1304, %dma_start3A_1305] : memref<32x43x128xi32, #tpu.memory_space<hbm>> -> memref<1x43x128xi32, #tpu.memory_space<hbm>>
      %dma_start3A_1307 = tpu.memref_squeeze %dma_start3A_1306 : memref<1x43x128xi32, #tpu.memory_space<hbm>> -> memref<43x128xi32, #tpu.memory_space<hbm>>
      %dma_start3A_1308 = arith.constant 0 : i32
      %dma_start3A_1309 = arith.constant 0 : i32
      %dma_start3A_1310 = tpu.memref_slice %arg2[%add3A, %dma_start3A_1308, %dma_start3A_1309] : memref<32x43x128xi32, #tpu.memory_space<hbm>> -> memref<1x43x128xi32, #tpu.memory_space<hbm>>
      %dma_start3A_1311 = tpu.memref_squeeze %dma_start3A_1310 : memref<1x43x128xi32, #tpu.memory_space<hbm>> -> memref<43x128xi32, #tpu.memory_space<hbm>>
      tpu.enqueue_dma source(%dma_start3A_1311 : memref<43x128xi32, #tpu.memory_space<hbm>>) target(%arg6 : memref<43x128xi32, #tpu.memory_space<vmem>>) target_semaphore(%run_scoped3A : memref<!tpu.dma_semaphore, #tpu.memory_space<semaphore_mem>>)
      %dma_wait3A_1312 = arith.constant 0 : i32
      %dma_wait3A_1313 = arith.constant 0 : i32
      %dma_wait3A_1314 = tpu.memref_slice %arg2[%add3A, %dma_wait3A_1312, %dma_wait3A_1313] : memref<32x43x128xi32, #tpu.memory_space<hbm>> -> memref<1x43x128xi32, #tpu.memory_space<hbm>>
      %dma_wait3A_1315 = tpu.memref_squeeze %dma_wait3A_1314 : memref<1x43x128xi32, #tpu.memory_space<hbm>> -> memref<43x128xi32, #tpu.memory_space<hbm>>
      %dma_wait3A_1316 = arith.constant 0 : i32
      %dma_wait3A_1317 = arith.constant 0 : i32
      %dma_wait3A_1318 = tpu.memref_slice %arg2[%add3A, %dma_wait3A_1316, %dma_wait3A_1317] : memref<32x43x128xi32, #tpu.memory_space<hbm>> -> memref<1x43x128xi32, #tpu.memory_space<hbm>>
      %dma_wait3A_1319 = tpu.memref_squeeze %dma_wait3A_1318 : memref<1x43x128xi32, #tpu.memory_space<hbm>> -> memref<43x128xi32, #tpu.memory_space<hbm>>
      tpu.wait_dma2 semaphore(%run_scoped3A : memref<!tpu.dma_semaphore, #tpu.memory_space<semaphore_mem>>) src(%dma_wait3A_1319 : memref<43x128xi32, #tpu.memory_space<hbm>>) dst(%arg6 : memref<43x128xi32, #tpu.memory_space<vmem>>)
      tpu.yield
    }) : () -> ()
    "tpu.region"() ({
      %run_scoped3A = tpu.sem_alloc : memref<!tpu.dma_semaphore, #tpu.memory_space<semaphore_mem>>
      tpu.enqueue_dma source(%arg4 : memref<32xf32, #tpu.memory_space<hbm>>) target(%arg9 : memref<32xf32, #tpu.memory_space<vmem>>) target_semaphore(%run_scoped3A : memref<!tpu.dma_semaphore, #tpu.memory_space<semaphore_mem>>)
      tpu.wait_dma2 semaphore(%run_scoped3A : memref<!tpu.dma_semaphore, #tpu.memory_space<semaphore_mem>>) src(%arg4 : memref<32xf32, #tpu.memory_space<hbm>>) dst(%arg9 : memref<32xf32, #tpu.memory_space<vmem>>)
      tpu.yield
    }) : () -> ()
    %dma_start3A = arith.constant 0 : i32
    %dma_start3A_1 = arith.constant 0 : i32
    %dma_start3A_2 = arith.constant 0 : i32
    %dma_start3A_3 = arith.constant 0 : i32
    %dma_start3A_4 = tpu.memref_slice %arg7[%dma_start3A_2, %dma_start3A_3] : memref<5504x8xf32, #tpu.memory_space<vmem>> -> memref<128x8xf32, #tpu.memory_space<vmem>>
    %dma_start3A_5 = arith.constant 0 : i32
    %dma_start3A_6 = tpu.memref_slice %arg6[%dma_start3A_1, %dma_start3A_5] : memref<43x128xi32, #tpu.memory_space<vmem>> -> memref<1x128xi32, #tpu.memory_space<vmem>>
    %dma_start3A_7 = tpu.memref_squeeze %dma_start3A_6 : memref<1x128xi32, #tpu.memory_space<vmem>> -> memref<128xi32, #tpu.memory_space<vmem>>
    %dma_start3A_8 = arith.constant 0 : i32
    %dma_start3A_9 = arith.constant 0 : i32
    %dma_start3A_10 = tpu.memref_slice %arg3[%dma_start3A, %dma_start3A_8, %dma_start3A_9] : memref<43x4096x8xf32, #tpu.memory_space<hbm>> -> memref<1x4096x8xf32, #tpu.memory_space<hbm>>
    %dma_start3A_11 = tpu.memref_squeeze %dma_start3A_10 : memref<1x4096x8xf32, #tpu.memory_space<hbm>> -> memref<4096x8xf32, #tpu.memory_space<hbm>>
    %dma_start3A_12 = arith.constant 0 : i32
    %dma_start3A_13 = arith.constant 0 : i32
    %dma_start3A_14 = tpu.memref_slice %dma_start3A_11[%dma_start3A_12, %dma_start3A_13] : memref<4096x8xf32, #tpu.memory_space<hbm>> -> memref<4096x8xf32, #tpu.memory_space<hbm>>
    tpu.enqueue_indirect_dma source(%dma_start3A_14 : memref<4096x8xf32, #tpu.memory_space<hbm>>) target(%dma_start3A_4 : memref<128x8xf32, #tpu.memory_space<vmem>>) offsets(%dma_start3A_7 : memref<128xi32, #tpu.memory_space<vmem>>) semaphore(%arg10 : memref<!tpu.dma_semaphore, #tpu.memory_space<semaphore_mem>>)
    %dma_start3A_15 = arith.constant 1 : i32
    %dma_start3A_16 = arith.constant 1 : i32
    %dma_start3A_17 = arith.constant 128 : i32
    %dma_start3A_18 = arith.constant 0 : i32
    %dma_start3A_19 = tpu.memref_slice %arg7[%dma_start3A_17, %dma_start3A_18] : memref<5504x8xf32, #tpu.memory_space<vmem>> -> memref<128x8xf32, #tpu.memory_space<vmem>>
    %dma_start3A_20 = arith.constant 0 : i32
    %dma_start3A_21 = tpu.memref_slice %arg6[%dma_start3A_16, %dma_start3A_20] : memref<43x128xi32, #tpu.memory_space<vmem>> -> memref<1x128xi32, #tpu.memory_space<vmem>>
    %dma_start3A_22 = tpu.memref_squeeze %dma_start3A_21 : memref<1x128xi32, #tpu.memory_space<vmem>> -> memref<128xi32, #tpu.memory_space<vmem>>
    %dma_start3A_23 = arith.constant 0 : i32
    %dma_start3A_24 = arith.constant 0 : i32
    %dma_start3A_25 = tpu.memref_slice %arg3[%dma_start3A_15, %dma_start3A_23, %dma_start3A_24] : memref<43x4096x8xf32, #tpu.memory_space<hbm>> -> memref<1x4096x8xf32, #tpu.memory_space<hbm>>
    %dma_start3A_26 = tpu.memref_squeeze %dma_start3A_25 : memref<1x4096x8xf32, #tpu.memory_space<hbm>> -> memref<4096x8xf32, #tpu.memory_space<hbm>>
    %dma_start3A_27 = arith.constant 0 : i32
    %dma_start3A_28 = arith.constant 0 : i32
    %dma_start3A_29 = tpu.memref_slice %dma_start3A_26[%dma_start3A_27, %dma_start3A_28] : memref<4096x8xf32, #tpu.memory_space<hbm>> -> memref<4096x8xf32, #tpu.memory_space<hbm>>
    tpu.enqueue_indirect_dma source(%dma_start3A_29 : memref<4096x8xf32, #tpu.memory_space<hbm>>) target(%dma_start3A_19 : memref<128x8xf32, #tpu.memory_space<vmem>>) offsets(%dma_start3A_22 : memref<128xi32, #tpu.memory_space<vmem>>) semaphore(%arg10 : memref<!tpu.dma_semaphore, #tpu.memory_space<semaphore_mem>>)
    %dma_start3A_30 = arith.constant 2 : i32
    %dma_start3A_31 = arith.constant 2 : i32
    %dma_start3A_32 = arith.constant 256 : i32
    %dma_start3A_33 = arith.constant 0 : i32
    %dma_start3A_34 = tpu.memref_slice %arg7[%dma_start3A_32, %dma_start3A_33] : memref<5504x8xf32, #tpu.memory_space<vmem>> -> memref<128x8xf32, #tpu.memory_space<vmem>>
    %dma_start3A_35 = arith.constant 0 : i32
    %dma_start3A_36 = tpu.memref_slice %arg6[%dma_start3A_31, %dma_start3A_35] : memref<43x128xi32, #tpu.memory_space<vmem>> -> memref<1x128xi32, #tpu.memory_space<vmem>>
    %dma_start3A_37 = tpu.memref_squeeze %dma_start3A_36 : memref<1x128xi32, #tpu.memory_space<vmem>> -> memref<128xi32, #tpu.memory_space<vmem>>
    %dma_start3A_38 = arith.constant 0 : i32
    %dma_start3A_39 = arith.constant 0 : i32
    %dma_start3A_40 = tpu.memref_slice %arg3[%dma_start3A_30, %dma_start3A_38, %dma_start3A_39] : memref<43x4096x8xf32, #tpu.memory_space<hbm>> -> memref<1x4096x8xf32, #tpu.memory_space<hbm>>
    %dma_start3A_41 = tpu.memref_squeeze %dma_start3A_40 : memref<1x4096x8xf32, #tpu.memory_space<hbm>> -> memref<4096x8xf32, #tpu.memory_space<hbm>>
    %dma_start3A_42 = arith.constant 0 : i32
    %dma_start3A_43 = arith.constant 0 : i32
    %dma_start3A_44 = tpu.memref_slice %dma_start3A_41[%dma_start3A_42, %dma_start3A_43] : memref<4096x8xf32, #tpu.memory_space<hbm>> -> memref<4096x8xf32, #tpu.memory_space<hbm>>
    tpu.enqueue_indirect_dma source(%dma_start3A_44 : memref<4096x8xf32, #tpu.memory_space<hbm>>) target(%dma_start3A_34 : memref<128x8xf32, #tpu.memory_space<vmem>>) offsets(%dma_start3A_37 : memref<128xi32, #tpu.memory_space<vmem>>) semaphore(%arg10 : memref<!tpu.dma_semaphore, #tpu.memory_space<semaphore_mem>>)
    %dma_start3A_45 = arith.constant 3 : i32
    %dma_start3A_46 = arith.constant 3 : i32
    %dma_start3A_47 = arith.constant 384 : i32
    %dma_start3A_48 = arith.constant 0 : i32
    %dma_start3A_49 = tpu.memref_slice %arg7[%dma_start3A_47, %dma_start3A_48] : memref<5504x8xf32, #tpu.memory_space<vmem>> -> memref<128x8xf32, #tpu.memory_space<vmem>>
    %dma_start3A_50 = arith.constant 0 : i32
    %dma_start3A_51 = tpu.memref_slice %arg6[%dma_start3A_46, %dma_start3A_50] : memref<43x128xi32, #tpu.memory_space<vmem>> -> memref<1x128xi32, #tpu.memory_space<vmem>>
    %dma_start3A_52 = tpu.memref_squeeze %dma_start3A_51 : memref<1x128xi32, #tpu.memory_space<vmem>> -> memref<128xi32, #tpu.memory_space<vmem>>
    %dma_start3A_53 = arith.constant 0 : i32
    %dma_start3A_54 = arith.constant 0 : i32
    %dma_start3A_55 = tpu.memref_slice %arg3[%dma_start3A_45, %dma_start3A_53, %dma_start3A_54] : memref<43x4096x8xf32, #tpu.memory_space<hbm>> -> memref<1x4096x8xf32, #tpu.memory_space<hbm>>
    %dma_start3A_56 = tpu.memref_squeeze %dma_start3A_55 : memref<1x4096x8xf32, #tpu.memory_space<hbm>> -> memref<4096x8xf32, #tpu.memory_space<hbm>>
    %dma_start3A_57 = arith.constant 0 : i32
    %dma_start3A_58 = arith.constant 0 : i32
    %dma_start3A_59 = tpu.memref_slice %dma_start3A_56[%dma_start3A_57, %dma_start3A_58] : memref<4096x8xf32, #tpu.memory_space<hbm>> -> memref<4096x8xf32, #tpu.memory_space<hbm>>
    tpu.enqueue_indirect_dma source(%dma_start3A_59 : memref<4096x8xf32, #tpu.memory_space<hbm>>) target(%dma_start3A_49 : memref<128x8xf32, #tpu.memory_space<vmem>>) offsets(%dma_start3A_52 : memref<128xi32, #tpu.memory_space<vmem>>) semaphore(%arg10 : memref<!tpu.dma_semaphore, #tpu.memory_space<semaphore_mem>>)
    %dma_start3A_60 = arith.constant 4 : i32
    %dma_start3A_61 = arith.constant 4 : i32
    %dma_start3A_62 = arith.constant 512 : i32
    %dma_start3A_63 = arith.constant 0 : i32
    %dma_start3A_64 = tpu.memref_slice %arg7[%dma_start3A_62, %dma_start3A_63] : memref<5504x8xf32, #tpu.memory_space<vmem>> -> memref<128x8xf32, #tpu.memory_space<vmem>>
    %dma_start3A_65 = arith.constant 0 : i32
    %dma_start3A_66 = tpu.memref_slice %arg6[%dma_start3A_61, %dma_start3A_65] : memref<43x128xi32, #tpu.memory_space<vmem>> -> memref<1x128xi32, #tpu.memory_space<vmem>>
    %dma_start3A_67 = tpu.memref_squeeze %dma_start3A_66 : memref<1x128xi32, #tpu.memory_space<vmem>> -> memref<128xi32, #tpu.memory_space<vmem>>
    %dma_start3A_68 = arith.constant 0 : i32
    %dma_start3A_69 = arith.constant 0 : i32
    %dma_start3A_70 = tpu.memref_slice %arg3[%dma_start3A_60, %dma_start3A_68, %dma_start3A_69] : memref<43x4096x8xf32, #tpu.memory_space<hbm>> -> memref<1x4096x8xf32, #tpu.memory_space<hbm>>
    %dma_start3A_71 = tpu.memref_squeeze %dma_start3A_70 : memref<1x4096x8xf32, #tpu.memory_space<hbm>> -> memref<4096x8xf32, #tpu.memory_space<hbm>>
    %dma_start3A_72 = arith.constant 0 : i32
    %dma_start3A_73 = arith.constant 0 : i32
    %dma_start3A_74 = tpu.memref_slice %dma_start3A_71[%dma_start3A_72, %dma_start3A_73] : memref<4096x8xf32, #tpu.memory_space<hbm>> -> memref<4096x8xf32, #tpu.memory_space<hbm>>
    tpu.enqueue_indirect_dma source(%dma_start3A_74 : memref<4096x8xf32, #tpu.memory_space<hbm>>) target(%dma_start3A_64 : memref<128x8xf32, #tpu.memory_space<vmem>>) offsets(%dma_start3A_67 : memref<128xi32, #tpu.memory_space<vmem>>) semaphore(%arg10 : memref<!tpu.dma_semaphore, #tpu.memory_space<semaphore_mem>>)
    %dma_start3A_75 = arith.constant 5 : i32
    %dma_start3A_76 = arith.constant 5 : i32
    %dma_start3A_77 = arith.constant 640 : i32
    %dma_start3A_78 = arith.constant 0 : i32
    %dma_start3A_79 = tpu.memref_slice %arg7[%dma_start3A_77, %dma_start3A_78] : memref<5504x8xf32, #tpu.memory_space<vmem>> -> memref<128x8xf32, #tpu.memory_space<vmem>>
    %dma_start3A_80 = arith.constant 0 : i32
    %dma_start3A_81 = tpu.memref_slice %arg6[%dma_start3A_76, %dma_start3A_80] : memref<43x128xi32, #tpu.memory_space<vmem>> -> memref<1x128xi32, #tpu.memory_space<vmem>>
    %dma_start3A_82 = tpu.memref_squeeze %dma_start3A_81 : memref<1x128xi32, #tpu.memory_space<vmem>> -> memref<128xi32, #tpu.memory_space<vmem>>
    %dma_start3A_83 = arith.constant 0 : i32
    %dma_start3A_84 = arith.constant 0 : i32
    %dma_start3A_85 = tpu.memref_slice %arg3[%dma_start3A_75, %dma_start3A_83, %dma_start3A_84] : memref<43x4096x8xf32, #tpu.memory_space<hbm>> -> memref<1x4096x8xf32, #tpu.memory_space<hbm>>
    %dma_start3A_86 = tpu.memref_squeeze %dma_start3A_85 : memref<1x4096x8xf32, #tpu.memory_space<hbm>> -> memref<4096x8xf32, #tpu.memory_space<hbm>>
    %dma_start3A_87 = arith.constant 0 : i32
    %dma_start3A_88 = arith.constant 0 : i32
    %dma_start3A_89 = tpu.memref_slice %dma_start3A_86[%dma_start3A_87, %dma_start3A_88] : memref<4096x8xf32, #tpu.memory_space<hbm>> -> memref<4096x8xf32, #tpu.memory_space<hbm>>
    tpu.enqueue_indirect_dma source(%dma_start3A_89 : memref<4096x8xf32, #tpu.memory_space<hbm>>) target(%dma_start3A_79 : memref<128x8xf32, #tpu.memory_space<vmem>>) offsets(%dma_start3A_82 : memref<128xi32, #tpu.memory_space<vmem>>) semaphore(%arg10 : memref<!tpu.dma_semaphore, #tpu.memory_space<semaphore_mem>>)
    %dma_start3A_90 = arith.constant 6 : i32
    %dma_start3A_91 = arith.constant 6 : i32
    %dma_start3A_92 = arith.constant 768 : i32
    %dma_start3A_93 = arith.constant 0 : i32
    %dma_start3A_94 = tpu.memref_slice %arg7[%dma_start3A_92, %dma_start3A_93] : memref<5504x8xf32, #tpu.memory_space<vmem>> -> memref<128x8xf32, #tpu.memory_space<vmem>>
    %dma_start3A_95 = arith.constant 0 : i32
    %dma_start3A_96 = tpu.memref_slice %arg6[%dma_start3A_91, %dma_start3A_95] : memref<43x128xi32, #tpu.memory_space<vmem>> -> memref<1x128xi32, #tpu.memory_space<vmem>>
    %dma_start3A_97 = tpu.memref_squeeze %dma_start3A_96 : memref<1x128xi32, #tpu.memory_space<vmem>> -> memref<128xi32, #tpu.memory_space<vmem>>
    %dma_start3A_98 = arith.constant 0 : i32
    %dma_start3A_99 = arith.constant 0 : i32
    %dma_start3A_100 = tpu.memref_slice %arg3[%dma_start3A_90, %dma_start3A_98, %dma_start3A_99] : memref<43x4096x8xf32, #tpu.memory_space<hbm>> -> memref<1x4096x8xf32, #tpu.memory_space<hbm>>
    %dma_start3A_101 = tpu.memref_squeeze %dma_start3A_100 : memref<1x4096x8xf32, #tpu.memory_space<hbm>> -> memref<4096x8xf32, #tpu.memory_space<hbm>>
    %dma_start3A_102 = arith.constant 0 : i32
    %dma_start3A_103 = arith.constant 0 : i32
    %dma_start3A_104 = tpu.memref_slice %dma_start3A_101[%dma_start3A_102, %dma_start3A_103] : memref<4096x8xf32, #tpu.memory_space<hbm>> -> memref<4096x8xf32, #tpu.memory_space<hbm>>
    tpu.enqueue_indirect_dma source(%dma_start3A_104 : memref<4096x8xf32, #tpu.memory_space<hbm>>) target(%dma_start3A_94 : memref<128x8xf32, #tpu.memory_space<vmem>>) offsets(%dma_start3A_97 : memref<128xi32, #tpu.memory_space<vmem>>) semaphore(%arg10 : memref<!tpu.dma_semaphore, #tpu.memory_space<semaphore_mem>>)
    %dma_start3A_105 = arith.constant 7 : i32
    %dma_start3A_106 = arith.constant 7 : i32
    %dma_start3A_107 = arith.constant 896 : i32
    %dma_start3A_108 = arith.constant 0 : i32
    %dma_start3A_109 = tpu.memref_slice %arg7[%dma_start3A_107, %dma_start3A_108] : memref<5504x8xf32, #tpu.memory_space<vmem>> -> memref<128x8xf32, #tpu.memory_space<vmem>>
    %dma_start3A_110 = arith.constant 0 : i32
    %dma_start3A_111 = tpu.memref_slice %arg6[%dma_start3A_106, %dma_start3A_110] : memref<43x128xi32, #tpu.memory_space<vmem>> -> memref<1x128xi32, #tpu.memory_space<vmem>>
    %dma_start3A_112 = tpu.memref_squeeze %dma_start3A_111 : memref<1x128xi32, #tpu.memory_space<vmem>> -> memref<128xi32, #tpu.memory_space<vmem>>
    %dma_start3A_113 = arith.constant 0 : i32
    %dma_start3A_114 = arith.constant 0 : i32
    %dma_start3A_115 = tpu.memref_slice %arg3[%dma_start3A_105, %dma_start3A_113, %dma_start3A_114] : memref<43x4096x8xf32, #tpu.memory_space<hbm>> -> memref<1x4096x8xf32, #tpu.memory_space<hbm>>
    %dma_start3A_116 = tpu.memref_squeeze %dma_start3A_115 : memref<1x4096x8xf32, #tpu.memory_space<hbm>> -> memref<4096x8xf32, #tpu.memory_space<hbm>>
    %dma_start3A_117 = arith.constant 0 : i32
    %dma_start3A_118 = arith.constant 0 : i32
    %dma_start3A_119 = tpu.memref_slice %dma_start3A_116[%dma_start3A_117, %dma_start3A_118] : memref<4096x8xf32, #tpu.memory_space<hbm>> -> memref<4096x8xf32, #tpu.memory_space<hbm>>
    tpu.enqueue_indirect_dma source(%dma_start3A_119 : memref<4096x8xf32, #tpu.memory_space<hbm>>) target(%dma_start3A_109 : memref<128x8xf32, #tpu.memory_space<vmem>>) offsets(%dma_start3A_112 : memref<128xi32, #tpu.memory_space<vmem>>) semaphore(%arg10 : memref<!tpu.dma_semaphore, #tpu.memory_space<semaphore_mem>>)
    %dma_start3A_120 = arith.constant 8 : i32
    %dma_start3A_121 = arith.constant 8 : i32
    %dma_start3A_122 = arith.constant 1024 : i32
    %dma_start3A_123 = arith.constant 0 : i32
    %dma_start3A_124 = tpu.memref_slice %arg7[%dma_start3A_122, %dma_start3A_123] : memref<5504x8xf32, #tpu.memory_space<vmem>> -> memref<128x8xf32, #tpu.memory_space<vmem>>
    %dma_start3A_125 = arith.constant 0 : i32
    %dma_start3A_126 = tpu.memref_slice %arg6[%dma_start3A_121, %dma_start3A_125] : memref<43x128xi32, #tpu.memory_space<vmem>> -> memref<1x128xi32, #tpu.memory_space<vmem>>
    %dma_start3A_127 = tpu.memref_squeeze %dma_start3A_126 : memref<1x128xi32, #tpu.memory_space<vmem>> -> memref<128xi32, #tpu.memory_space<vmem>>
    %dma_start3A_128 = arith.constant 0 : i32
    %dma_start3A_129 = arith.constant 0 : i32
    %dma_start3A_130 = tpu.memref_slice %arg3[%dma_start3A_120, %dma_start3A_128, %dma_start3A_129] : memref<43x4096x8xf32, #tpu.memory_space<hbm>> -> memref<1x4096x8xf32, #tpu.memory_space<hbm>>
    %dma_start3A_131 = tpu.memref_squeeze %dma_start3A_130 : memref<1x4096x8xf32, #tpu.memory_space<hbm>> -> memref<4096x8xf32, #tpu.memory_space<hbm>>
    %dma_start3A_132 = arith.constant 0 : i32
    %dma_start3A_133 = arith.constant 0 : i32
    %dma_start3A_134 = tpu.memref_slice %dma_start3A_131[%dma_start3A_132, %dma_start3A_133] : memref<4096x8xf32, #tpu.memory_space<hbm>> -> memref<4096x8xf32, #tpu.memory_space<hbm>>
    tpu.enqueue_indirect_dma source(%dma_start3A_134 : memref<4096x8xf32, #tpu.memory_space<hbm>>) target(%dma_start3A_124 : memref<128x8xf32, #tpu.memory_space<vmem>>) offsets(%dma_start3A_127 : memref<128xi32, #tpu.memory_space<vmem>>) semaphore(%arg10 : memref<!tpu.dma_semaphore, #tpu.memory_space<semaphore_mem>>)
    %dma_start3A_135 = arith.constant 9 : i32
    %dma_start3A_136 = arith.constant 9 : i32
    %dma_start3A_137 = arith.constant 1152 : i32
    %dma_start3A_138 = arith.constant 0 : i32
    %dma_start3A_139 = tpu.memref_slice %arg7[%dma_start3A_137, %dma_start3A_138] : memref<5504x8xf32, #tpu.memory_space<vmem>> -> memref<128x8xf32, #tpu.memory_space<vmem>>
    %dma_start3A_140 = arith.constant 0 : i32
    %dma_start3A_141 = tpu.memref_slice %arg6[%dma_start3A_136, %dma_start3A_140] : memref<43x128xi32, #tpu.memory_space<vmem>> -> memref<1x128xi32, #tpu.memory_space<vmem>>
    %dma_start3A_142 = tpu.memref_squeeze %dma_start3A_141 : memref<1x128xi32, #tpu.memory_space<vmem>> -> memref<128xi32, #tpu.memory_space<vmem>>
    %dma_start3A_143 = arith.constant 0 : i32
    %dma_start3A_144 = arith.constant 0 : i32
    %dma_start3A_145 = tpu.memref_slice %arg3[%dma_start3A_135, %dma_start3A_143, %dma_start3A_144] : memref<43x4096x8xf32, #tpu.memory_space<hbm>> -> memref<1x4096x8xf32, #tpu.memory_space<hbm>>
    %dma_start3A_146 = tpu.memref_squeeze %dma_start3A_145 : memref<1x4096x8xf32, #tpu.memory_space<hbm>> -> memref<4096x8xf32, #tpu.memory_space<hbm>>
    %dma_start3A_147 = arith.constant 0 : i32
    %dma_start3A_148 = arith.constant 0 : i32
    %dma_start3A_149 = tpu.memref_slice %dma_start3A_146[%dma_start3A_147, %dma_start3A_148] : memref<4096x8xf32, #tpu.memory_space<hbm>> -> memref<4096x8xf32, #tpu.memory_space<hbm>>
    tpu.enqueue_indirect_dma source(%dma_start3A_149 : memref<4096x8xf32, #tpu.memory_space<hbm>>) target(%dma_start3A_139 : memref<128x8xf32, #tpu.memory_space<vmem>>) offsets(%dma_start3A_142 : memref<128xi32, #tpu.memory_space<vmem>>) semaphore(%arg10 : memref<!tpu.dma_semaphore, #tpu.memory_space<semaphore_mem>>)
    %dma_start3A_150 = arith.constant 10 : i32
    %dma_start3A_151 = arith.constant 10 : i32
    %dma_start3A_152 = arith.constant 1280 : i32
    %dma_start3A_153 = arith.constant 0 : i32
    %dma_start3A_154 = tpu.memref_slice %arg7[%dma_start3A_152, %dma_start3A_153] : memref<5504x8xf32, #tpu.memory_space<vmem>> -> memref<128x8xf32, #tpu.memory_space<vmem>>
    %dma_start3A_155 = arith.constant 0 : i32
    %dma_start3A_156 = tpu.memref_slice %arg6[%dma_start3A_151, %dma_start3A_155] : memref<43x128xi32, #tpu.memory_space<vmem>> -> memref<1x128xi32, #tpu.memory_space<vmem>>
    %dma_start3A_157 = tpu.memref_squeeze %dma_start3A_156 : memref<1x128xi32, #tpu.memory_space<vmem>> -> memref<128xi32, #tpu.memory_space<vmem>>
    %dma_start3A_158 = arith.constant 0 : i32
    %dma_start3A_159 = arith.constant 0 : i32
    %dma_start3A_160 = tpu.memref_slice %arg3[%dma_start3A_150, %dma_start3A_158, %dma_start3A_159] : memref<43x4096x8xf32, #tpu.memory_space<hbm>> -> memref<1x4096x8xf32, #tpu.memory_space<hbm>>
    %dma_start3A_161 = tpu.memref_squeeze %dma_start3A_160 : memref<1x4096x8xf32, #tpu.memory_space<hbm>> -> memref<4096x8xf32, #tpu.memory_space<hbm>>
    %dma_start3A_162 = arith.constant 0 : i32
    %dma_start3A_163 = arith.constant 0 : i32
    %dma_start3A_164 = tpu.memref_slice %dma_start3A_161[%dma_start3A_162, %dma_start3A_163] : memref<4096x8xf32, #tpu.memory_space<hbm>> -> memref<4096x8xf32, #tpu.memory_space<hbm>>
    tpu.enqueue_indirect_dma source(%dma_start3A_164 : memref<4096x8xf32, #tpu.memory_space<hbm>>) target(%dma_start3A_154 : memref<128x8xf32, #tpu.memory_space<vmem>>) offsets(%dma_start3A_157 : memref<128xi32, #tpu.memory_space<vmem>>) semaphore(%arg10 : memref<!tpu.dma_semaphore, #tpu.memory_space<semaphore_mem>>)
    %dma_start3A_165 = arith.constant 11 : i32
    %dma_start3A_166 = arith.constant 11 : i32
    %dma_start3A_167 = arith.constant 1408 : i32
    %dma_start3A_168 = arith.constant 0 : i32
    %dma_start3A_169 = tpu.memref_slice %arg7[%dma_start3A_167, %dma_start3A_168] : memref<5504x8xf32, #tpu.memory_space<vmem>> -> memref<128x8xf32, #tpu.memory_space<vmem>>
    %dma_start3A_170 = arith.constant 0 : i32
    %dma_start3A_171 = tpu.memref_slice %arg6[%dma_start3A_166, %dma_start3A_170] : memref<43x128xi32, #tpu.memory_space<vmem>> -> memref<1x128xi32, #tpu.memory_space<vmem>>
    %dma_start3A_172 = tpu.memref_squeeze %dma_start3A_171 : memref<1x128xi32, #tpu.memory_space<vmem>> -> memref<128xi32, #tpu.memory_space<vmem>>
    %dma_start3A_173 = arith.constant 0 : i32
    %dma_start3A_174 = arith.constant 0 : i32
    %dma_start3A_175 = tpu.memref_slice %arg3[%dma_start3A_165, %dma_start3A_173, %dma_start3A_174] : memref<43x4096x8xf32, #tpu.memory_space<hbm>> -> memref<1x4096x8xf32, #tpu.memory_space<hbm>>
    %dma_start3A_176 = tpu.memref_squeeze %dma_start3A_175 : memref<1x4096x8xf32, #tpu.memory_space<hbm>> -> memref<4096x8xf32, #tpu.memory_space<hbm>>
    %dma_start3A_177 = arith.constant 0 : i32
    %dma_start3A_178 = arith.constant 0 : i32
    %dma_start3A_179 = tpu.memref_slice %dma_start3A_176[%dma_start3A_177, %dma_start3A_178] : memref<4096x8xf32, #tpu.memory_space<hbm>> -> memref<4096x8xf32, #tpu.memory_space<hbm>>
    tpu.enqueue_indirect_dma source(%dma_start3A_179 : memref<4096x8xf32, #tpu.memory_space<hbm>>) target(%dma_start3A_169 : memref<128x8xf32, #tpu.memory_space<vmem>>) offsets(%dma_start3A_172 : memref<128xi32, #tpu.memory_space<vmem>>) semaphore(%arg10 : memref<!tpu.dma_semaphore, #tpu.memory_space<semaphore_mem>>)
    %dma_start3A_180 = arith.constant 12 : i32
    %dma_start3A_181 = arith.constant 12 : i32
    %dma_start3A_182 = arith.constant 1536 : i32
    %dma_start3A_183 = arith.constant 0 : i32
    %dma_start3A_184 = tpu.memref_slice %arg7[%dma_start3A_182, %dma_start3A_183] : memref<5504x8xf32, #tpu.memory_space<vmem>> -> memref<128x8xf32, #tpu.memory_space<vmem>>
    %dma_start3A_185 = arith.constant 0 : i32
    %dma_start3A_186 = tpu.memref_slice %arg6[%dma_start3A_181, %dma_start3A_185] : memref<43x128xi32, #tpu.memory_space<vmem>> -> memref<1x128xi32, #tpu.memory_space<vmem>>
    %dma_start3A_187 = tpu.memref_squeeze %dma_start3A_186 : memref<1x128xi32, #tpu.memory_space<vmem>> -> memref<128xi32, #tpu.memory_space<vmem>>
    %dma_start3A_188 = arith.constant 0 : i32
    %dma_start3A_189 = arith.constant 0 : i32
    %dma_start3A_190 = tpu.memref_slice %arg3[%dma_start3A_180, %dma_start3A_188, %dma_start3A_189] : memref<43x4096x8xf32, #tpu.memory_space<hbm>> -> memref<1x4096x8xf32, #tpu.memory_space<hbm>>
    %dma_start3A_191 = tpu.memref_squeeze %dma_start3A_190 : memref<1x4096x8xf32, #tpu.memory_space<hbm>> -> memref<4096x8xf32, #tpu.memory_space<hbm>>
    %dma_start3A_192 = arith.constant 0 : i32
    %dma_start3A_193 = arith.constant 0 : i32
    %dma_start3A_194 = tpu.memref_slice %dma_start3A_191[%dma_start3A_192, %dma_start3A_193] : memref<4096x8xf32, #tpu.memory_space<hbm>> -> memref<4096x8xf32, #tpu.memory_space<hbm>>
    tpu.enqueue_indirect_dma source(%dma_start3A_194 : memref<4096x8xf32, #tpu.memory_space<hbm>>) target(%dma_start3A_184 : memref<128x8xf32, #tpu.memory_space<vmem>>) offsets(%dma_start3A_187 : memref<128xi32, #tpu.memory_space<vmem>>) semaphore(%arg10 : memref<!tpu.dma_semaphore, #tpu.memory_space<semaphore_mem>>)
    %dma_start3A_195 = arith.constant 13 : i32
    %dma_start3A_196 = arith.constant 13 : i32
    %dma_start3A_197 = arith.constant 1664 : i32
    %dma_start3A_198 = arith.constant 0 : i32
    %dma_start3A_199 = tpu.memref_slice %arg7[%dma_start3A_197, %dma_start3A_198] : memref<5504x8xf32, #tpu.memory_space<vmem>> -> memref<128x8xf32, #tpu.memory_space<vmem>>
    %dma_start3A_200 = arith.constant 0 : i32
    %dma_start3A_201 = tpu.memref_slice %arg6[%dma_start3A_196, %dma_start3A_200] : memref<43x128xi32, #tpu.memory_space<vmem>> -> memref<1x128xi32, #tpu.memory_space<vmem>>
    %dma_start3A_202 = tpu.memref_squeeze %dma_start3A_201 : memref<1x128xi32, #tpu.memory_space<vmem>> -> memref<128xi32, #tpu.memory_space<vmem>>
    %dma_start3A_203 = arith.constant 0 : i32
    %dma_start3A_204 = arith.constant 0 : i32
    %dma_start3A_205 = tpu.memref_slice %arg3[%dma_start3A_195, %dma_start3A_203, %dma_start3A_204] : memref<43x4096x8xf32, #tpu.memory_space<hbm>> -> memref<1x4096x8xf32, #tpu.memory_space<hbm>>
    %dma_start3A_206 = tpu.memref_squeeze %dma_start3A_205 : memref<1x4096x8xf32, #tpu.memory_space<hbm>> -> memref<4096x8xf32, #tpu.memory_space<hbm>>
    %dma_start3A_207 = arith.constant 0 : i32
    %dma_start3A_208 = arith.constant 0 : i32
    %dma_start3A_209 = tpu.memref_slice %dma_start3A_206[%dma_start3A_207, %dma_start3A_208] : memref<4096x8xf32, #tpu.memory_space<hbm>> -> memref<4096x8xf32, #tpu.memory_space<hbm>>
    tpu.enqueue_indirect_dma source(%dma_start3A_209 : memref<4096x8xf32, #tpu.memory_space<hbm>>) target(%dma_start3A_199 : memref<128x8xf32, #tpu.memory_space<vmem>>) offsets(%dma_start3A_202 : memref<128xi32, #tpu.memory_space<vmem>>) semaphore(%arg10 : memref<!tpu.dma_semaphore, #tpu.memory_space<semaphore_mem>>)
    %dma_start3A_210 = arith.constant 14 : i32
    %dma_start3A_211 = arith.constant 14 : i32
    %dma_start3A_212 = arith.constant 1792 : i32
    %dma_start3A_213 = arith.constant 0 : i32
    %dma_start3A_214 = tpu.memref_slice %arg7[%dma_start3A_212, %dma_start3A_213] : memref<5504x8xf32, #tpu.memory_space<vmem>> -> memref<128x8xf32, #tpu.memory_space<vmem>>
    %dma_start3A_215 = arith.constant 0 : i32
    %dma_start3A_216 = tpu.memref_slice %arg6[%dma_start3A_211, %dma_start3A_215] : memref<43x128xi32, #tpu.memory_space<vmem>> -> memref<1x128xi32, #tpu.memory_space<vmem>>
    %dma_start3A_217 = tpu.memref_squeeze %dma_start3A_216 : memref<1x128xi32, #tpu.memory_space<vmem>> -> memref<128xi32, #tpu.memory_space<vmem>>
    %dma_start3A_218 = arith.constant 0 : i32
    %dma_start3A_219 = arith.constant 0 : i32
    %dma_start3A_220 = tpu.memref_slice %arg3[%dma_start3A_210, %dma_start3A_218, %dma_start3A_219] : memref<43x4096x8xf32, #tpu.memory_space<hbm>> -> memref<1x4096x8xf32, #tpu.memory_space<hbm>>
    %dma_start3A_221 = tpu.memref_squeeze %dma_start3A_220 : memref<1x4096x8xf32, #tpu.memory_space<hbm>> -> memref<4096x8xf32, #tpu.memory_space<hbm>>
    %dma_start3A_222 = arith.constant 0 : i32
    %dma_start3A_223 = arith.constant 0 : i32
    %dma_start3A_224 = tpu.memref_slice %dma_start3A_221[%dma_start3A_222, %dma_start3A_223] : memref<4096x8xf32, #tpu.memory_space<hbm>> -> memref<4096x8xf32, #tpu.memory_space<hbm>>
    tpu.enqueue_indirect_dma source(%dma_start3A_224 : memref<4096x8xf32, #tpu.memory_space<hbm>>) target(%dma_start3A_214 : memref<128x8xf32, #tpu.memory_space<vmem>>) offsets(%dma_start3A_217 : memref<128xi32, #tpu.memory_space<vmem>>) semaphore(%arg10 : memref<!tpu.dma_semaphore, #tpu.memory_space<semaphore_mem>>)
    %dma_start3A_225 = arith.constant 15 : i32
    %dma_start3A_226 = arith.constant 15 : i32
    %dma_start3A_227 = arith.constant 1920 : i32
    %dma_start3A_228 = arith.constant 0 : i32
    %dma_start3A_229 = tpu.memref_slice %arg7[%dma_start3A_227, %dma_start3A_228] : memref<5504x8xf32, #tpu.memory_space<vmem>> -> memref<128x8xf32, #tpu.memory_space<vmem>>
    %dma_start3A_230 = arith.constant 0 : i32
    %dma_start3A_231 = tpu.memref_slice %arg6[%dma_start3A_226, %dma_start3A_230] : memref<43x128xi32, #tpu.memory_space<vmem>> -> memref<1x128xi32, #tpu.memory_space<vmem>>
    %dma_start3A_232 = tpu.memref_squeeze %dma_start3A_231 : memref<1x128xi32, #tpu.memory_space<vmem>> -> memref<128xi32, #tpu.memory_space<vmem>>
    %dma_start3A_233 = arith.constant 0 : i32
    %dma_start3A_234 = arith.constant 0 : i32
    %dma_start3A_235 = tpu.memref_slice %arg3[%dma_start3A_225, %dma_start3A_233, %dma_start3A_234] : memref<43x4096x8xf32, #tpu.memory_space<hbm>> -> memref<1x4096x8xf32, #tpu.memory_space<hbm>>
    %dma_start3A_236 = tpu.memref_squeeze %dma_start3A_235 : memref<1x4096x8xf32, #tpu.memory_space<hbm>> -> memref<4096x8xf32, #tpu.memory_space<hbm>>
    %dma_start3A_237 = arith.constant 0 : i32
    %dma_start3A_238 = arith.constant 0 : i32
    %dma_start3A_239 = tpu.memref_slice %dma_start3A_236[%dma_start3A_237, %dma_start3A_238] : memref<4096x8xf32, #tpu.memory_space<hbm>> -> memref<4096x8xf32, #tpu.memory_space<hbm>>
    tpu.enqueue_indirect_dma source(%dma_start3A_239 : memref<4096x8xf32, #tpu.memory_space<hbm>>) target(%dma_start3A_229 : memref<128x8xf32, #tpu.memory_space<vmem>>) offsets(%dma_start3A_232 : memref<128xi32, #tpu.memory_space<vmem>>) semaphore(%arg10 : memref<!tpu.dma_semaphore, #tpu.memory_space<semaphore_mem>>)
    %dma_start3A_240 = arith.constant 16 : i32
    %dma_start3A_241 = arith.constant 16 : i32
    %dma_start3A_242 = arith.constant 2048 : i32
    %dma_start3A_243 = arith.constant 0 : i32
    %dma_start3A_244 = tpu.memref_slice %arg7[%dma_start3A_242, %dma_start3A_243] : memref<5504x8xf32, #tpu.memory_space<vmem>> -> memref<128x8xf32, #tpu.memory_space<vmem>>
    %dma_start3A_245 = arith.constant 0 : i32
    %dma_start3A_246 = tpu.memref_slice %arg6[%dma_start3A_241, %dma_start3A_245] : memref<43x128xi32, #tpu.memory_space<vmem>> -> memref<1x128xi32, #tpu.memory_space<vmem>>
    %dma_start3A_247 = tpu.memref_squeeze %dma_start3A_246 : memref<1x128xi32, #tpu.memory_space<vmem>> -> memref<128xi32, #tpu.memory_space<vmem>>
    %dma_start3A_248 = arith.constant 0 : i32
    %dma_start3A_249 = arith.constant 0 : i32
    %dma_start3A_250 = tpu.memref_slice %arg3[%dma_start3A_240, %dma_start3A_248, %dma_start3A_249] : memref<43x4096x8xf32, #tpu.memory_space<hbm>> -> memref<1x4096x8xf32, #tpu.memory_space<hbm>>
    %dma_start3A_251 = tpu.memref_squeeze %dma_start3A_250 : memref<1x4096x8xf32, #tpu.memory_space<hbm>> -> memref<4096x8xf32, #tpu.memory_space<hbm>>
    %dma_start3A_252 = arith.constant 0 : i32
    %dma_start3A_253 = arith.constant 0 : i32
    %dma_start3A_254 = tpu.memref_slice %dma_start3A_251[%dma_start3A_252, %dma_start3A_253] : memref<4096x8xf32, #tpu.memory_space<hbm>> -> memref<4096x8xf32, #tpu.memory_space<hbm>>
    tpu.enqueue_indirect_dma source(%dma_start3A_254 : memref<4096x8xf32, #tpu.memory_space<hbm>>) target(%dma_start3A_244 : memref<128x8xf32, #tpu.memory_space<vmem>>) offsets(%dma_start3A_247 : memref<128xi32, #tpu.memory_space<vmem>>) semaphore(%arg10 : memref<!tpu.dma_semaphore, #tpu.memory_space<semaphore_mem>>)
    %dma_start3A_255 = arith.constant 17 : i32
    %dma_start3A_256 = arith.constant 17 : i32
    %dma_start3A_257 = arith.constant 2176 : i32
    %dma_start3A_258 = arith.constant 0 : i32
    %dma_start3A_259 = tpu.memref_slice %arg7[%dma_start3A_257, %dma_start3A_258] : memref<5504x8xf32, #tpu.memory_space<vmem>> -> memref<128x8xf32, #tpu.memory_space<vmem>>
    %dma_start3A_260 = arith.constant 0 : i32
    %dma_start3A_261 = tpu.memref_slice %arg6[%dma_start3A_256, %dma_start3A_260] : memref<43x128xi32, #tpu.memory_space<vmem>> -> memref<1x128xi32, #tpu.memory_space<vmem>>
    %dma_start3A_262 = tpu.memref_squeeze %dma_start3A_261 : memref<1x128xi32, #tpu.memory_space<vmem>> -> memref<128xi32, #tpu.memory_space<vmem>>
    %dma_start3A_263 = arith.constant 0 : i32
    %dma_start3A_264 = arith.constant 0 : i32
    %dma_start3A_265 = tpu.memref_slice %arg3[%dma_start3A_255, %dma_start3A_263, %dma_start3A_264] : memref<43x4096x8xf32, #tpu.memory_space<hbm>> -> memref<1x4096x8xf32, #tpu.memory_space<hbm>>
    %dma_start3A_266 = tpu.memref_squeeze %dma_start3A_265 : memref<1x4096x8xf32, #tpu.memory_space<hbm>> -> memref<4096x8xf32, #tpu.memory_space<hbm>>
    %dma_start3A_267 = arith.constant 0 : i32
    %dma_start3A_268 = arith.constant 0 : i32
    %dma_start3A_269 = tpu.memref_slice %dma_start3A_266[%dma_start3A_267, %dma_start3A_268] : memref<4096x8xf32, #tpu.memory_space<hbm>> -> memref<4096x8xf32, #tpu.memory_space<hbm>>
    tpu.enqueue_indirect_dma source(%dma_start3A_269 : memref<4096x8xf32, #tpu.memory_space<hbm>>) target(%dma_start3A_259 : memref<128x8xf32, #tpu.memory_space<vmem>>) offsets(%dma_start3A_262 : memref<128xi32, #tpu.memory_space<vmem>>) semaphore(%arg10 : memref<!tpu.dma_semaphore, #tpu.memory_space<semaphore_mem>>)
    %dma_start3A_270 = arith.constant 18 : i32
    %dma_start3A_271 = arith.constant 18 : i32
    %dma_start3A_272 = arith.constant 2304 : i32
    %dma_start3A_273 = arith.constant 0 : i32
    %dma_start3A_274 = tpu.memref_slice %arg7[%dma_start3A_272, %dma_start3A_273] : memref<5504x8xf32, #tpu.memory_space<vmem>> -> memref<128x8xf32, #tpu.memory_space<vmem>>
    %dma_start3A_275 = arith.constant 0 : i32
    %dma_start3A_276 = tpu.memref_slice %arg6[%dma_start3A_271, %dma_start3A_275] : memref<43x128xi32, #tpu.memory_space<vmem>> -> memref<1x128xi32, #tpu.memory_space<vmem>>
    %dma_start3A_277 = tpu.memref_squeeze %dma_start3A_276 : memref<1x128xi32, #tpu.memory_space<vmem>> -> memref<128xi32, #tpu.memory_space<vmem>>
    %dma_start3A_278 = arith.constant 0 : i32
    %dma_start3A_279 = arith.constant 0 : i32
    %dma_start3A_280 = tpu.memref_slice %arg3[%dma_start3A_270, %dma_start3A_278, %dma_start3A_279] : memref<43x4096x8xf32, #tpu.memory_space<hbm>> -> memref<1x4096x8xf32, #tpu.memory_space<hbm>>
    %dma_start3A_281 = tpu.memref_squeeze %dma_start3A_280 : memref<1x4096x8xf32, #tpu.memory_space<hbm>> -> memref<4096x8xf32, #tpu.memory_space<hbm>>
    %dma_start3A_282 = arith.constant 0 : i32
    %dma_start3A_283 = arith.constant 0 : i32
    %dma_start3A_284 = tpu.memref_slice %dma_start3A_281[%dma_start3A_282, %dma_start3A_283] : memref<4096x8xf32, #tpu.memory_space<hbm>> -> memref<4096x8xf32, #tpu.memory_space<hbm>>
    tpu.enqueue_indirect_dma source(%dma_start3A_284 : memref<4096x8xf32, #tpu.memory_space<hbm>>) target(%dma_start3A_274 : memref<128x8xf32, #tpu.memory_space<vmem>>) offsets(%dma_start3A_277 : memref<128xi32, #tpu.memory_space<vmem>>) semaphore(%arg10 : memref<!tpu.dma_semaphore, #tpu.memory_space<semaphore_mem>>)
    %dma_start3A_285 = arith.constant 19 : i32
    %dma_start3A_286 = arith.constant 19 : i32
    %dma_start3A_287 = arith.constant 2432 : i32
    %dma_start3A_288 = arith.constant 0 : i32
    %dma_start3A_289 = tpu.memref_slice %arg7[%dma_start3A_287, %dma_start3A_288] : memref<5504x8xf32, #tpu.memory_space<vmem>> -> memref<128x8xf32, #tpu.memory_space<vmem>>
    %dma_start3A_290 = arith.constant 0 : i32
    %dma_start3A_291 = tpu.memref_slice %arg6[%dma_start3A_286, %dma_start3A_290] : memref<43x128xi32, #tpu.memory_space<vmem>> -> memref<1x128xi32, #tpu.memory_space<vmem>>
    %dma_start3A_292 = tpu.memref_squeeze %dma_start3A_291 : memref<1x128xi32, #tpu.memory_space<vmem>> -> memref<128xi32, #tpu.memory_space<vmem>>
    %dma_start3A_293 = arith.constant 0 : i32
    %dma_start3A_294 = arith.constant 0 : i32
    %dma_start3A_295 = tpu.memref_slice %arg3[%dma_start3A_285, %dma_start3A_293, %dma_start3A_294] : memref<43x4096x8xf32, #tpu.memory_space<hbm>> -> memref<1x4096x8xf32, #tpu.memory_space<hbm>>
    %dma_start3A_296 = tpu.memref_squeeze %dma_start3A_295 : memref<1x4096x8xf32, #tpu.memory_space<hbm>> -> memref<4096x8xf32, #tpu.memory_space<hbm>>
    %dma_start3A_297 = arith.constant 0 : i32
    %dma_start3A_298 = arith.constant 0 : i32
    %dma_start3A_299 = tpu.memref_slice %dma_start3A_296[%dma_start3A_297, %dma_start3A_298] : memref<4096x8xf32, #tpu.memory_space<hbm>> -> memref<4096x8xf32, #tpu.memory_space<hbm>>
    tpu.enqueue_indirect_dma source(%dma_start3A_299 : memref<4096x8xf32, #tpu.memory_space<hbm>>) target(%dma_start3A_289 : memref<128x8xf32, #tpu.memory_space<vmem>>) offsets(%dma_start3A_292 : memref<128xi32, #tpu.memory_space<vmem>>) semaphore(%arg10 : memref<!tpu.dma_semaphore, #tpu.memory_space<semaphore_mem>>)
    %dma_start3A_300 = arith.constant 20 : i32
    %dma_start3A_301 = arith.constant 20 : i32
    %dma_start3A_302 = arith.constant 2560 : i32
    %dma_start3A_303 = arith.constant 0 : i32
    %dma_start3A_304 = tpu.memref_slice %arg7[%dma_start3A_302, %dma_start3A_303] : memref<5504x8xf32, #tpu.memory_space<vmem>> -> memref<128x8xf32, #tpu.memory_space<vmem>>
    %dma_start3A_305 = arith.constant 0 : i32
    %dma_start3A_306 = tpu.memref_slice %arg6[%dma_start3A_301, %dma_start3A_305] : memref<43x128xi32, #tpu.memory_space<vmem>> -> memref<1x128xi32, #tpu.memory_space<vmem>>
    %dma_start3A_307 = tpu.memref_squeeze %dma_start3A_306 : memref<1x128xi32, #tpu.memory_space<vmem>> -> memref<128xi32, #tpu.memory_space<vmem>>
    %dma_start3A_308 = arith.constant 0 : i32
    %dma_start3A_309 = arith.constant 0 : i32
    %dma_start3A_310 = tpu.memref_slice %arg3[%dma_start3A_300, %dma_start3A_308, %dma_start3A_309] : memref<43x4096x8xf32, #tpu.memory_space<hbm>> -> memref<1x4096x8xf32, #tpu.memory_space<hbm>>
    %dma_start3A_311 = tpu.memref_squeeze %dma_start3A_310 : memref<1x4096x8xf32, #tpu.memory_space<hbm>> -> memref<4096x8xf32, #tpu.memory_space<hbm>>
    %dma_start3A_312 = arith.constant 0 : i32
    %dma_start3A_313 = arith.constant 0 : i32
    %dma_start3A_314 = tpu.memref_slice %dma_start3A_311[%dma_start3A_312, %dma_start3A_313] : memref<4096x8xf32, #tpu.memory_space<hbm>> -> memref<4096x8xf32, #tpu.memory_space<hbm>>
    tpu.enqueue_indirect_dma source(%dma_start3A_314 : memref<4096x8xf32, #tpu.memory_space<hbm>>) target(%dma_start3A_304 : memref<128x8xf32, #tpu.memory_space<vmem>>) offsets(%dma_start3A_307 : memref<128xi32, #tpu.memory_space<vmem>>) semaphore(%arg10 : memref<!tpu.dma_semaphore, #tpu.memory_space<semaphore_mem>>)
    %dma_start3A_315 = arith.constant 21 : i32
    %dma_start3A_316 = arith.constant 21 : i32
    %dma_start3A_317 = arith.constant 2688 : i32
    %dma_start3A_318 = arith.constant 0 : i32
    %dma_start3A_319 = tpu.memref_slice %arg7[%dma_start3A_317, %dma_start3A_318] : memref<5504x8xf32, #tpu.memory_space<vmem>> -> memref<128x8xf32, #tpu.memory_space<vmem>>
    %dma_start3A_320 = arith.constant 0 : i32
    %dma_start3A_321 = tpu.memref_slice %arg6[%dma_start3A_316, %dma_start3A_320] : memref<43x128xi32, #tpu.memory_space<vmem>> -> memref<1x128xi32, #tpu.memory_space<vmem>>
    %dma_start3A_322 = tpu.memref_squeeze %dma_start3A_321 : memref<1x128xi32, #tpu.memory_space<vmem>> -> memref<128xi32, #tpu.memory_space<vmem>>
    %dma_start3A_323 = arith.constant 0 : i32
    %dma_start3A_324 = arith.constant 0 : i32
    %dma_start3A_325 = tpu.memref_slice %arg3[%dma_start3A_315, %dma_start3A_323, %dma_start3A_324] : memref<43x4096x8xf32, #tpu.memory_space<hbm>> -> memref<1x4096x8xf32, #tpu.memory_space<hbm>>
    %dma_start3A_326 = tpu.memref_squeeze %dma_start3A_325 : memref<1x4096x8xf32, #tpu.memory_space<hbm>> -> memref<4096x8xf32, #tpu.memory_space<hbm>>
    %dma_start3A_327 = arith.constant 0 : i32
    %dma_start3A_328 = arith.constant 0 : i32
    %dma_start3A_329 = tpu.memref_slice %dma_start3A_326[%dma_start3A_327, %dma_start3A_328] : memref<4096x8xf32, #tpu.memory_space<hbm>> -> memref<4096x8xf32, #tpu.memory_space<hbm>>
    tpu.enqueue_indirect_dma source(%dma_start3A_329 : memref<4096x8xf32, #tpu.memory_space<hbm>>) target(%dma_start3A_319 : memref<128x8xf32, #tpu.memory_space<vmem>>) offsets(%dma_start3A_322 : memref<128xi32, #tpu.memory_space<vmem>>) semaphore(%arg10 : memref<!tpu.dma_semaphore, #tpu.memory_space<semaphore_mem>>)
    %dma_wait3A = arith.constant 0 : i32
    %dma_wait3A_330 = arith.constant 0 : i32
    %dma_wait3A_331 = arith.constant 0 : i32
    %dma_wait3A_332 = arith.constant 0 : i32
    %dma_wait3A_333 = tpu.memref_slice %arg7[%dma_wait3A_331, %dma_wait3A_332] : memref<5504x8xf32, #tpu.memory_space<vmem>> -> memref<128x8xf32, #tpu.memory_space<vmem>>
    %dma_wait3A_334 = arith.constant 0 : i32
    %dma_wait3A_335 = tpu.memref_slice %arg6[%dma_wait3A_330, %dma_wait3A_334] : memref<43x128xi32, #tpu.memory_space<vmem>> -> memref<1x128xi32, #tpu.memory_space<vmem>>
    %dma_wait3A_336 = tpu.memref_squeeze %dma_wait3A_335 : memref<1x128xi32, #tpu.memory_space<vmem>> -> memref<128xi32, #tpu.memory_space<vmem>>
    %dma_wait3A_337 = arith.constant 0 : i32
    %dma_wait3A_338 = arith.constant 0 : i32
    %dma_wait3A_339 = tpu.memref_slice %arg3[%dma_wait3A, %dma_wait3A_337, %dma_wait3A_338] : memref<43x4096x8xf32, #tpu.memory_space<hbm>> -> memref<1x4096x8xf32, #tpu.memory_space<hbm>>
    %dma_wait3A_340 = tpu.memref_squeeze %dma_wait3A_339 : memref<1x4096x8xf32, #tpu.memory_space<hbm>> -> memref<4096x8xf32, #tpu.memory_space<hbm>>
    %dma_wait3A_341 = arith.constant 0 : i32
    %dma_wait3A_342 = arith.constant 0 : i32
    %dma_wait3A_343 = tpu.memref_slice %dma_wait3A_340[%dma_wait3A_341, %dma_wait3A_342] : memref<4096x8xf32, #tpu.memory_space<hbm>> -> memref<4096x8xf32, #tpu.memory_space<hbm>>
    tpu.wait_indirect_dma semaphore(%arg10 : memref<!tpu.dma_semaphore, #tpu.memory_space<semaphore_mem>>) src(%dma_wait3A_343 : memref<4096x8xf32, #tpu.memory_space<hbm>>) dst(%dma_wait3A_333 : memref<128x8xf32, #tpu.memory_space<vmem>>)
    %dma_wait3A_344 = arith.constant 1 : i32
    %dma_wait3A_345 = arith.constant 1 : i32
    %dma_wait3A_346 = arith.constant 128 : i32
    %dma_wait3A_347 = arith.constant 0 : i32
    %dma_wait3A_348 = tpu.memref_slice %arg7[%dma_wait3A_346, %dma_wait3A_347] : memref<5504x8xf32, #tpu.memory_space<vmem>> -> memref<128x8xf32, #tpu.memory_space<vmem>>
    %dma_wait3A_349 = arith.constant 0 : i32
    %dma_wait3A_350 = tpu.memref_slice %arg6[%dma_wait3A_345, %dma_wait3A_349] : memref<43x128xi32, #tpu.memory_space<vmem>> -> memref<1x128xi32, #tpu.memory_space<vmem>>
    %dma_wait3A_351 = tpu.memref_squeeze %dma_wait3A_350 : memref<1x128xi32, #tpu.memory_space<vmem>> -> memref<128xi32, #tpu.memory_space<vmem>>
    %dma_wait3A_352 = arith.constant 0 : i32
    %dma_wait3A_353 = arith.constant 0 : i32
    %dma_wait3A_354 = tpu.memref_slice %arg3[%dma_wait3A_344, %dma_wait3A_352, %dma_wait3A_353] : memref<43x4096x8xf32, #tpu.memory_space<hbm>> -> memref<1x4096x8xf32, #tpu.memory_space<hbm>>
    %dma_wait3A_355 = tpu.memref_squeeze %dma_wait3A_354 : memref<1x4096x8xf32, #tpu.memory_space<hbm>> -> memref<4096x8xf32, #tpu.memory_space<hbm>>
    %dma_wait3A_356 = arith.constant 0 : i32
    %dma_wait3A_357 = arith.constant 0 : i32
    %dma_wait3A_358 = tpu.memref_slice %dma_wait3A_355[%dma_wait3A_356, %dma_wait3A_357] : memref<4096x8xf32, #tpu.memory_space<hbm>> -> memref<4096x8xf32, #tpu.memory_space<hbm>>
    tpu.wait_indirect_dma semaphore(%arg10 : memref<!tpu.dma_semaphore, #tpu.memory_space<semaphore_mem>>) src(%dma_wait3A_358 : memref<4096x8xf32, #tpu.memory_space<hbm>>) dst(%dma_wait3A_348 : memref<128x8xf32, #tpu.memory_space<vmem>>)
    %dma_wait3A_359 = arith.constant 2 : i32
    %dma_wait3A_360 = arith.constant 2 : i32
    %dma_wait3A_361 = arith.constant 256 : i32
    %dma_wait3A_362 = arith.constant 0 : i32
    %dma_wait3A_363 = tpu.memref_slice %arg7[%dma_wait3A_361, %dma_wait3A_362] : memref<5504x8xf32, #tpu.memory_space<vmem>> -> memref<128x8xf32, #tpu.memory_space<vmem>>
    %dma_wait3A_364 = arith.constant 0 : i32
    %dma_wait3A_365 = tpu.memref_slice %arg6[%dma_wait3A_360, %dma_wait3A_364] : memref<43x128xi32, #tpu.memory_space<vmem>> -> memref<1x128xi32, #tpu.memory_space<vmem>>
    %dma_wait3A_366 = tpu.memref_squeeze %dma_wait3A_365 : memref<1x128xi32, #tpu.memory_space<vmem>> -> memref<128xi32, #tpu.memory_space<vmem>>
    %dma_wait3A_367 = arith.constant 0 : i32
    %dma_wait3A_368 = arith.constant 0 : i32
    %dma_wait3A_369 = tpu.memref_slice %arg3[%dma_wait3A_359, %dma_wait3A_367, %dma_wait3A_368] : memref<43x4096x8xf32, #tpu.memory_space<hbm>> -> memref<1x4096x8xf32, #tpu.memory_space<hbm>>
    %dma_wait3A_370 = tpu.memref_squeeze %dma_wait3A_369 : memref<1x4096x8xf32, #tpu.memory_space<hbm>> -> memref<4096x8xf32, #tpu.memory_space<hbm>>
    %dma_wait3A_371 = arith.constant 0 : i32
    %dma_wait3A_372 = arith.constant 0 : i32
    %dma_wait3A_373 = tpu.memref_slice %dma_wait3A_370[%dma_wait3A_371, %dma_wait3A_372] : memref<4096x8xf32, #tpu.memory_space<hbm>> -> memref<4096x8xf32, #tpu.memory_space<hbm>>
    tpu.wait_indirect_dma semaphore(%arg10 : memref<!tpu.dma_semaphore, #tpu.memory_space<semaphore_mem>>) src(%dma_wait3A_373 : memref<4096x8xf32, #tpu.memory_space<hbm>>) dst(%dma_wait3A_363 : memref<128x8xf32, #tpu.memory_space<vmem>>)
    %dma_wait3A_374 = arith.constant 3 : i32
    %dma_wait3A_375 = arith.constant 3 : i32
    %dma_wait3A_376 = arith.constant 384 : i32
    %dma_wait3A_377 = arith.constant 0 : i32
    %dma_wait3A_378 = tpu.memref_slice %arg7[%dma_wait3A_376, %dma_wait3A_377] : memref<5504x8xf32, #tpu.memory_space<vmem>> -> memref<128x8xf32, #tpu.memory_space<vmem>>
    %dma_wait3A_379 = arith.constant 0 : i32
    %dma_wait3A_380 = tpu.memref_slice %arg6[%dma_wait3A_375, %dma_wait3A_379] : memref<43x128xi32, #tpu.memory_space<vmem>> -> memref<1x128xi32, #tpu.memory_space<vmem>>
    %dma_wait3A_381 = tpu.memref_squeeze %dma_wait3A_380 : memref<1x128xi32, #tpu.memory_space<vmem>> -> memref<128xi32, #tpu.memory_space<vmem>>
    %dma_wait3A_382 = arith.constant 0 : i32
    %dma_wait3A_383 = arith.constant 0 : i32
    %dma_wait3A_384 = tpu.memref_slice %arg3[%dma_wait3A_374, %dma_wait3A_382, %dma_wait3A_383] : memref<43x4096x8xf32, #tpu.memory_space<hbm>> -> memref<1x4096x8xf32, #tpu.memory_space<hbm>>
    %dma_wait3A_385 = tpu.memref_squeeze %dma_wait3A_384 : memref<1x4096x8xf32, #tpu.memory_space<hbm>> -> memref<4096x8xf32, #tpu.memory_space<hbm>>
    %dma_wait3A_386 = arith.constant 0 : i32
    %dma_wait3A_387 = arith.constant 0 : i32
    %dma_wait3A_388 = tpu.memref_slice %dma_wait3A_385[%dma_wait3A_386, %dma_wait3A_387] : memref<4096x8xf32, #tpu.memory_space<hbm>> -> memref<4096x8xf32, #tpu.memory_space<hbm>>
    tpu.wait_indirect_dma semaphore(%arg10 : memref<!tpu.dma_semaphore, #tpu.memory_space<semaphore_mem>>) src(%dma_wait3A_388 : memref<4096x8xf32, #tpu.memory_space<hbm>>) dst(%dma_wait3A_378 : memref<128x8xf32, #tpu.memory_space<vmem>>)
    %dma_wait3A_389 = arith.constant 4 : i32
    %dma_wait3A_390 = arith.constant 4 : i32
    %dma_wait3A_391 = arith.constant 512 : i32
    %dma_wait3A_392 = arith.constant 0 : i32
    %dma_wait3A_393 = tpu.memref_slice %arg7[%dma_wait3A_391, %dma_wait3A_392] : memref<5504x8xf32, #tpu.memory_space<vmem>> -> memref<128x8xf32, #tpu.memory_space<vmem>>
    %dma_wait3A_394 = arith.constant 0 : i32
    %dma_wait3A_395 = tpu.memref_slice %arg6[%dma_wait3A_390, %dma_wait3A_394] : memref<43x128xi32, #tpu.memory_space<vmem>> -> memref<1x128xi32, #tpu.memory_space<vmem>>
    %dma_wait3A_396 = tpu.memref_squeeze %dma_wait3A_395 : memref<1x128xi32, #tpu.memory_space<vmem>> -> memref<128xi32, #tpu.memory_space<vmem>>
    %dma_wait3A_397 = arith.constant 0 : i32
    %dma_wait3A_398 = arith.constant 0 : i32
    %dma_wait3A_399 = tpu.memref_slice %arg3[%dma_wait3A_389, %dma_wait3A_397, %dma_wait3A_398] : memref<43x4096x8xf32, #tpu.memory_space<hbm>> -> memref<1x4096x8xf32, #tpu.memory_space<hbm>>
    %dma_wait3A_400 = tpu.memref_squeeze %dma_wait3A_399 : memref<1x4096x8xf32, #tpu.memory_space<hbm>> -> memref<4096x8xf32, #tpu.memory_space<hbm>>
    %dma_wait3A_401 = arith.constant 0 : i32
    %dma_wait3A_402 = arith.constant 0 : i32
    %dma_wait3A_403 = tpu.memref_slice %dma_wait3A_400[%dma_wait3A_401, %dma_wait3A_402] : memref<4096x8xf32, #tpu.memory_space<hbm>> -> memref<4096x8xf32, #tpu.memory_space<hbm>>
    tpu.wait_indirect_dma semaphore(%arg10 : memref<!tpu.dma_semaphore, #tpu.memory_space<semaphore_mem>>) src(%dma_wait3A_403 : memref<4096x8xf32, #tpu.memory_space<hbm>>) dst(%dma_wait3A_393 : memref<128x8xf32, #tpu.memory_space<vmem>>)
    %dma_wait3A_404 = arith.constant 5 : i32
    %dma_wait3A_405 = arith.constant 5 : i32
    %dma_wait3A_406 = arith.constant 640 : i32
    %dma_wait3A_407 = arith.constant 0 : i32
    %dma_wait3A_408 = tpu.memref_slice %arg7[%dma_wait3A_406, %dma_wait3A_407] : memref<5504x8xf32, #tpu.memory_space<vmem>> -> memref<128x8xf32, #tpu.memory_space<vmem>>
    %dma_wait3A_409 = arith.constant 0 : i32
    %dma_wait3A_410 = tpu.memref_slice %arg6[%dma_wait3A_405, %dma_wait3A_409] : memref<43x128xi32, #tpu.memory_space<vmem>> -> memref<1x128xi32, #tpu.memory_space<vmem>>
    %dma_wait3A_411 = tpu.memref_squeeze %dma_wait3A_410 : memref<1x128xi32, #tpu.memory_space<vmem>> -> memref<128xi32, #tpu.memory_space<vmem>>
    %dma_wait3A_412 = arith.constant 0 : i32
    %dma_wait3A_413 = arith.constant 0 : i32
    %dma_wait3A_414 = tpu.memref_slice %arg3[%dma_wait3A_404, %dma_wait3A_412, %dma_wait3A_413] : memref<43x4096x8xf32, #tpu.memory_space<hbm>> -> memref<1x4096x8xf32, #tpu.memory_space<hbm>>
    %dma_wait3A_415 = tpu.memref_squeeze %dma_wait3A_414 : memref<1x4096x8xf32, #tpu.memory_space<hbm>> -> memref<4096x8xf32, #tpu.memory_space<hbm>>
    %dma_wait3A_416 = arith.constant 0 : i32
    %dma_wait3A_417 = arith.constant 0 : i32
    %dma_wait3A_418 = tpu.memref_slice %dma_wait3A_415[%dma_wait3A_416, %dma_wait3A_417] : memref<4096x8xf32, #tpu.memory_space<hbm>> -> memref<4096x8xf32, #tpu.memory_space<hbm>>
    tpu.wait_indirect_dma semaphore(%arg10 : memref<!tpu.dma_semaphore, #tpu.memory_space<semaphore_mem>>) src(%dma_wait3A_418 : memref<4096x8xf32, #tpu.memory_space<hbm>>) dst(%dma_wait3A_408 : memref<128x8xf32, #tpu.memory_space<vmem>>)
    %dma_wait3A_419 = arith.constant 6 : i32
    %dma_wait3A_420 = arith.constant 6 : i32
    %dma_wait3A_421 = arith.constant 768 : i32
    %dma_wait3A_422 = arith.constant 0 : i32
    %dma_wait3A_423 = tpu.memref_slice %arg7[%dma_wait3A_421, %dma_wait3A_422] : memref<5504x8xf32, #tpu.memory_space<vmem>> -> memref<128x8xf32, #tpu.memory_space<vmem>>
    %dma_wait3A_424 = arith.constant 0 : i32
    %dma_wait3A_425 = tpu.memref_slice %arg6[%dma_wait3A_420, %dma_wait3A_424] : memref<43x128xi32, #tpu.memory_space<vmem>> -> memref<1x128xi32, #tpu.memory_space<vmem>>
    %dma_wait3A_426 = tpu.memref_squeeze %dma_wait3A_425 : memref<1x128xi32, #tpu.memory_space<vmem>> -> memref<128xi32, #tpu.memory_space<vmem>>
    %dma_wait3A_427 = arith.constant 0 : i32
    %dma_wait3A_428 = arith.constant 0 : i32
    %dma_wait3A_429 = tpu.memref_slice %arg3[%dma_wait3A_419, %dma_wait3A_427, %dma_wait3A_428] : memref<43x4096x8xf32, #tpu.memory_space<hbm>> -> memref<1x4096x8xf32, #tpu.memory_space<hbm>>
    %dma_wait3A_430 = tpu.memref_squeeze %dma_wait3A_429 : memref<1x4096x8xf32, #tpu.memory_space<hbm>> -> memref<4096x8xf32, #tpu.memory_space<hbm>>
    %dma_wait3A_431 = arith.constant 0 : i32
    %dma_wait3A_432 = arith.constant 0 : i32
    %dma_wait3A_433 = tpu.memref_slice %dma_wait3A_430[%dma_wait3A_431, %dma_wait3A_432] : memref<4096x8xf32, #tpu.memory_space<hbm>> -> memref<4096x8xf32, #tpu.memory_space<hbm>>
    tpu.wait_indirect_dma semaphore(%arg10 : memref<!tpu.dma_semaphore, #tpu.memory_space<semaphore_mem>>) src(%dma_wait3A_433 : memref<4096x8xf32, #tpu.memory_space<hbm>>) dst(%dma_wait3A_423 : memref<128x8xf32, #tpu.memory_space<vmem>>)
    %dma_wait3A_434 = arith.constant 7 : i32
    %dma_wait3A_435 = arith.constant 7 : i32
    %dma_wait3A_436 = arith.constant 896 : i32
    %dma_wait3A_437 = arith.constant 0 : i32
    %dma_wait3A_438 = tpu.memref_slice %arg7[%dma_wait3A_436, %dma_wait3A_437] : memref<5504x8xf32, #tpu.memory_space<vmem>> -> memref<128x8xf32, #tpu.memory_space<vmem>>
    %dma_wait3A_439 = arith.constant 0 : i32
    %dma_wait3A_440 = tpu.memref_slice %arg6[%dma_wait3A_435, %dma_wait3A_439] : memref<43x128xi32, #tpu.memory_space<vmem>> -> memref<1x128xi32, #tpu.memory_space<vmem>>
    %dma_wait3A_441 = tpu.memref_squeeze %dma_wait3A_440 : memref<1x128xi32, #tpu.memory_space<vmem>> -> memref<128xi32, #tpu.memory_space<vmem>>
    %dma_wait3A_442 = arith.constant 0 : i32
    %dma_wait3A_443 = arith.constant 0 : i32
    %dma_wait3A_444 = tpu.memref_slice %arg3[%dma_wait3A_434, %dma_wait3A_442, %dma_wait3A_443] : memref<43x4096x8xf32, #tpu.memory_space<hbm>> -> memref<1x4096x8xf32, #tpu.memory_space<hbm>>
    %dma_wait3A_445 = tpu.memref_squeeze %dma_wait3A_444 : memref<1x4096x8xf32, #tpu.memory_space<hbm>> -> memref<4096x8xf32, #tpu.memory_space<hbm>>
    %dma_wait3A_446 = arith.constant 0 : i32
    %dma_wait3A_447 = arith.constant 0 : i32
    %dma_wait3A_448 = tpu.memref_slice %dma_wait3A_445[%dma_wait3A_446, %dma_wait3A_447] : memref<4096x8xf32, #tpu.memory_space<hbm>> -> memref<4096x8xf32, #tpu.memory_space<hbm>>
    tpu.wait_indirect_dma semaphore(%arg10 : memref<!tpu.dma_semaphore, #tpu.memory_space<semaphore_mem>>) src(%dma_wait3A_448 : memref<4096x8xf32, #tpu.memory_space<hbm>>) dst(%dma_wait3A_438 : memref<128x8xf32, #tpu.memory_space<vmem>>)
    %dma_wait3A_449 = arith.constant 8 : i32
    %dma_wait3A_450 = arith.constant 8 : i32
    %dma_wait3A_451 = arith.constant 1024 : i32
    %dma_wait3A_452 = arith.constant 0 : i32
    %dma_wait3A_453 = tpu.memref_slice %arg7[%dma_wait3A_451, %dma_wait3A_452] : memref<5504x8xf32, #tpu.memory_space<vmem>> -> memref<128x8xf32, #tpu.memory_space<vmem>>
    %dma_wait3A_454 = arith.constant 0 : i32
    %dma_wait3A_455 = tpu.memref_slice %arg6[%dma_wait3A_450, %dma_wait3A_454] : memref<43x128xi32, #tpu.memory_space<vmem>> -> memref<1x128xi32, #tpu.memory_space<vmem>>
    %dma_wait3A_456 = tpu.memref_squeeze %dma_wait3A_455 : memref<1x128xi32, #tpu.memory_space<vmem>> -> memref<128xi32, #tpu.memory_space<vmem>>
    %dma_wait3A_457 = arith.constant 0 : i32
    %dma_wait3A_458 = arith.constant 0 : i32
    %dma_wait3A_459 = tpu.memref_slice %arg3[%dma_wait3A_449, %dma_wait3A_457, %dma_wait3A_458] : memref<43x4096x8xf32, #tpu.memory_space<hbm>> -> memref<1x4096x8xf32, #tpu.memory_space<hbm>>
    %dma_wait3A_460 = tpu.memref_squeeze %dma_wait3A_459 : memref<1x4096x8xf32, #tpu.memory_space<hbm>> -> memref<4096x8xf32, #tpu.memory_space<hbm>>
    %dma_wait3A_461 = arith.constant 0 : i32
    %dma_wait3A_462 = arith.constant 0 : i32
    %dma_wait3A_463 = tpu.memref_slice %dma_wait3A_460[%dma_wait3A_461, %dma_wait3A_462] : memref<4096x8xf32, #tpu.memory_space<hbm>> -> memref<4096x8xf32, #tpu.memory_space<hbm>>
    tpu.wait_indirect_dma semaphore(%arg10 : memref<!tpu.dma_semaphore, #tpu.memory_space<semaphore_mem>>) src(%dma_wait3A_463 : memref<4096x8xf32, #tpu.memory_space<hbm>>) dst(%dma_wait3A_453 : memref<128x8xf32, #tpu.memory_space<vmem>>)
    %dma_wait3A_464 = arith.constant 9 : i32
    %dma_wait3A_465 = arith.constant 9 : i32
    %dma_wait3A_466 = arith.constant 1152 : i32
    %dma_wait3A_467 = arith.constant 0 : i32
    %dma_wait3A_468 = tpu.memref_slice %arg7[%dma_wait3A_466, %dma_wait3A_467] : memref<5504x8xf32, #tpu.memory_space<vmem>> -> memref<128x8xf32, #tpu.memory_space<vmem>>
    %dma_wait3A_469 = arith.constant 0 : i32
    %dma_wait3A_470 = tpu.memref_slice %arg6[%dma_wait3A_465, %dma_wait3A_469] : memref<43x128xi32, #tpu.memory_space<vmem>> -> memref<1x128xi32, #tpu.memory_space<vmem>>
    %dma_wait3A_471 = tpu.memref_squeeze %dma_wait3A_470 : memref<1x128xi32, #tpu.memory_space<vmem>> -> memref<128xi32, #tpu.memory_space<vmem>>
    %dma_wait3A_472 = arith.constant 0 : i32
    %dma_wait3A_473 = arith.constant 0 : i32
    %dma_wait3A_474 = tpu.memref_slice %arg3[%dma_wait3A_464, %dma_wait3A_472, %dma_wait3A_473] : memref<43x4096x8xf32, #tpu.memory_space<hbm>> -> memref<1x4096x8xf32, #tpu.memory_space<hbm>>
    %dma_wait3A_475 = tpu.memref_squeeze %dma_wait3A_474 : memref<1x4096x8xf32, #tpu.memory_space<hbm>> -> memref<4096x8xf32, #tpu.memory_space<hbm>>
    %dma_wait3A_476 = arith.constant 0 : i32
    %dma_wait3A_477 = arith.constant 0 : i32
    %dma_wait3A_478 = tpu.memref_slice %dma_wait3A_475[%dma_wait3A_476, %dma_wait3A_477] : memref<4096x8xf32, #tpu.memory_space<hbm>> -> memref<4096x8xf32, #tpu.memory_space<hbm>>
    tpu.wait_indirect_dma semaphore(%arg10 : memref<!tpu.dma_semaphore, #tpu.memory_space<semaphore_mem>>) src(%dma_wait3A_478 : memref<4096x8xf32, #tpu.memory_space<hbm>>) dst(%dma_wait3A_468 : memref<128x8xf32, #tpu.memory_space<vmem>>)
    %dma_wait3A_479 = arith.constant 10 : i32
    %dma_wait3A_480 = arith.constant 10 : i32
    %dma_wait3A_481 = arith.constant 1280 : i32
    %dma_wait3A_482 = arith.constant 0 : i32
    %dma_wait3A_483 = tpu.memref_slice %arg7[%dma_wait3A_481, %dma_wait3A_482] : memref<5504x8xf32, #tpu.memory_space<vmem>> -> memref<128x8xf32, #tpu.memory_space<vmem>>
    %dma_wait3A_484 = arith.constant 0 : i32
    %dma_wait3A_485 = tpu.memref_slice %arg6[%dma_wait3A_480, %dma_wait3A_484] : memref<43x128xi32, #tpu.memory_space<vmem>> -> memref<1x128xi32, #tpu.memory_space<vmem>>
    %dma_wait3A_486 = tpu.memref_squeeze %dma_wait3A_485 : memref<1x128xi32, #tpu.memory_space<vmem>> -> memref<128xi32, #tpu.memory_space<vmem>>
    %dma_wait3A_487 = arith.constant 0 : i32
    %dma_wait3A_488 = arith.constant 0 : i32
    %dma_wait3A_489 = tpu.memref_slice %arg3[%dma_wait3A_479, %dma_wait3A_487, %dma_wait3A_488] : memref<43x4096x8xf32, #tpu.memory_space<hbm>> -> memref<1x4096x8xf32, #tpu.memory_space<hbm>>
    %dma_wait3A_490 = tpu.memref_squeeze %dma_wait3A_489 : memref<1x4096x8xf32, #tpu.memory_space<hbm>> -> memref<4096x8xf32, #tpu.memory_space<hbm>>
    %dma_wait3A_491 = arith.constant 0 : i32
    %dma_wait3A_492 = arith.constant 0 : i32
    %dma_wait3A_493 = tpu.memref_slice %dma_wait3A_490[%dma_wait3A_491, %dma_wait3A_492] : memref<4096x8xf32, #tpu.memory_space<hbm>> -> memref<4096x8xf32, #tpu.memory_space<hbm>>
    tpu.wait_indirect_dma semaphore(%arg10 : memref<!tpu.dma_semaphore, #tpu.memory_space<semaphore_mem>>) src(%dma_wait3A_493 : memref<4096x8xf32, #tpu.memory_space<hbm>>) dst(%dma_wait3A_483 : memref<128x8xf32, #tpu.memory_space<vmem>>)
    %dma_start3A_494 = arith.constant 22 : i32
    %dma_start3A_495 = arith.constant 22 : i32
    %dma_start3A_496 = arith.constant 2816 : i32
    %dma_start3A_497 = arith.constant 0 : i32
    %dma_start3A_498 = tpu.memref_slice %arg7[%dma_start3A_496, %dma_start3A_497] : memref<5504x8xf32, #tpu.memory_space<vmem>> -> memref<128x8xf32, #tpu.memory_space<vmem>>
    %dma_start3A_499 = arith.constant 0 : i32
    %dma_start3A_500 = tpu.memref_slice %arg6[%dma_start3A_495, %dma_start3A_499] : memref<43x128xi32, #tpu.memory_space<vmem>> -> memref<1x128xi32, #tpu.memory_space<vmem>>
    %dma_start3A_501 = tpu.memref_squeeze %dma_start3A_500 : memref<1x128xi32, #tpu.memory_space<vmem>> -> memref<128xi32, #tpu.memory_space<vmem>>
    %dma_start3A_502 = arith.constant 0 : i32
    %dma_start3A_503 = arith.constant 0 : i32
    %dma_start3A_504 = tpu.memref_slice %arg3[%dma_start3A_494, %dma_start3A_502, %dma_start3A_503] : memref<43x4096x8xf32, #tpu.memory_space<hbm>> -> memref<1x4096x8xf32, #tpu.memory_space<hbm>>
    %dma_start3A_505 = tpu.memref_squeeze %dma_start3A_504 : memref<1x4096x8xf32, #tpu.memory_space<hbm>> -> memref<4096x8xf32, #tpu.memory_space<hbm>>
    %dma_start3A_506 = arith.constant 0 : i32
    %dma_start3A_507 = arith.constant 0 : i32
    %dma_start3A_508 = tpu.memref_slice %dma_start3A_505[%dma_start3A_506, %dma_start3A_507] : memref<4096x8xf32, #tpu.memory_space<hbm>> -> memref<4096x8xf32, #tpu.memory_space<hbm>>
    tpu.enqueue_indirect_dma source(%dma_start3A_508 : memref<4096x8xf32, #tpu.memory_space<hbm>>) target(%dma_start3A_498 : memref<128x8xf32, #tpu.memory_space<vmem>>) offsets(%dma_start3A_501 : memref<128xi32, #tpu.memory_space<vmem>>) semaphore(%arg10 : memref<!tpu.dma_semaphore, #tpu.memory_space<semaphore_mem>>)
    %dma_start3A_509 = arith.constant 23 : i32
    %dma_start3A_510 = arith.constant 23 : i32
    %dma_start3A_511 = arith.constant 2944 : i32
    %dma_start3A_512 = arith.constant 0 : i32
    %dma_start3A_513 = tpu.memref_slice %arg7[%dma_start3A_511, %dma_start3A_512] : memref<5504x8xf32, #tpu.memory_space<vmem>> -> memref<128x8xf32, #tpu.memory_space<vmem>>
    %dma_start3A_514 = arith.constant 0 : i32
    %dma_start3A_515 = tpu.memref_slice %arg6[%dma_start3A_510, %dma_start3A_514] : memref<43x128xi32, #tpu.memory_space<vmem>> -> memref<1x128xi32, #tpu.memory_space<vmem>>
    %dma_start3A_516 = tpu.memref_squeeze %dma_start3A_515 : memref<1x128xi32, #tpu.memory_space<vmem>> -> memref<128xi32, #tpu.memory_space<vmem>>
    %dma_start3A_517 = arith.constant 0 : i32
    %dma_start3A_518 = arith.constant 0 : i32
    %dma_start3A_519 = tpu.memref_slice %arg3[%dma_start3A_509, %dma_start3A_517, %dma_start3A_518] : memref<43x4096x8xf32, #tpu.memory_space<hbm>> -> memref<1x4096x8xf32, #tpu.memory_space<hbm>>
    %dma_start3A_520 = tpu.memref_squeeze %dma_start3A_519 : memref<1x4096x8xf32, #tpu.memory_space<hbm>> -> memref<4096x8xf32, #tpu.memory_space<hbm>>
    %dma_start3A_521 = arith.constant 0 : i32
    %dma_start3A_522 = arith.constant 0 : i32
    %dma_start3A_523 = tpu.memref_slice %dma_start3A_520[%dma_start3A_521, %dma_start3A_522] : memref<4096x8xf32, #tpu.memory_space<hbm>> -> memref<4096x8xf32, #tpu.memory_space<hbm>>
    tpu.enqueue_indirect_dma source(%dma_start3A_523 : memref<4096x8xf32, #tpu.memory_space<hbm>>) target(%dma_start3A_513 : memref<128x8xf32, #tpu.memory_space<vmem>>) offsets(%dma_start3A_516 : memref<128xi32, #tpu.memory_space<vmem>>) semaphore(%arg10 : memref<!tpu.dma_semaphore, #tpu.memory_space<semaphore_mem>>)
    %dma_start3A_524 = arith.constant 24 : i32
    %dma_start3A_525 = arith.constant 24 : i32
    %dma_start3A_526 = arith.constant 3072 : i32
    %dma_start3A_527 = arith.constant 0 : i32
    %dma_start3A_528 = tpu.memref_slice %arg7[%dma_start3A_526, %dma_start3A_527] : memref<5504x8xf32, #tpu.memory_space<vmem>> -> memref<128x8xf32, #tpu.memory_space<vmem>>
    %dma_start3A_529 = arith.constant 0 : i32
    %dma_start3A_530 = tpu.memref_slice %arg6[%dma_start3A_525, %dma_start3A_529] : memref<43x128xi32, #tpu.memory_space<vmem>> -> memref<1x128xi32, #tpu.memory_space<vmem>>
    %dma_start3A_531 = tpu.memref_squeeze %dma_start3A_530 : memref<1x128xi32, #tpu.memory_space<vmem>> -> memref<128xi32, #tpu.memory_space<vmem>>
    %dma_start3A_532 = arith.constant 0 : i32
    %dma_start3A_533 = arith.constant 0 : i32
    %dma_start3A_534 = tpu.memref_slice %arg3[%dma_start3A_524, %dma_start3A_532, %dma_start3A_533] : memref<43x4096x8xf32, #tpu.memory_space<hbm>> -> memref<1x4096x8xf32, #tpu.memory_space<hbm>>
    %dma_start3A_535 = tpu.memref_squeeze %dma_start3A_534 : memref<1x4096x8xf32, #tpu.memory_space<hbm>> -> memref<4096x8xf32, #tpu.memory_space<hbm>>
    %dma_start3A_536 = arith.constant 0 : i32
    %dma_start3A_537 = arith.constant 0 : i32
    %dma_start3A_538 = tpu.memref_slice %dma_start3A_535[%dma_start3A_536, %dma_start3A_537] : memref<4096x8xf32, #tpu.memory_space<hbm>> -> memref<4096x8xf32, #tpu.memory_space<hbm>>
    tpu.enqueue_indirect_dma source(%dma_start3A_538 : memref<4096x8xf32, #tpu.memory_space<hbm>>) target(%dma_start3A_528 : memref<128x8xf32, #tpu.memory_space<vmem>>) offsets(%dma_start3A_531 : memref<128xi32, #tpu.memory_space<vmem>>) semaphore(%arg10 : memref<!tpu.dma_semaphore, #tpu.memory_space<semaphore_mem>>)
    %dma_start3A_539 = arith.constant 25 : i32
    %dma_start3A_540 = arith.constant 25 : i32
    %dma_start3A_541 = arith.constant 3200 : i32
    %dma_start3A_542 = arith.constant 0 : i32
    %dma_start3A_543 = tpu.memref_slice %arg7[%dma_start3A_541, %dma_start3A_542] : memref<5504x8xf32, #tpu.memory_space<vmem>> -> memref<128x8xf32, #tpu.memory_space<vmem>>
    %dma_start3A_544 = arith.constant 0 : i32
    %dma_start3A_545 = tpu.memref_slice %arg6[%dma_start3A_540, %dma_start3A_544] : memref<43x128xi32, #tpu.memory_space<vmem>> -> memref<1x128xi32, #tpu.memory_space<vmem>>
    %dma_start3A_546 = tpu.memref_squeeze %dma_start3A_545 : memref<1x128xi32, #tpu.memory_space<vmem>> -> memref<128xi32, #tpu.memory_space<vmem>>
    %dma_start3A_547 = arith.constant 0 : i32
    %dma_start3A_548 = arith.constant 0 : i32
    %dma_start3A_549 = tpu.memref_slice %arg3[%dma_start3A_539, %dma_start3A_547, %dma_start3A_548] : memref<43x4096x8xf32, #tpu.memory_space<hbm>> -> memref<1x4096x8xf32, #tpu.memory_space<hbm>>
    %dma_start3A_550 = tpu.memref_squeeze %dma_start3A_549 : memref<1x4096x8xf32, #tpu.memory_space<hbm>> -> memref<4096x8xf32, #tpu.memory_space<hbm>>
    %dma_start3A_551 = arith.constant 0 : i32
    %dma_start3A_552 = arith.constant 0 : i32
    %dma_start3A_553 = tpu.memref_slice %dma_start3A_550[%dma_start3A_551, %dma_start3A_552] : memref<4096x8xf32, #tpu.memory_space<hbm>> -> memref<4096x8xf32, #tpu.memory_space<hbm>>
    tpu.enqueue_indirect_dma source(%dma_start3A_553 : memref<4096x8xf32, #tpu.memory_space<hbm>>) target(%dma_start3A_543 : memref<128x8xf32, #tpu.memory_space<vmem>>) offsets(%dma_start3A_546 : memref<128xi32, #tpu.memory_space<vmem>>) semaphore(%arg10 : memref<!tpu.dma_semaphore, #tpu.memory_space<semaphore_mem>>)
    %dma_start3A_554 = arith.constant 26 : i32
    %dma_start3A_555 = arith.constant 26 : i32
    %dma_start3A_556 = arith.constant 3328 : i32
    %dma_start3A_557 = arith.constant 0 : i32
    %dma_start3A_558 = tpu.memref_slice %arg7[%dma_start3A_556, %dma_start3A_557] : memref<5504x8xf32, #tpu.memory_space<vmem>> -> memref<128x8xf32, #tpu.memory_space<vmem>>
    %dma_start3A_559 = arith.constant 0 : i32
    %dma_start3A_560 = tpu.memref_slice %arg6[%dma_start3A_555, %dma_start3A_559] : memref<43x128xi32, #tpu.memory_space<vmem>> -> memref<1x128xi32, #tpu.memory_space<vmem>>
    %dma_start3A_561 = tpu.memref_squeeze %dma_start3A_560 : memref<1x128xi32, #tpu.memory_space<vmem>> -> memref<128xi32, #tpu.memory_space<vmem>>
    %dma_start3A_562 = arith.constant 0 : i32
    %dma_start3A_563 = arith.constant 0 : i32
    %dma_start3A_564 = tpu.memref_slice %arg3[%dma_start3A_554, %dma_start3A_562, %dma_start3A_563] : memref<43x4096x8xf32, #tpu.memory_space<hbm>> -> memref<1x4096x8xf32, #tpu.memory_space<hbm>>
    %dma_start3A_565 = tpu.memref_squeeze %dma_start3A_564 : memref<1x4096x8xf32, #tpu.memory_space<hbm>> -> memref<4096x8xf32, #tpu.memory_space<hbm>>
    %dma_start3A_566 = arith.constant 0 : i32
    %dma_start3A_567 = arith.constant 0 : i32
    %dma_start3A_568 = tpu.memref_slice %dma_start3A_565[%dma_start3A_566, %dma_start3A_567] : memref<4096x8xf32, #tpu.memory_space<hbm>> -> memref<4096x8xf32, #tpu.memory_space<hbm>>
    tpu.enqueue_indirect_dma source(%dma_start3A_568 : memref<4096x8xf32, #tpu.memory_space<hbm>>) target(%dma_start3A_558 : memref<128x8xf32, #tpu.memory_space<vmem>>) offsets(%dma_start3A_561 : memref<128xi32, #tpu.memory_space<vmem>>) semaphore(%arg10 : memref<!tpu.dma_semaphore, #tpu.memory_space<semaphore_mem>>)
    %dma_start3A_569 = arith.constant 27 : i32
    %dma_start3A_570 = arith.constant 27 : i32
    %dma_start3A_571 = arith.constant 3456 : i32
    %dma_start3A_572 = arith.constant 0 : i32
    %dma_start3A_573 = tpu.memref_slice %arg7[%dma_start3A_571, %dma_start3A_572] : memref<5504x8xf32, #tpu.memory_space<vmem>> -> memref<128x8xf32, #tpu.memory_space<vmem>>
    %dma_start3A_574 = arith.constant 0 : i32
    %dma_start3A_575 = tpu.memref_slice %arg6[%dma_start3A_570, %dma_start3A_574] : memref<43x128xi32, #tpu.memory_space<vmem>> -> memref<1x128xi32, #tpu.memory_space<vmem>>
    %dma_start3A_576 = tpu.memref_squeeze %dma_start3A_575 : memref<1x128xi32, #tpu.memory_space<vmem>> -> memref<128xi32, #tpu.memory_space<vmem>>
    %dma_start3A_577 = arith.constant 0 : i32
    %dma_start3A_578 = arith.constant 0 : i32
    %dma_start3A_579 = tpu.memref_slice %arg3[%dma_start3A_569, %dma_start3A_577, %dma_start3A_578] : memref<43x4096x8xf32, #tpu.memory_space<hbm>> -> memref<1x4096x8xf32, #tpu.memory_space<hbm>>
    %dma_start3A_580 = tpu.memref_squeeze %dma_start3A_579 : memref<1x4096x8xf32, #tpu.memory_space<hbm>> -> memref<4096x8xf32, #tpu.memory_space<hbm>>
    %dma_start3A_581 = arith.constant 0 : i32
    %dma_start3A_582 = arith.constant 0 : i32
    %dma_start3A_583 = tpu.memref_slice %dma_start3A_580[%dma_start3A_581, %dma_start3A_582] : memref<4096x8xf32, #tpu.memory_space<hbm>> -> memref<4096x8xf32, #tpu.memory_space<hbm>>
    tpu.enqueue_indirect_dma source(%dma_start3A_583 : memref<4096x8xf32, #tpu.memory_space<hbm>>) target(%dma_start3A_573 : memref<128x8xf32, #tpu.memory_space<vmem>>) offsets(%dma_start3A_576 : memref<128xi32, #tpu.memory_space<vmem>>) semaphore(%arg10 : memref<!tpu.dma_semaphore, #tpu.memory_space<semaphore_mem>>)
    %dma_start3A_584 = arith.constant 28 : i32
    %dma_start3A_585 = arith.constant 28 : i32
    %dma_start3A_586 = arith.constant 3584 : i32
    %dma_start3A_587 = arith.constant 0 : i32
    %dma_start3A_588 = tpu.memref_slice %arg7[%dma_start3A_586, %dma_start3A_587] : memref<5504x8xf32, #tpu.memory_space<vmem>> -> memref<128x8xf32, #tpu.memory_space<vmem>>
    %dma_start3A_589 = arith.constant 0 : i32
    %dma_start3A_590 = tpu.memref_slice %arg6[%dma_start3A_585, %dma_start3A_589] : memref<43x128xi32, #tpu.memory_space<vmem>> -> memref<1x128xi32, #tpu.memory_space<vmem>>
    %dma_start3A_591 = tpu.memref_squeeze %dma_start3A_590 : memref<1x128xi32, #tpu.memory_space<vmem>> -> memref<128xi32, #tpu.memory_space<vmem>>
    %dma_start3A_592 = arith.constant 0 : i32
    %dma_start3A_593 = arith.constant 0 : i32
    %dma_start3A_594 = tpu.memref_slice %arg3[%dma_start3A_584, %dma_start3A_592, %dma_start3A_593] : memref<43x4096x8xf32, #tpu.memory_space<hbm>> -> memref<1x4096x8xf32, #tpu.memory_space<hbm>>
    %dma_start3A_595 = tpu.memref_squeeze %dma_start3A_594 : memref<1x4096x8xf32, #tpu.memory_space<hbm>> -> memref<4096x8xf32, #tpu.memory_space<hbm>>
    %dma_start3A_596 = arith.constant 0 : i32
    %dma_start3A_597 = arith.constant 0 : i32
    %dma_start3A_598 = tpu.memref_slice %dma_start3A_595[%dma_start3A_596, %dma_start3A_597] : memref<4096x8xf32, #tpu.memory_space<hbm>> -> memref<4096x8xf32, #tpu.memory_space<hbm>>
    tpu.enqueue_indirect_dma source(%dma_start3A_598 : memref<4096x8xf32, #tpu.memory_space<hbm>>) target(%dma_start3A_588 : memref<128x8xf32, #tpu.memory_space<vmem>>) offsets(%dma_start3A_591 : memref<128xi32, #tpu.memory_space<vmem>>) semaphore(%arg10 : memref<!tpu.dma_semaphore, #tpu.memory_space<semaphore_mem>>)
    %dma_start3A_599 = arith.constant 29 : i32
    %dma_start3A_600 = arith.constant 29 : i32
    %dma_start3A_601 = arith.constant 3712 : i32
    %dma_start3A_602 = arith.constant 0 : i32
    %dma_start3A_603 = tpu.memref_slice %arg7[%dma_start3A_601, %dma_start3A_602] : memref<5504x8xf32, #tpu.memory_space<vmem>> -> memref<128x8xf32, #tpu.memory_space<vmem>>
    %dma_start3A_604 = arith.constant 0 : i32
    %dma_start3A_605 = tpu.memref_slice %arg6[%dma_start3A_600, %dma_start3A_604] : memref<43x128xi32, #tpu.memory_space<vmem>> -> memref<1x128xi32, #tpu.memory_space<vmem>>
    %dma_start3A_606 = tpu.memref_squeeze %dma_start3A_605 : memref<1x128xi32, #tpu.memory_space<vmem>> -> memref<128xi32, #tpu.memory_space<vmem>>
    %dma_start3A_607 = arith.constant 0 : i32
    %dma_start3A_608 = arith.constant 0 : i32
    %dma_start3A_609 = tpu.memref_slice %arg3[%dma_start3A_599, %dma_start3A_607, %dma_start3A_608] : memref<43x4096x8xf32, #tpu.memory_space<hbm>> -> memref<1x4096x8xf32, #tpu.memory_space<hbm>>
    %dma_start3A_610 = tpu.memref_squeeze %dma_start3A_609 : memref<1x4096x8xf32, #tpu.memory_space<hbm>> -> memref<4096x8xf32, #tpu.memory_space<hbm>>
    %dma_start3A_611 = arith.constant 0 : i32
    %dma_start3A_612 = arith.constant 0 : i32
    %dma_start3A_613 = tpu.memref_slice %dma_start3A_610[%dma_start3A_611, %dma_start3A_612] : memref<4096x8xf32, #tpu.memory_space<hbm>> -> memref<4096x8xf32, #tpu.memory_space<hbm>>
    tpu.enqueue_indirect_dma source(%dma_start3A_613 : memref<4096x8xf32, #tpu.memory_space<hbm>>) target(%dma_start3A_603 : memref<128x8xf32, #tpu.memory_space<vmem>>) offsets(%dma_start3A_606 : memref<128xi32, #tpu.memory_space<vmem>>) semaphore(%arg10 : memref<!tpu.dma_semaphore, #tpu.memory_space<semaphore_mem>>)
    %dma_start3A_614 = arith.constant 30 : i32
    %dma_start3A_615 = arith.constant 30 : i32
    %dma_start3A_616 = arith.constant 3840 : i32
    %dma_start3A_617 = arith.constant 0 : i32
    %dma_start3A_618 = tpu.memref_slice %arg7[%dma_start3A_616, %dma_start3A_617] : memref<5504x8xf32, #tpu.memory_space<vmem>> -> memref<128x8xf32, #tpu.memory_space<vmem>>
    %dma_start3A_619 = arith.constant 0 : i32
    %dma_start3A_620 = tpu.memref_slice %arg6[%dma_start3A_615, %dma_start3A_619] : memref<43x128xi32, #tpu.memory_space<vmem>> -> memref<1x128xi32, #tpu.memory_space<vmem>>
    %dma_start3A_621 = tpu.memref_squeeze %dma_start3A_620 : memref<1x128xi32, #tpu.memory_space<vmem>> -> memref<128xi32, #tpu.memory_space<vmem>>
    %dma_start3A_622 = arith.constant 0 : i32
    %dma_start3A_623 = arith.constant 0 : i32
    %dma_start3A_624 = tpu.memref_slice %arg3[%dma_start3A_614, %dma_start3A_622, %dma_start3A_623] : memref<43x4096x8xf32, #tpu.memory_space<hbm>> -> memref<1x4096x8xf32, #tpu.memory_space<hbm>>
    %dma_start3A_625 = tpu.memref_squeeze %dma_start3A_624 : memref<1x4096x8xf32, #tpu.memory_space<hbm>> -> memref<4096x8xf32, #tpu.memory_space<hbm>>
    %dma_start3A_626 = arith.constant 0 : i32
    %dma_start3A_627 = arith.constant 0 : i32
    %dma_start3A_628 = tpu.memref_slice %dma_start3A_625[%dma_start3A_626, %dma_start3A_627] : memref<4096x8xf32, #tpu.memory_space<hbm>> -> memref<4096x8xf32, #tpu.memory_space<hbm>>
    tpu.enqueue_indirect_dma source(%dma_start3A_628 : memref<4096x8xf32, #tpu.memory_space<hbm>>) target(%dma_start3A_618 : memref<128x8xf32, #tpu.memory_space<vmem>>) offsets(%dma_start3A_621 : memref<128xi32, #tpu.memory_space<vmem>>) semaphore(%arg10 : memref<!tpu.dma_semaphore, #tpu.memory_space<semaphore_mem>>)
    %dma_start3A_629 = arith.constant 31 : i32
    %dma_start3A_630 = arith.constant 31 : i32
    %dma_start3A_631 = arith.constant 3968 : i32
    %dma_start3A_632 = arith.constant 0 : i32
    %dma_start3A_633 = tpu.memref_slice %arg7[%dma_start3A_631, %dma_start3A_632] : memref<5504x8xf32, #tpu.memory_space<vmem>> -> memref<128x8xf32, #tpu.memory_space<vmem>>
    %dma_start3A_634 = arith.constant 0 : i32
    %dma_start3A_635 = tpu.memref_slice %arg6[%dma_start3A_630, %dma_start3A_634] : memref<43x128xi32, #tpu.memory_space<vmem>> -> memref<1x128xi32, #tpu.memory_space<vmem>>
    %dma_start3A_636 = tpu.memref_squeeze %dma_start3A_635 : memref<1x128xi32, #tpu.memory_space<vmem>> -> memref<128xi32, #tpu.memory_space<vmem>>
    %dma_start3A_637 = arith.constant 0 : i32
    %dma_start3A_638 = arith.constant 0 : i32
    %dma_start3A_639 = tpu.memref_slice %arg3[%dma_start3A_629, %dma_start3A_637, %dma_start3A_638] : memref<43x4096x8xf32, #tpu.memory_space<hbm>> -> memref<1x4096x8xf32, #tpu.memory_space<hbm>>
    %dma_start3A_640 = tpu.memref_squeeze %dma_start3A_639 : memref<1x4096x8xf32, #tpu.memory_space<hbm>> -> memref<4096x8xf32, #tpu.memory_space<hbm>>
    %dma_start3A_641 = arith.constant 0 : i32
    %dma_start3A_642 = arith.constant 0 : i32
    %dma_start3A_643 = tpu.memref_slice %dma_start3A_640[%dma_start3A_641, %dma_start3A_642] : memref<4096x8xf32, #tpu.memory_space<hbm>> -> memref<4096x8xf32, #tpu.memory_space<hbm>>
    tpu.enqueue_indirect_dma source(%dma_start3A_643 : memref<4096x8xf32, #tpu.memory_space<hbm>>) target(%dma_start3A_633 : memref<128x8xf32, #tpu.memory_space<vmem>>) offsets(%dma_start3A_636 : memref<128xi32, #tpu.memory_space<vmem>>) semaphore(%arg10 : memref<!tpu.dma_semaphore, #tpu.memory_space<semaphore_mem>>)
    %dma_start3A_644 = arith.constant 32 : i32
    %dma_start3A_645 = arith.constant 32 : i32
    %dma_start3A_646 = arith.constant 4096 : i32
    %dma_start3A_647 = arith.constant 0 : i32
    %dma_start3A_648 = tpu.memref_slice %arg7[%dma_start3A_646, %dma_start3A_647] : memref<5504x8xf32, #tpu.memory_space<vmem>> -> memref<128x8xf32, #tpu.memory_space<vmem>>
    %dma_start3A_649 = arith.constant 0 : i32
    %dma_start3A_650 = tpu.memref_slice %arg6[%dma_start3A_645, %dma_start3A_649] : memref<43x128xi32, #tpu.memory_space<vmem>> -> memref<1x128xi32, #tpu.memory_space<vmem>>
    %dma_start3A_651 = tpu.memref_squeeze %dma_start3A_650 : memref<1x128xi32, #tpu.memory_space<vmem>> -> memref<128xi32, #tpu.memory_space<vmem>>
    %dma_start3A_652 = arith.constant 0 : i32
    %dma_start3A_653 = arith.constant 0 : i32
    %dma_start3A_654 = tpu.memref_slice %arg3[%dma_start3A_644, %dma_start3A_652, %dma_start3A_653] : memref<43x4096x8xf32, #tpu.memory_space<hbm>> -> memref<1x4096x8xf32, #tpu.memory_space<hbm>>
    %dma_start3A_655 = tpu.memref_squeeze %dma_start3A_654 : memref<1x4096x8xf32, #tpu.memory_space<hbm>> -> memref<4096x8xf32, #tpu.memory_space<hbm>>
    %dma_start3A_656 = arith.constant 0 : i32
    %dma_start3A_657 = arith.constant 0 : i32
    %dma_start3A_658 = tpu.memref_slice %dma_start3A_655[%dma_start3A_656, %dma_start3A_657] : memref<4096x8xf32, #tpu.memory_space<hbm>> -> memref<4096x8xf32, #tpu.memory_space<hbm>>
    tpu.enqueue_indirect_dma source(%dma_start3A_658 : memref<4096x8xf32, #tpu.memory_space<hbm>>) target(%dma_start3A_648 : memref<128x8xf32, #tpu.memory_space<vmem>>) offsets(%dma_start3A_651 : memref<128xi32, #tpu.memory_space<vmem>>) semaphore(%arg10 : memref<!tpu.dma_semaphore, #tpu.memory_space<semaphore_mem>>)
    %dma_wait3A_659 = arith.constant 11 : i32
    %dma_wait3A_660 = arith.constant 11 : i32
    %dma_wait3A_661 = arith.constant 1408 : i32
    %dma_wait3A_662 = arith.constant 0 : i32
    %dma_wait3A_663 = tpu.memref_slice %arg7[%dma_wait3A_661, %dma_wait3A_662] : memref<5504x8xf32, #tpu.memory_space<vmem>> -> memref<128x8xf32, #tpu.memory_space<vmem>>
    %dma_wait3A_664 = arith.constant 0 : i32
    %dma_wait3A_665 = tpu.memref_slice %arg6[%dma_wait3A_660, %dma_wait3A_664] : memref<43x128xi32, #tpu.memory_space<vmem>> -> memref<1x128xi32, #tpu.memory_space<vmem>>
    %dma_wait3A_666 = tpu.memref_squeeze %dma_wait3A_665 : memref<1x128xi32, #tpu.memory_space<vmem>> -> memref<128xi32, #tpu.memory_space<vmem>>
    %dma_wait3A_667 = arith.constant 0 : i32
    %dma_wait3A_668 = arith.constant 0 : i32
    %dma_wait3A_669 = tpu.memref_slice %arg3[%dma_wait3A_659, %dma_wait3A_667, %dma_wait3A_668] : memref<43x4096x8xf32, #tpu.memory_space<hbm>> -> memref<1x4096x8xf32, #tpu.memory_space<hbm>>
    %dma_wait3A_670 = tpu.memref_squeeze %dma_wait3A_669 : memref<1x4096x8xf32, #tpu.memory_space<hbm>> -> memref<4096x8xf32, #tpu.memory_space<hbm>>
    %dma_wait3A_671 = arith.constant 0 : i32
    %dma_wait3A_672 = arith.constant 0 : i32
    %dma_wait3A_673 = tpu.memref_slice %dma_wait3A_670[%dma_wait3A_671, %dma_wait3A_672] : memref<4096x8xf32, #tpu.memory_space<hbm>> -> memref<4096x8xf32, #tpu.memory_space<hbm>>
    tpu.wait_indirect_dma semaphore(%arg10 : memref<!tpu.dma_semaphore, #tpu.memory_space<semaphore_mem>>) src(%dma_wait3A_673 : memref<4096x8xf32, #tpu.memory_space<hbm>>) dst(%dma_wait3A_663 : memref<128x8xf32, #tpu.memory_space<vmem>>)
    %dma_wait3A_674 = arith.constant 12 : i32
    %dma_wait3A_675 = arith.constant 12 : i32
    %dma_wait3A_676 = arith.constant 1536 : i32
    %dma_wait3A_677 = arith.constant 0 : i32
    %dma_wait3A_678 = tpu.memref_slice %arg7[%dma_wait3A_676, %dma_wait3A_677] : memref<5504x8xf32, #tpu.memory_space<vmem>> -> memref<128x8xf32, #tpu.memory_space<vmem>>
    %dma_wait3A_679 = arith.constant 0 : i32
    %dma_wait3A_680 = tpu.memref_slice %arg6[%dma_wait3A_675, %dma_wait3A_679] : memref<43x128xi32, #tpu.memory_space<vmem>> -> memref<1x128xi32, #tpu.memory_space<vmem>>
    %dma_wait3A_681 = tpu.memref_squeeze %dma_wait3A_680 : memref<1x128xi32, #tpu.memory_space<vmem>> -> memref<128xi32, #tpu.memory_space<vmem>>
    %dma_wait3A_682 = arith.constant 0 : i32
    %dma_wait3A_683 = arith.constant 0 : i32
    %dma_wait3A_684 = tpu.memref_slice %arg3[%dma_wait3A_674, %dma_wait3A_682, %dma_wait3A_683] : memref<43x4096x8xf32, #tpu.memory_space<hbm>> -> memref<1x4096x8xf32, #tpu.memory_space<hbm>>
    %dma_wait3A_685 = tpu.memref_squeeze %dma_wait3A_684 : memref<1x4096x8xf32, #tpu.memory_space<hbm>> -> memref<4096x8xf32, #tpu.memory_space<hbm>>
    %dma_wait3A_686 = arith.constant 0 : i32
    %dma_wait3A_687 = arith.constant 0 : i32
    %dma_wait3A_688 = tpu.memref_slice %dma_wait3A_685[%dma_wait3A_686, %dma_wait3A_687] : memref<4096x8xf32, #tpu.memory_space<hbm>> -> memref<4096x8xf32, #tpu.memory_space<hbm>>
    tpu.wait_indirect_dma semaphore(%arg10 : memref<!tpu.dma_semaphore, #tpu.memory_space<semaphore_mem>>) src(%dma_wait3A_688 : memref<4096x8xf32, #tpu.memory_space<hbm>>) dst(%dma_wait3A_678 : memref<128x8xf32, #tpu.memory_space<vmem>>)
    %dma_wait3A_689 = arith.constant 13 : i32
    %dma_wait3A_690 = arith.constant 13 : i32
    %dma_wait3A_691 = arith.constant 1664 : i32
    %dma_wait3A_692 = arith.constant 0 : i32
    %dma_wait3A_693 = tpu.memref_slice %arg7[%dma_wait3A_691, %dma_wait3A_692] : memref<5504x8xf32, #tpu.memory_space<vmem>> -> memref<128x8xf32, #tpu.memory_space<vmem>>
    %dma_wait3A_694 = arith.constant 0 : i32
    %dma_wait3A_695 = tpu.memref_slice %arg6[%dma_wait3A_690, %dma_wait3A_694] : memref<43x128xi32, #tpu.memory_space<vmem>> -> memref<1x128xi32, #tpu.memory_space<vmem>>
    %dma_wait3A_696 = tpu.memref_squeeze %dma_wait3A_695 : memref<1x128xi32, #tpu.memory_space<vmem>> -> memref<128xi32, #tpu.memory_space<vmem>>
    %dma_wait3A_697 = arith.constant 0 : i32
    %dma_wait3A_698 = arith.constant 0 : i32
    %dma_wait3A_699 = tpu.memref_slice %arg3[%dma_wait3A_689, %dma_wait3A_697, %dma_wait3A_698] : memref<43x4096x8xf32, #tpu.memory_space<hbm>> -> memref<1x4096x8xf32, #tpu.memory_space<hbm>>
    %dma_wait3A_700 = tpu.memref_squeeze %dma_wait3A_699 : memref<1x4096x8xf32, #tpu.memory_space<hbm>> -> memref<4096x8xf32, #tpu.memory_space<hbm>>
    %dma_wait3A_701 = arith.constant 0 : i32
    %dma_wait3A_702 = arith.constant 0 : i32
    %dma_wait3A_703 = tpu.memref_slice %dma_wait3A_700[%dma_wait3A_701, %dma_wait3A_702] : memref<4096x8xf32, #tpu.memory_space<hbm>> -> memref<4096x8xf32, #tpu.memory_space<hbm>>
    tpu.wait_indirect_dma semaphore(%arg10 : memref<!tpu.dma_semaphore, #tpu.memory_space<semaphore_mem>>) src(%dma_wait3A_703 : memref<4096x8xf32, #tpu.memory_space<hbm>>) dst(%dma_wait3A_693 : memref<128x8xf32, #tpu.memory_space<vmem>>)
    %dma_wait3A_704 = arith.constant 14 : i32
    %dma_wait3A_705 = arith.constant 14 : i32
    %dma_wait3A_706 = arith.constant 1792 : i32
    %dma_wait3A_707 = arith.constant 0 : i32
    %dma_wait3A_708 = tpu.memref_slice %arg7[%dma_wait3A_706, %dma_wait3A_707] : memref<5504x8xf32, #tpu.memory_space<vmem>> -> memref<128x8xf32, #tpu.memory_space<vmem>>
    %dma_wait3A_709 = arith.constant 0 : i32
    %dma_wait3A_710 = tpu.memref_slice %arg6[%dma_wait3A_705, %dma_wait3A_709] : memref<43x128xi32, #tpu.memory_space<vmem>> -> memref<1x128xi32, #tpu.memory_space<vmem>>
    %dma_wait3A_711 = tpu.memref_squeeze %dma_wait3A_710 : memref<1x128xi32, #tpu.memory_space<vmem>> -> memref<128xi32, #tpu.memory_space<vmem>>
    %dma_wait3A_712 = arith.constant 0 : i32
    %dma_wait3A_713 = arith.constant 0 : i32
    %dma_wait3A_714 = tpu.memref_slice %arg3[%dma_wait3A_704, %dma_wait3A_712, %dma_wait3A_713] : memref<43x4096x8xf32, #tpu.memory_space<hbm>> -> memref<1x4096x8xf32, #tpu.memory_space<hbm>>
    %dma_wait3A_715 = tpu.memref_squeeze %dma_wait3A_714 : memref<1x4096x8xf32, #tpu.memory_space<hbm>> -> memref<4096x8xf32, #tpu.memory_space<hbm>>
    %dma_wait3A_716 = arith.constant 0 : i32
    %dma_wait3A_717 = arith.constant 0 : i32
    %dma_wait3A_718 = tpu.memref_slice %dma_wait3A_715[%dma_wait3A_716, %dma_wait3A_717] : memref<4096x8xf32, #tpu.memory_space<hbm>> -> memref<4096x8xf32, #tpu.memory_space<hbm>>
    tpu.wait_indirect_dma semaphore(%arg10 : memref<!tpu.dma_semaphore, #tpu.memory_space<semaphore_mem>>) src(%dma_wait3A_718 : memref<4096x8xf32, #tpu.memory_space<hbm>>) dst(%dma_wait3A_708 : memref<128x8xf32, #tpu.memory_space<vmem>>)
    %dma_wait3A_719 = arith.constant 15 : i32
    %dma_wait3A_720 = arith.constant 15 : i32
    %dma_wait3A_721 = arith.constant 1920 : i32
    %dma_wait3A_722 = arith.constant 0 : i32
    %dma_wait3A_723 = tpu.memref_slice %arg7[%dma_wait3A_721, %dma_wait3A_722] : memref<5504x8xf32, #tpu.memory_space<vmem>> -> memref<128x8xf32, #tpu.memory_space<vmem>>
    %dma_wait3A_724 = arith.constant 0 : i32
    %dma_wait3A_725 = tpu.memref_slice %arg6[%dma_wait3A_720, %dma_wait3A_724] : memref<43x128xi32, #tpu.memory_space<vmem>> -> memref<1x128xi32, #tpu.memory_space<vmem>>
    %dma_wait3A_726 = tpu.memref_squeeze %dma_wait3A_725 : memref<1x128xi32, #tpu.memory_space<vmem>> -> memref<128xi32, #tpu.memory_space<vmem>>
    %dma_wait3A_727 = arith.constant 0 : i32
    %dma_wait3A_728 = arith.constant 0 : i32
    %dma_wait3A_729 = tpu.memref_slice %arg3[%dma_wait3A_719, %dma_wait3A_727, %dma_wait3A_728] : memref<43x4096x8xf32, #tpu.memory_space<hbm>> -> memref<1x4096x8xf32, #tpu.memory_space<hbm>>
    %dma_wait3A_730 = tpu.memref_squeeze %dma_wait3A_729 : memref<1x4096x8xf32, #tpu.memory_space<hbm>> -> memref<4096x8xf32, #tpu.memory_space<hbm>>
    %dma_wait3A_731 = arith.constant 0 : i32
    %dma_wait3A_732 = arith.constant 0 : i32
    %dma_wait3A_733 = tpu.memref_slice %dma_wait3A_730[%dma_wait3A_731, %dma_wait3A_732] : memref<4096x8xf32, #tpu.memory_space<hbm>> -> memref<4096x8xf32, #tpu.memory_space<hbm>>
    tpu.wait_indirect_dma semaphore(%arg10 : memref<!tpu.dma_semaphore, #tpu.memory_space<semaphore_mem>>) src(%dma_wait3A_733 : memref<4096x8xf32, #tpu.memory_space<hbm>>) dst(%dma_wait3A_723 : memref<128x8xf32, #tpu.memory_space<vmem>>)
    %dma_wait3A_734 = arith.constant 16 : i32
    %dma_wait3A_735 = arith.constant 16 : i32
    %dma_wait3A_736 = arith.constant 2048 : i32
    %dma_wait3A_737 = arith.constant 0 : i32
    %dma_wait3A_738 = tpu.memref_slice %arg7[%dma_wait3A_736, %dma_wait3A_737] : memref<5504x8xf32, #tpu.memory_space<vmem>> -> memref<128x8xf32, #tpu.memory_space<vmem>>
    %dma_wait3A_739 = arith.constant 0 : i32
    %dma_wait3A_740 = tpu.memref_slice %arg6[%dma_wait3A_735, %dma_wait3A_739] : memref<43x128xi32, #tpu.memory_space<vmem>> -> memref<1x128xi32, #tpu.memory_space<vmem>>
    %dma_wait3A_741 = tpu.memref_squeeze %dma_wait3A_740 : memref<1x128xi32, #tpu.memory_space<vmem>> -> memref<128xi32, #tpu.memory_space<vmem>>
    %dma_wait3A_742 = arith.constant 0 : i32
    %dma_wait3A_743 = arith.constant 0 : i32
    %dma_wait3A_744 = tpu.memref_slice %arg3[%dma_wait3A_734, %dma_wait3A_742, %dma_wait3A_743] : memref<43x4096x8xf32, #tpu.memory_space<hbm>> -> memref<1x4096x8xf32, #tpu.memory_space<hbm>>
    %dma_wait3A_745 = tpu.memref_squeeze %dma_wait3A_744 : memref<1x4096x8xf32, #tpu.memory_space<hbm>> -> memref<4096x8xf32, #tpu.memory_space<hbm>>
    %dma_wait3A_746 = arith.constant 0 : i32
    %dma_wait3A_747 = arith.constant 0 : i32
    %dma_wait3A_748 = tpu.memref_slice %dma_wait3A_745[%dma_wait3A_746, %dma_wait3A_747] : memref<4096x8xf32, #tpu.memory_space<hbm>> -> memref<4096x8xf32, #tpu.memory_space<hbm>>
    tpu.wait_indirect_dma semaphore(%arg10 : memref<!tpu.dma_semaphore, #tpu.memory_space<semaphore_mem>>) src(%dma_wait3A_748 : memref<4096x8xf32, #tpu.memory_space<hbm>>) dst(%dma_wait3A_738 : memref<128x8xf32, #tpu.memory_space<vmem>>)
    %dma_wait3A_749 = arith.constant 17 : i32
    %dma_wait3A_750 = arith.constant 17 : i32
    %dma_wait3A_751 = arith.constant 2176 : i32
    %dma_wait3A_752 = arith.constant 0 : i32
    %dma_wait3A_753 = tpu.memref_slice %arg7[%dma_wait3A_751, %dma_wait3A_752] : memref<5504x8xf32, #tpu.memory_space<vmem>> -> memref<128x8xf32, #tpu.memory_space<vmem>>
    %dma_wait3A_754 = arith.constant 0 : i32
    %dma_wait3A_755 = tpu.memref_slice %arg6[%dma_wait3A_750, %dma_wait3A_754] : memref<43x128xi32, #tpu.memory_space<vmem>> -> memref<1x128xi32, #tpu.memory_space<vmem>>
    %dma_wait3A_756 = tpu.memref_squeeze %dma_wait3A_755 : memref<1x128xi32, #tpu.memory_space<vmem>> -> memref<128xi32, #tpu.memory_space<vmem>>
    %dma_wait3A_757 = arith.constant 0 : i32
    %dma_wait3A_758 = arith.constant 0 : i32
    %dma_wait3A_759 = tpu.memref_slice %arg3[%dma_wait3A_749, %dma_wait3A_757, %dma_wait3A_758] : memref<43x4096x8xf32, #tpu.memory_space<hbm>> -> memref<1x4096x8xf32, #tpu.memory_space<hbm>>
    %dma_wait3A_760 = tpu.memref_squeeze %dma_wait3A_759 : memref<1x4096x8xf32, #tpu.memory_space<hbm>> -> memref<4096x8xf32, #tpu.memory_space<hbm>>
    %dma_wait3A_761 = arith.constant 0 : i32
    %dma_wait3A_762 = arith.constant 0 : i32
    %dma_wait3A_763 = tpu.memref_slice %dma_wait3A_760[%dma_wait3A_761, %dma_wait3A_762] : memref<4096x8xf32, #tpu.memory_space<hbm>> -> memref<4096x8xf32, #tpu.memory_space<hbm>>
    tpu.wait_indirect_dma semaphore(%arg10 : memref<!tpu.dma_semaphore, #tpu.memory_space<semaphore_mem>>) src(%dma_wait3A_763 : memref<4096x8xf32, #tpu.memory_space<hbm>>) dst(%dma_wait3A_753 : memref<128x8xf32, #tpu.memory_space<vmem>>)
    %dma_wait3A_764 = arith.constant 18 : i32
    %dma_wait3A_765 = arith.constant 18 : i32
    %dma_wait3A_766 = arith.constant 2304 : i32
    %dma_wait3A_767 = arith.constant 0 : i32
    %dma_wait3A_768 = tpu.memref_slice %arg7[%dma_wait3A_766, %dma_wait3A_767] : memref<5504x8xf32, #tpu.memory_space<vmem>> -> memref<128x8xf32, #tpu.memory_space<vmem>>
    %dma_wait3A_769 = arith.constant 0 : i32
    %dma_wait3A_770 = tpu.memref_slice %arg6[%dma_wait3A_765, %dma_wait3A_769] : memref<43x128xi32, #tpu.memory_space<vmem>> -> memref<1x128xi32, #tpu.memory_space<vmem>>
    %dma_wait3A_771 = tpu.memref_squeeze %dma_wait3A_770 : memref<1x128xi32, #tpu.memory_space<vmem>> -> memref<128xi32, #tpu.memory_space<vmem>>
    %dma_wait3A_772 = arith.constant 0 : i32
    %dma_wait3A_773 = arith.constant 0 : i32
    %dma_wait3A_774 = tpu.memref_slice %arg3[%dma_wait3A_764, %dma_wait3A_772, %dma_wait3A_773] : memref<43x4096x8xf32, #tpu.memory_space<hbm>> -> memref<1x4096x8xf32, #tpu.memory_space<hbm>>
    %dma_wait3A_775 = tpu.memref_squeeze %dma_wait3A_774 : memref<1x4096x8xf32, #tpu.memory_space<hbm>> -> memref<4096x8xf32, #tpu.memory_space<hbm>>
    %dma_wait3A_776 = arith.constant 0 : i32
    %dma_wait3A_777 = arith.constant 0 : i32
    %dma_wait3A_778 = tpu.memref_slice %dma_wait3A_775[%dma_wait3A_776, %dma_wait3A_777] : memref<4096x8xf32, #tpu.memory_space<hbm>> -> memref<4096x8xf32, #tpu.memory_space<hbm>>
    tpu.wait_indirect_dma semaphore(%arg10 : memref<!tpu.dma_semaphore, #tpu.memory_space<semaphore_mem>>) src(%dma_wait3A_778 : memref<4096x8xf32, #tpu.memory_space<hbm>>) dst(%dma_wait3A_768 : memref<128x8xf32, #tpu.memory_space<vmem>>)
    %dma_wait3A_779 = arith.constant 19 : i32
    %dma_wait3A_780 = arith.constant 19 : i32
    %dma_wait3A_781 = arith.constant 2432 : i32
    %dma_wait3A_782 = arith.constant 0 : i32
    %dma_wait3A_783 = tpu.memref_slice %arg7[%dma_wait3A_781, %dma_wait3A_782] : memref<5504x8xf32, #tpu.memory_space<vmem>> -> memref<128x8xf32, #tpu.memory_space<vmem>>
    %dma_wait3A_784 = arith.constant 0 : i32
    %dma_wait3A_785 = tpu.memref_slice %arg6[%dma_wait3A_780, %dma_wait3A_784] : memref<43x128xi32, #tpu.memory_space<vmem>> -> memref<1x128xi32, #tpu.memory_space<vmem>>
    %dma_wait3A_786 = tpu.memref_squeeze %dma_wait3A_785 : memref<1x128xi32, #tpu.memory_space<vmem>> -> memref<128xi32, #tpu.memory_space<vmem>>
    %dma_wait3A_787 = arith.constant 0 : i32
    %dma_wait3A_788 = arith.constant 0 : i32
    %dma_wait3A_789 = tpu.memref_slice %arg3[%dma_wait3A_779, %dma_wait3A_787, %dma_wait3A_788] : memref<43x4096x8xf32, #tpu.memory_space<hbm>> -> memref<1x4096x8xf32, #tpu.memory_space<hbm>>
    %dma_wait3A_790 = tpu.memref_squeeze %dma_wait3A_789 : memref<1x4096x8xf32, #tpu.memory_space<hbm>> -> memref<4096x8xf32, #tpu.memory_space<hbm>>
    %dma_wait3A_791 = arith.constant 0 : i32
    %dma_wait3A_792 = arith.constant 0 : i32
    %dma_wait3A_793 = tpu.memref_slice %dma_wait3A_790[%dma_wait3A_791, %dma_wait3A_792] : memref<4096x8xf32, #tpu.memory_space<hbm>> -> memref<4096x8xf32, #tpu.memory_space<hbm>>
    tpu.wait_indirect_dma semaphore(%arg10 : memref<!tpu.dma_semaphore, #tpu.memory_space<semaphore_mem>>) src(%dma_wait3A_793 : memref<4096x8xf32, #tpu.memory_space<hbm>>) dst(%dma_wait3A_783 : memref<128x8xf32, #tpu.memory_space<vmem>>)
    %dma_wait3A_794 = arith.constant 20 : i32
    %dma_wait3A_795 = arith.constant 20 : i32
    %dma_wait3A_796 = arith.constant 2560 : i32
    %dma_wait3A_797 = arith.constant 0 : i32
    %dma_wait3A_798 = tpu.memref_slice %arg7[%dma_wait3A_796, %dma_wait3A_797] : memref<5504x8xf32, #tpu.memory_space<vmem>> -> memref<128x8xf32, #tpu.memory_space<vmem>>
    %dma_wait3A_799 = arith.constant 0 : i32
    %dma_wait3A_800 = tpu.memref_slice %arg6[%dma_wait3A_795, %dma_wait3A_799] : memref<43x128xi32, #tpu.memory_space<vmem>> -> memref<1x128xi32, #tpu.memory_space<vmem>>
    %dma_wait3A_801 = tpu.memref_squeeze %dma_wait3A_800 : memref<1x128xi32, #tpu.memory_space<vmem>> -> memref<128xi32, #tpu.memory_space<vmem>>
    %dma_wait3A_802 = arith.constant 0 : i32
    %dma_wait3A_803 = arith.constant 0 : i32
    %dma_wait3A_804 = tpu.memref_slice %arg3[%dma_wait3A_794, %dma_wait3A_802, %dma_wait3A_803] : memref<43x4096x8xf32, #tpu.memory_space<hbm>> -> memref<1x4096x8xf32, #tpu.memory_space<hbm>>
    %dma_wait3A_805 = tpu.memref_squeeze %dma_wait3A_804 : memref<1x4096x8xf32, #tpu.memory_space<hbm>> -> memref<4096x8xf32, #tpu.memory_space<hbm>>
    %dma_wait3A_806 = arith.constant 0 : i32
    %dma_wait3A_807 = arith.constant 0 : i32
    %dma_wait3A_808 = tpu.memref_slice %dma_wait3A_805[%dma_wait3A_806, %dma_wait3A_807] : memref<4096x8xf32, #tpu.memory_space<hbm>> -> memref<4096x8xf32, #tpu.memory_space<hbm>>
    tpu.wait_indirect_dma semaphore(%arg10 : memref<!tpu.dma_semaphore, #tpu.memory_space<semaphore_mem>>) src(%dma_wait3A_808 : memref<4096x8xf32, #tpu.memory_space<hbm>>) dst(%dma_wait3A_798 : memref<128x8xf32, #tpu.memory_space<vmem>>)
    %dma_wait3A_809 = arith.constant 21 : i32
    %dma_wait3A_810 = arith.constant 21 : i32
    %dma_wait3A_811 = arith.constant 2688 : i32
    %dma_wait3A_812 = arith.constant 0 : i32
    %dma_wait3A_813 = tpu.memref_slice %arg7[%dma_wait3A_811, %dma_wait3A_812] : memref<5504x8xf32, #tpu.memory_space<vmem>> -> memref<128x8xf32, #tpu.memory_space<vmem>>
    %dma_wait3A_814 = arith.constant 0 : i32
    %dma_wait3A_815 = tpu.memref_slice %arg6[%dma_wait3A_810, %dma_wait3A_814] : memref<43x128xi32, #tpu.memory_space<vmem>> -> memref<1x128xi32, #tpu.memory_space<vmem>>
    %dma_wait3A_816 = tpu.memref_squeeze %dma_wait3A_815 : memref<1x128xi32, #tpu.memory_space<vmem>> -> memref<128xi32, #tpu.memory_space<vmem>>
    %dma_wait3A_817 = arith.constant 0 : i32
    %dma_wait3A_818 = arith.constant 0 : i32
    %dma_wait3A_819 = tpu.memref_slice %arg3[%dma_wait3A_809, %dma_wait3A_817, %dma_wait3A_818] : memref<43x4096x8xf32, #tpu.memory_space<hbm>> -> memref<1x4096x8xf32, #tpu.memory_space<hbm>>
    %dma_wait3A_820 = tpu.memref_squeeze %dma_wait3A_819 : memref<1x4096x8xf32, #tpu.memory_space<hbm>> -> memref<4096x8xf32, #tpu.memory_space<hbm>>
    %dma_wait3A_821 = arith.constant 0 : i32
    %dma_wait3A_822 = arith.constant 0 : i32
    %dma_wait3A_823 = tpu.memref_slice %dma_wait3A_820[%dma_wait3A_821, %dma_wait3A_822] : memref<4096x8xf32, #tpu.memory_space<hbm>> -> memref<4096x8xf32, #tpu.memory_space<hbm>>
    tpu.wait_indirect_dma semaphore(%arg10 : memref<!tpu.dma_semaphore, #tpu.memory_space<semaphore_mem>>) src(%dma_wait3A_823 : memref<4096x8xf32, #tpu.memory_space<hbm>>) dst(%dma_wait3A_813 : memref<128x8xf32, #tpu.memory_space<vmem>>)
    %dma_start3A_824 = arith.constant 33 : i32
    %dma_start3A_825 = arith.constant 33 : i32
    %dma_start3A_826 = arith.constant 4224 : i32
    %dma_start3A_827 = arith.constant 0 : i32
    %dma_start3A_828 = tpu.memref_slice %arg7[%dma_start3A_826, %dma_start3A_827] : memref<5504x8xf32, #tpu.memory_space<vmem>> -> memref<128x8xf32, #tpu.memory_space<vmem>>
    %dma_start3A_829 = arith.constant 0 : i32
    %dma_start3A_830 = tpu.memref_slice %arg6[%dma_start3A_825, %dma_start3A_829] : memref<43x128xi32, #tpu.memory_space<vmem>> -> memref<1x128xi32, #tpu.memory_space<vmem>>
    %dma_start3A_831 = tpu.memref_squeeze %dma_start3A_830 : memref<1x128xi32, #tpu.memory_space<vmem>> -> memref<128xi32, #tpu.memory_space<vmem>>
    %dma_start3A_832 = arith.constant 0 : i32
    %dma_start3A_833 = arith.constant 0 : i32
    %dma_start3A_834 = tpu.memref_slice %arg3[%dma_start3A_824, %dma_start3A_832, %dma_start3A_833] : memref<43x4096x8xf32, #tpu.memory_space<hbm>> -> memref<1x4096x8xf32, #tpu.memory_space<hbm>>
    %dma_start3A_835 = tpu.memref_squeeze %dma_start3A_834 : memref<1x4096x8xf32, #tpu.memory_space<hbm>> -> memref<4096x8xf32, #tpu.memory_space<hbm>>
    %dma_start3A_836 = arith.constant 0 : i32
    %dma_start3A_837 = arith.constant 0 : i32
    %dma_start3A_838 = tpu.memref_slice %dma_start3A_835[%dma_start3A_836, %dma_start3A_837] : memref<4096x8xf32, #tpu.memory_space<hbm>> -> memref<4096x8xf32, #tpu.memory_space<hbm>>
    tpu.enqueue_indirect_dma source(%dma_start3A_838 : memref<4096x8xf32, #tpu.memory_space<hbm>>) target(%dma_start3A_828 : memref<128x8xf32, #tpu.memory_space<vmem>>) offsets(%dma_start3A_831 : memref<128xi32, #tpu.memory_space<vmem>>) semaphore(%arg10 : memref<!tpu.dma_semaphore, #tpu.memory_space<semaphore_mem>>)
    %dma_start3A_839 = arith.constant 34 : i32
    %dma_start3A_840 = arith.constant 34 : i32
    %dma_start3A_841 = arith.constant 4352 : i32
    %dma_start3A_842 = arith.constant 0 : i32
    %dma_start3A_843 = tpu.memref_slice %arg7[%dma_start3A_841, %dma_start3A_842] : memref<5504x8xf32, #tpu.memory_space<vmem>> -> memref<128x8xf32, #tpu.memory_space<vmem>>
    %dma_start3A_844 = arith.constant 0 : i32
    %dma_start3A_845 = tpu.memref_slice %arg6[%dma_start3A_840, %dma_start3A_844] : memref<43x128xi32, #tpu.memory_space<vmem>> -> memref<1x128xi32, #tpu.memory_space<vmem>>
    %dma_start3A_846 = tpu.memref_squeeze %dma_start3A_845 : memref<1x128xi32, #tpu.memory_space<vmem>> -> memref<128xi32, #tpu.memory_space<vmem>>
    %dma_start3A_847 = arith.constant 0 : i32
    %dma_start3A_848 = arith.constant 0 : i32
    %dma_start3A_849 = tpu.memref_slice %arg3[%dma_start3A_839, %dma_start3A_847, %dma_start3A_848] : memref<43x4096x8xf32, #tpu.memory_space<hbm>> -> memref<1x4096x8xf32, #tpu.memory_space<hbm>>
    %dma_start3A_850 = tpu.memref_squeeze %dma_start3A_849 : memref<1x4096x8xf32, #tpu.memory_space<hbm>> -> memref<4096x8xf32, #tpu.memory_space<hbm>>
    %dma_start3A_851 = arith.constant 0 : i32
    %dma_start3A_852 = arith.constant 0 : i32
    %dma_start3A_853 = tpu.memref_slice %dma_start3A_850[%dma_start3A_851, %dma_start3A_852] : memref<4096x8xf32, #tpu.memory_space<hbm>> -> memref<4096x8xf32, #tpu.memory_space<hbm>>
    tpu.enqueue_indirect_dma source(%dma_start3A_853 : memref<4096x8xf32, #tpu.memory_space<hbm>>) target(%dma_start3A_843 : memref<128x8xf32, #tpu.memory_space<vmem>>) offsets(%dma_start3A_846 : memref<128xi32, #tpu.memory_space<vmem>>) semaphore(%arg10 : memref<!tpu.dma_semaphore, #tpu.memory_space<semaphore_mem>>)
    %dma_start3A_854 = arith.constant 35 : i32
    %dma_start3A_855 = arith.constant 35 : i32
    %dma_start3A_856 = arith.constant 4480 : i32
    %dma_start3A_857 = arith.constant 0 : i32
    %dma_start3A_858 = tpu.memref_slice %arg7[%dma_start3A_856, %dma_start3A_857] : memref<5504x8xf32, #tpu.memory_space<vmem>> -> memref<128x8xf32, #tpu.memory_space<vmem>>
    %dma_start3A_859 = arith.constant 0 : i32
    %dma_start3A_860 = tpu.memref_slice %arg6[%dma_start3A_855, %dma_start3A_859] : memref<43x128xi32, #tpu.memory_space<vmem>> -> memref<1x128xi32, #tpu.memory_space<vmem>>
    %dma_start3A_861 = tpu.memref_squeeze %dma_start3A_860 : memref<1x128xi32, #tpu.memory_space<vmem>> -> memref<128xi32, #tpu.memory_space<vmem>>
    %dma_start3A_862 = arith.constant 0 : i32
    %dma_start3A_863 = arith.constant 0 : i32
    %dma_start3A_864 = tpu.memref_slice %arg3[%dma_start3A_854, %dma_start3A_862, %dma_start3A_863] : memref<43x4096x8xf32, #tpu.memory_space<hbm>> -> memref<1x4096x8xf32, #tpu.memory_space<hbm>>
    %dma_start3A_865 = tpu.memref_squeeze %dma_start3A_864 : memref<1x4096x8xf32, #tpu.memory_space<hbm>> -> memref<4096x8xf32, #tpu.memory_space<hbm>>
    %dma_start3A_866 = arith.constant 0 : i32
    %dma_start3A_867 = arith.constant 0 : i32
    %dma_start3A_868 = tpu.memref_slice %dma_start3A_865[%dma_start3A_866, %dma_start3A_867] : memref<4096x8xf32, #tpu.memory_space<hbm>> -> memref<4096x8xf32, #tpu.memory_space<hbm>>
    tpu.enqueue_indirect_dma source(%dma_start3A_868 : memref<4096x8xf32, #tpu.memory_space<hbm>>) target(%dma_start3A_858 : memref<128x8xf32, #tpu.memory_space<vmem>>) offsets(%dma_start3A_861 : memref<128xi32, #tpu.memory_space<vmem>>) semaphore(%arg10 : memref<!tpu.dma_semaphore, #tpu.memory_space<semaphore_mem>>)
    %dma_start3A_869 = arith.constant 36 : i32
    %dma_start3A_870 = arith.constant 36 : i32
    %dma_start3A_871 = arith.constant 4608 : i32
    %dma_start3A_872 = arith.constant 0 : i32
    %dma_start3A_873 = tpu.memref_slice %arg7[%dma_start3A_871, %dma_start3A_872] : memref<5504x8xf32, #tpu.memory_space<vmem>> -> memref<128x8xf32, #tpu.memory_space<vmem>>
    %dma_start3A_874 = arith.constant 0 : i32
    %dma_start3A_875 = tpu.memref_slice %arg6[%dma_start3A_870, %dma_start3A_874] : memref<43x128xi32, #tpu.memory_space<vmem>> -> memref<1x128xi32, #tpu.memory_space<vmem>>
    %dma_start3A_876 = tpu.memref_squeeze %dma_start3A_875 : memref<1x128xi32, #tpu.memory_space<vmem>> -> memref<128xi32, #tpu.memory_space<vmem>>
    %dma_start3A_877 = arith.constant 0 : i32
    %dma_start3A_878 = arith.constant 0 : i32
    %dma_start3A_879 = tpu.memref_slice %arg3[%dma_start3A_869, %dma_start3A_877, %dma_start3A_878] : memref<43x4096x8xf32, #tpu.memory_space<hbm>> -> memref<1x4096x8xf32, #tpu.memory_space<hbm>>
    %dma_start3A_880 = tpu.memref_squeeze %dma_start3A_879 : memref<1x4096x8xf32, #tpu.memory_space<hbm>> -> memref<4096x8xf32, #tpu.memory_space<hbm>>
    %dma_start3A_881 = arith.constant 0 : i32
    %dma_start3A_882 = arith.constant 0 : i32
    %dma_start3A_883 = tpu.memref_slice %dma_start3A_880[%dma_start3A_881, %dma_start3A_882] : memref<4096x8xf32, #tpu.memory_space<hbm>> -> memref<4096x8xf32, #tpu.memory_space<hbm>>
    tpu.enqueue_indirect_dma source(%dma_start3A_883 : memref<4096x8xf32, #tpu.memory_space<hbm>>) target(%dma_start3A_873 : memref<128x8xf32, #tpu.memory_space<vmem>>) offsets(%dma_start3A_876 : memref<128xi32, #tpu.memory_space<vmem>>) semaphore(%arg10 : memref<!tpu.dma_semaphore, #tpu.memory_space<semaphore_mem>>)
    %dma_start3A_884 = arith.constant 37 : i32
    %dma_start3A_885 = arith.constant 37 : i32
    %dma_start3A_886 = arith.constant 4736 : i32
    %dma_start3A_887 = arith.constant 0 : i32
    %dma_start3A_888 = tpu.memref_slice %arg7[%dma_start3A_886, %dma_start3A_887] : memref<5504x8xf32, #tpu.memory_space<vmem>> -> memref<128x8xf32, #tpu.memory_space<vmem>>
    %dma_start3A_889 = arith.constant 0 : i32
    %dma_start3A_890 = tpu.memref_slice %arg6[%dma_start3A_885, %dma_start3A_889] : memref<43x128xi32, #tpu.memory_space<vmem>> -> memref<1x128xi32, #tpu.memory_space<vmem>>
    %dma_start3A_891 = tpu.memref_squeeze %dma_start3A_890 : memref<1x128xi32, #tpu.memory_space<vmem>> -> memref<128xi32, #tpu.memory_space<vmem>>
    %dma_start3A_892 = arith.constant 0 : i32
    %dma_start3A_893 = arith.constant 0 : i32
    %dma_start3A_894 = tpu.memref_slice %arg3[%dma_start3A_884, %dma_start3A_892, %dma_start3A_893] : memref<43x4096x8xf32, #tpu.memory_space<hbm>> -> memref<1x4096x8xf32, #tpu.memory_space<hbm>>
    %dma_start3A_895 = tpu.memref_squeeze %dma_start3A_894 : memref<1x4096x8xf32, #tpu.memory_space<hbm>> -> memref<4096x8xf32, #tpu.memory_space<hbm>>
    %dma_start3A_896 = arith.constant 0 : i32
    %dma_start3A_897 = arith.constant 0 : i32
    %dma_start3A_898 = tpu.memref_slice %dma_start3A_895[%dma_start3A_896, %dma_start3A_897] : memref<4096x8xf32, #tpu.memory_space<hbm>> -> memref<4096x8xf32, #tpu.memory_space<hbm>>
    tpu.enqueue_indirect_dma source(%dma_start3A_898 : memref<4096x8xf32, #tpu.memory_space<hbm>>) target(%dma_start3A_888 : memref<128x8xf32, #tpu.memory_space<vmem>>) offsets(%dma_start3A_891 : memref<128xi32, #tpu.memory_space<vmem>>) semaphore(%arg10 : memref<!tpu.dma_semaphore, #tpu.memory_space<semaphore_mem>>)
    %dma_start3A_899 = arith.constant 38 : i32
    %dma_start3A_900 = arith.constant 38 : i32
    %dma_start3A_901 = arith.constant 4864 : i32
    %dma_start3A_902 = arith.constant 0 : i32
    %dma_start3A_903 = tpu.memref_slice %arg7[%dma_start3A_901, %dma_start3A_902] : memref<5504x8xf32, #tpu.memory_space<vmem>> -> memref<128x8xf32, #tpu.memory_space<vmem>>
    %dma_start3A_904 = arith.constant 0 : i32
    %dma_start3A_905 = tpu.memref_slice %arg6[%dma_start3A_900, %dma_start3A_904] : memref<43x128xi32, #tpu.memory_space<vmem>> -> memref<1x128xi32, #tpu.memory_space<vmem>>
    %dma_start3A_906 = tpu.memref_squeeze %dma_start3A_905 : memref<1x128xi32, #tpu.memory_space<vmem>> -> memref<128xi32, #tpu.memory_space<vmem>>
    %dma_start3A_907 = arith.constant 0 : i32
    %dma_start3A_908 = arith.constant 0 : i32
    %dma_start3A_909 = tpu.memref_slice %arg3[%dma_start3A_899, %dma_start3A_907, %dma_start3A_908] : memref<43x4096x8xf32, #tpu.memory_space<hbm>> -> memref<1x4096x8xf32, #tpu.memory_space<hbm>>
    %dma_start3A_910 = tpu.memref_squeeze %dma_start3A_909 : memref<1x4096x8xf32, #tpu.memory_space<hbm>> -> memref<4096x8xf32, #tpu.memory_space<hbm>>
    %dma_start3A_911 = arith.constant 0 : i32
    %dma_start3A_912 = arith.constant 0 : i32
    %dma_start3A_913 = tpu.memref_slice %dma_start3A_910[%dma_start3A_911, %dma_start3A_912] : memref<4096x8xf32, #tpu.memory_space<hbm>> -> memref<4096x8xf32, #tpu.memory_space<hbm>>
    tpu.enqueue_indirect_dma source(%dma_start3A_913 : memref<4096x8xf32, #tpu.memory_space<hbm>>) target(%dma_start3A_903 : memref<128x8xf32, #tpu.memory_space<vmem>>) offsets(%dma_start3A_906 : memref<128xi32, #tpu.memory_space<vmem>>) semaphore(%arg10 : memref<!tpu.dma_semaphore, #tpu.memory_space<semaphore_mem>>)
    %dma_start3A_914 = arith.constant 39 : i32
    %dma_start3A_915 = arith.constant 39 : i32
    %dma_start3A_916 = arith.constant 4992 : i32
    %dma_start3A_917 = arith.constant 0 : i32
    %dma_start3A_918 = tpu.memref_slice %arg7[%dma_start3A_916, %dma_start3A_917] : memref<5504x8xf32, #tpu.memory_space<vmem>> -> memref<128x8xf32, #tpu.memory_space<vmem>>
    %dma_start3A_919 = arith.constant 0 : i32
    %dma_start3A_920 = tpu.memref_slice %arg6[%dma_start3A_915, %dma_start3A_919] : memref<43x128xi32, #tpu.memory_space<vmem>> -> memref<1x128xi32, #tpu.memory_space<vmem>>
    %dma_start3A_921 = tpu.memref_squeeze %dma_start3A_920 : memref<1x128xi32, #tpu.memory_space<vmem>> -> memref<128xi32, #tpu.memory_space<vmem>>
    %dma_start3A_922 = arith.constant 0 : i32
    %dma_start3A_923 = arith.constant 0 : i32
    %dma_start3A_924 = tpu.memref_slice %arg3[%dma_start3A_914, %dma_start3A_922, %dma_start3A_923] : memref<43x4096x8xf32, #tpu.memory_space<hbm>> -> memref<1x4096x8xf32, #tpu.memory_space<hbm>>
    %dma_start3A_925 = tpu.memref_squeeze %dma_start3A_924 : memref<1x4096x8xf32, #tpu.memory_space<hbm>> -> memref<4096x8xf32, #tpu.memory_space<hbm>>
    %dma_start3A_926 = arith.constant 0 : i32
    %dma_start3A_927 = arith.constant 0 : i32
    %dma_start3A_928 = tpu.memref_slice %dma_start3A_925[%dma_start3A_926, %dma_start3A_927] : memref<4096x8xf32, #tpu.memory_space<hbm>> -> memref<4096x8xf32, #tpu.memory_space<hbm>>
    tpu.enqueue_indirect_dma source(%dma_start3A_928 : memref<4096x8xf32, #tpu.memory_space<hbm>>) target(%dma_start3A_918 : memref<128x8xf32, #tpu.memory_space<vmem>>) offsets(%dma_start3A_921 : memref<128xi32, #tpu.memory_space<vmem>>) semaphore(%arg10 : memref<!tpu.dma_semaphore, #tpu.memory_space<semaphore_mem>>)
    %dma_start3A_929 = arith.constant 40 : i32
    %dma_start3A_930 = arith.constant 40 : i32
    %dma_start3A_931 = arith.constant 5120 : i32
    %dma_start3A_932 = arith.constant 0 : i32
    %dma_start3A_933 = tpu.memref_slice %arg7[%dma_start3A_931, %dma_start3A_932] : memref<5504x8xf32, #tpu.memory_space<vmem>> -> memref<128x8xf32, #tpu.memory_space<vmem>>
    %dma_start3A_934 = arith.constant 0 : i32
    %dma_start3A_935 = tpu.memref_slice %arg6[%dma_start3A_930, %dma_start3A_934] : memref<43x128xi32, #tpu.memory_space<vmem>> -> memref<1x128xi32, #tpu.memory_space<vmem>>
    %dma_start3A_936 = tpu.memref_squeeze %dma_start3A_935 : memref<1x128xi32, #tpu.memory_space<vmem>> -> memref<128xi32, #tpu.memory_space<vmem>>
    %dma_start3A_937 = arith.constant 0 : i32
    %dma_start3A_938 = arith.constant 0 : i32
    %dma_start3A_939 = tpu.memref_slice %arg3[%dma_start3A_929, %dma_start3A_937, %dma_start3A_938] : memref<43x4096x8xf32, #tpu.memory_space<hbm>> -> memref<1x4096x8xf32, #tpu.memory_space<hbm>>
    %dma_start3A_940 = tpu.memref_squeeze %dma_start3A_939 : memref<1x4096x8xf32, #tpu.memory_space<hbm>> -> memref<4096x8xf32, #tpu.memory_space<hbm>>
    %dma_start3A_941 = arith.constant 0 : i32
    %dma_start3A_942 = arith.constant 0 : i32
    %dma_start3A_943 = tpu.memref_slice %dma_start3A_940[%dma_start3A_941, %dma_start3A_942] : memref<4096x8xf32, #tpu.memory_space<hbm>> -> memref<4096x8xf32, #tpu.memory_space<hbm>>
    tpu.enqueue_indirect_dma source(%dma_start3A_943 : memref<4096x8xf32, #tpu.memory_space<hbm>>) target(%dma_start3A_933 : memref<128x8xf32, #tpu.memory_space<vmem>>) offsets(%dma_start3A_936 : memref<128xi32, #tpu.memory_space<vmem>>) semaphore(%arg10 : memref<!tpu.dma_semaphore, #tpu.memory_space<semaphore_mem>>)
    %dma_start3A_944 = arith.constant 41 : i32
    %dma_start3A_945 = arith.constant 41 : i32
    %dma_start3A_946 = arith.constant 5248 : i32
    %dma_start3A_947 = arith.constant 0 : i32
    %dma_start3A_948 = tpu.memref_slice %arg7[%dma_start3A_946, %dma_start3A_947] : memref<5504x8xf32, #tpu.memory_space<vmem>> -> memref<128x8xf32, #tpu.memory_space<vmem>>
    %dma_start3A_949 = arith.constant 0 : i32
    %dma_start3A_950 = tpu.memref_slice %arg6[%dma_start3A_945, %dma_start3A_949] : memref<43x128xi32, #tpu.memory_space<vmem>> -> memref<1x128xi32, #tpu.memory_space<vmem>>
    %dma_start3A_951 = tpu.memref_squeeze %dma_start3A_950 : memref<1x128xi32, #tpu.memory_space<vmem>> -> memref<128xi32, #tpu.memory_space<vmem>>
    %dma_start3A_952 = arith.constant 0 : i32
    %dma_start3A_953 = arith.constant 0 : i32
    %dma_start3A_954 = tpu.memref_slice %arg3[%dma_start3A_944, %dma_start3A_952, %dma_start3A_953] : memref<43x4096x8xf32, #tpu.memory_space<hbm>> -> memref<1x4096x8xf32, #tpu.memory_space<hbm>>
    %dma_start3A_955 = tpu.memref_squeeze %dma_start3A_954 : memref<1x4096x8xf32, #tpu.memory_space<hbm>> -> memref<4096x8xf32, #tpu.memory_space<hbm>>
    %dma_start3A_956 = arith.constant 0 : i32
    %dma_start3A_957 = arith.constant 0 : i32
    %dma_start3A_958 = tpu.memref_slice %dma_start3A_955[%dma_start3A_956, %dma_start3A_957] : memref<4096x8xf32, #tpu.memory_space<hbm>> -> memref<4096x8xf32, #tpu.memory_space<hbm>>
    tpu.enqueue_indirect_dma source(%dma_start3A_958 : memref<4096x8xf32, #tpu.memory_space<hbm>>) target(%dma_start3A_948 : memref<128x8xf32, #tpu.memory_space<vmem>>) offsets(%dma_start3A_951 : memref<128xi32, #tpu.memory_space<vmem>>) semaphore(%arg10 : memref<!tpu.dma_semaphore, #tpu.memory_space<semaphore_mem>>)
    %dma_start3A_959 = arith.constant 42 : i32
    %dma_start3A_960 = arith.constant 42 : i32
    %dma_start3A_961 = arith.constant 5376 : i32
    %dma_start3A_962 = arith.constant 0 : i32
    %dma_start3A_963 = tpu.memref_slice %arg7[%dma_start3A_961, %dma_start3A_962] : memref<5504x8xf32, #tpu.memory_space<vmem>> -> memref<128x8xf32, #tpu.memory_space<vmem>>
    %dma_start3A_964 = arith.constant 0 : i32
    %dma_start3A_965 = tpu.memref_slice %arg6[%dma_start3A_960, %dma_start3A_964] : memref<43x128xi32, #tpu.memory_space<vmem>> -> memref<1x128xi32, #tpu.memory_space<vmem>>
    %dma_start3A_966 = tpu.memref_squeeze %dma_start3A_965 : memref<1x128xi32, #tpu.memory_space<vmem>> -> memref<128xi32, #tpu.memory_space<vmem>>
    %dma_start3A_967 = arith.constant 0 : i32
    %dma_start3A_968 = arith.constant 0 : i32
    %dma_start3A_969 = tpu.memref_slice %arg3[%dma_start3A_959, %dma_start3A_967, %dma_start3A_968] : memref<43x4096x8xf32, #tpu.memory_space<hbm>> -> memref<1x4096x8xf32, #tpu.memory_space<hbm>>
    %dma_start3A_970 = tpu.memref_squeeze %dma_start3A_969 : memref<1x4096x8xf32, #tpu.memory_space<hbm>> -> memref<4096x8xf32, #tpu.memory_space<hbm>>
    %dma_start3A_971 = arith.constant 0 : i32
    %dma_start3A_972 = arith.constant 0 : i32
    %dma_start3A_973 = tpu.memref_slice %dma_start3A_970[%dma_start3A_971, %dma_start3A_972] : memref<4096x8xf32, #tpu.memory_space<hbm>> -> memref<4096x8xf32, #tpu.memory_space<hbm>>
    tpu.enqueue_indirect_dma source(%dma_start3A_973 : memref<4096x8xf32, #tpu.memory_space<hbm>>) target(%dma_start3A_963 : memref<128x8xf32, #tpu.memory_space<vmem>>) offsets(%dma_start3A_966 : memref<128xi32, #tpu.memory_space<vmem>>) semaphore(%arg10 : memref<!tpu.dma_semaphore, #tpu.memory_space<semaphore_mem>>)
    %dma_wait3A_974 = arith.constant 22 : i32
    %dma_wait3A_975 = arith.constant 22 : i32
    %dma_wait3A_976 = arith.constant 2816 : i32
    %dma_wait3A_977 = arith.constant 0 : i32
    %dma_wait3A_978 = tpu.memref_slice %arg7[%dma_wait3A_976, %dma_wait3A_977] : memref<5504x8xf32, #tpu.memory_space<vmem>> -> memref<128x8xf32, #tpu.memory_space<vmem>>
    %dma_wait3A_979 = arith.constant 0 : i32
    %dma_wait3A_980 = tpu.memref_slice %arg6[%dma_wait3A_975, %dma_wait3A_979] : memref<43x128xi32, #tpu.memory_space<vmem>> -> memref<1x128xi32, #tpu.memory_space<vmem>>
    %dma_wait3A_981 = tpu.memref_squeeze %dma_wait3A_980 : memref<1x128xi32, #tpu.memory_space<vmem>> -> memref<128xi32, #tpu.memory_space<vmem>>
    %dma_wait3A_982 = arith.constant 0 : i32
    %dma_wait3A_983 = arith.constant 0 : i32
    %dma_wait3A_984 = tpu.memref_slice %arg3[%dma_wait3A_974, %dma_wait3A_982, %dma_wait3A_983] : memref<43x4096x8xf32, #tpu.memory_space<hbm>> -> memref<1x4096x8xf32, #tpu.memory_space<hbm>>
    %dma_wait3A_985 = tpu.memref_squeeze %dma_wait3A_984 : memref<1x4096x8xf32, #tpu.memory_space<hbm>> -> memref<4096x8xf32, #tpu.memory_space<hbm>>
    %dma_wait3A_986 = arith.constant 0 : i32
    %dma_wait3A_987 = arith.constant 0 : i32
    %dma_wait3A_988 = tpu.memref_slice %dma_wait3A_985[%dma_wait3A_986, %dma_wait3A_987] : memref<4096x8xf32, #tpu.memory_space<hbm>> -> memref<4096x8xf32, #tpu.memory_space<hbm>>
    tpu.wait_indirect_dma semaphore(%arg10 : memref<!tpu.dma_semaphore, #tpu.memory_space<semaphore_mem>>) src(%dma_wait3A_988 : memref<4096x8xf32, #tpu.memory_space<hbm>>) dst(%dma_wait3A_978 : memref<128x8xf32, #tpu.memory_space<vmem>>)
    %dma_wait3A_989 = arith.constant 23 : i32
    %dma_wait3A_990 = arith.constant 23 : i32
    %dma_wait3A_991 = arith.constant 2944 : i32
    %dma_wait3A_992 = arith.constant 0 : i32
    %dma_wait3A_993 = tpu.memref_slice %arg7[%dma_wait3A_991, %dma_wait3A_992] : memref<5504x8xf32, #tpu.memory_space<vmem>> -> memref<128x8xf32, #tpu.memory_space<vmem>>
    %dma_wait3A_994 = arith.constant 0 : i32
    %dma_wait3A_995 = tpu.memref_slice %arg6[%dma_wait3A_990, %dma_wait3A_994] : memref<43x128xi32, #tpu.memory_space<vmem>> -> memref<1x128xi32, #tpu.memory_space<vmem>>
    %dma_wait3A_996 = tpu.memref_squeeze %dma_wait3A_995 : memref<1x128xi32, #tpu.memory_space<vmem>> -> memref<128xi32, #tpu.memory_space<vmem>>
    %dma_wait3A_997 = arith.constant 0 : i32
    %dma_wait3A_998 = arith.constant 0 : i32
    %dma_wait3A_999 = tpu.memref_slice %arg3[%dma_wait3A_989, %dma_wait3A_997, %dma_wait3A_998] : memref<43x4096x8xf32, #tpu.memory_space<hbm>> -> memref<1x4096x8xf32, #tpu.memory_space<hbm>>
    %dma_wait3A_1000 = tpu.memref_squeeze %dma_wait3A_999 : memref<1x4096x8xf32, #tpu.memory_space<hbm>> -> memref<4096x8xf32, #tpu.memory_space<hbm>>
    %dma_wait3A_1001 = arith.constant 0 : i32
    %dma_wait3A_1002 = arith.constant 0 : i32
    %dma_wait3A_1003 = tpu.memref_slice %dma_wait3A_1000[%dma_wait3A_1001, %dma_wait3A_1002] : memref<4096x8xf32, #tpu.memory_space<hbm>> -> memref<4096x8xf32, #tpu.memory_space<hbm>>
    tpu.wait_indirect_dma semaphore(%arg10 : memref<!tpu.dma_semaphore, #tpu.memory_space<semaphore_mem>>) src(%dma_wait3A_1003 : memref<4096x8xf32, #tpu.memory_space<hbm>>) dst(%dma_wait3A_993 : memref<128x8xf32, #tpu.memory_space<vmem>>)
    %dma_wait3A_1004 = arith.constant 24 : i32
    %dma_wait3A_1005 = arith.constant 24 : i32
    %dma_wait3A_1006 = arith.constant 3072 : i32
    %dma_wait3A_1007 = arith.constant 0 : i32
    %dma_wait3A_1008 = tpu.memref_slice %arg7[%dma_wait3A_1006, %dma_wait3A_1007] : memref<5504x8xf32, #tpu.memory_space<vmem>> -> memref<128x8xf32, #tpu.memory_space<vmem>>
    %dma_wait3A_1009 = arith.constant 0 : i32
    %dma_wait3A_1010 = tpu.memref_slice %arg6[%dma_wait3A_1005, %dma_wait3A_1009] : memref<43x128xi32, #tpu.memory_space<vmem>> -> memref<1x128xi32, #tpu.memory_space<vmem>>
    %dma_wait3A_1011 = tpu.memref_squeeze %dma_wait3A_1010 : memref<1x128xi32, #tpu.memory_space<vmem>> -> memref<128xi32, #tpu.memory_space<vmem>>
    %dma_wait3A_1012 = arith.constant 0 : i32
    %dma_wait3A_1013 = arith.constant 0 : i32
    %dma_wait3A_1014 = tpu.memref_slice %arg3[%dma_wait3A_1004, %dma_wait3A_1012, %dma_wait3A_1013] : memref<43x4096x8xf32, #tpu.memory_space<hbm>> -> memref<1x4096x8xf32, #tpu.memory_space<hbm>>
    %dma_wait3A_1015 = tpu.memref_squeeze %dma_wait3A_1014 : memref<1x4096x8xf32, #tpu.memory_space<hbm>> -> memref<4096x8xf32, #tpu.memory_space<hbm>>
    %dma_wait3A_1016 = arith.constant 0 : i32
    %dma_wait3A_1017 = arith.constant 0 : i32
    %dma_wait3A_1018 = tpu.memref_slice %dma_wait3A_1015[%dma_wait3A_1016, %dma_wait3A_1017] : memref<4096x8xf32, #tpu.memory_space<hbm>> -> memref<4096x8xf32, #tpu.memory_space<hbm>>
    tpu.wait_indirect_dma semaphore(%arg10 : memref<!tpu.dma_semaphore, #tpu.memory_space<semaphore_mem>>) src(%dma_wait3A_1018 : memref<4096x8xf32, #tpu.memory_space<hbm>>) dst(%dma_wait3A_1008 : memref<128x8xf32, #tpu.memory_space<vmem>>)
    %dma_wait3A_1019 = arith.constant 25 : i32
    %dma_wait3A_1020 = arith.constant 25 : i32
    %dma_wait3A_1021 = arith.constant 3200 : i32
    %dma_wait3A_1022 = arith.constant 0 : i32
    %dma_wait3A_1023 = tpu.memref_slice %arg7[%dma_wait3A_1021, %dma_wait3A_1022] : memref<5504x8xf32, #tpu.memory_space<vmem>> -> memref<128x8xf32, #tpu.memory_space<vmem>>
    %dma_wait3A_1024 = arith.constant 0 : i32
    %dma_wait3A_1025 = tpu.memref_slice %arg6[%dma_wait3A_1020, %dma_wait3A_1024] : memref<43x128xi32, #tpu.memory_space<vmem>> -> memref<1x128xi32, #tpu.memory_space<vmem>>
    %dma_wait3A_1026 = tpu.memref_squeeze %dma_wait3A_1025 : memref<1x128xi32, #tpu.memory_space<vmem>> -> memref<128xi32, #tpu.memory_space<vmem>>
    %dma_wait3A_1027 = arith.constant 0 : i32
    %dma_wait3A_1028 = arith.constant 0 : i32
    %dma_wait3A_1029 = tpu.memref_slice %arg3[%dma_wait3A_1019, %dma_wait3A_1027, %dma_wait3A_1028] : memref<43x4096x8xf32, #tpu.memory_space<hbm>> -> memref<1x4096x8xf32, #tpu.memory_space<hbm>>
    %dma_wait3A_1030 = tpu.memref_squeeze %dma_wait3A_1029 : memref<1x4096x8xf32, #tpu.memory_space<hbm>> -> memref<4096x8xf32, #tpu.memory_space<hbm>>
    %dma_wait3A_1031 = arith.constant 0 : i32
    %dma_wait3A_1032 = arith.constant 0 : i32
    %dma_wait3A_1033 = tpu.memref_slice %dma_wait3A_1030[%dma_wait3A_1031, %dma_wait3A_1032] : memref<4096x8xf32, #tpu.memory_space<hbm>> -> memref<4096x8xf32, #tpu.memory_space<hbm>>
    tpu.wait_indirect_dma semaphore(%arg10 : memref<!tpu.dma_semaphore, #tpu.memory_space<semaphore_mem>>) src(%dma_wait3A_1033 : memref<4096x8xf32, #tpu.memory_space<hbm>>) dst(%dma_wait3A_1023 : memref<128x8xf32, #tpu.memory_space<vmem>>)
    %dma_wait3A_1034 = arith.constant 26 : i32
    %dma_wait3A_1035 = arith.constant 26 : i32
    %dma_wait3A_1036 = arith.constant 3328 : i32
    %dma_wait3A_1037 = arith.constant 0 : i32
    %dma_wait3A_1038 = tpu.memref_slice %arg7[%dma_wait3A_1036, %dma_wait3A_1037] : memref<5504x8xf32, #tpu.memory_space<vmem>> -> memref<128x8xf32, #tpu.memory_space<vmem>>
    %dma_wait3A_1039 = arith.constant 0 : i32
    %dma_wait3A_1040 = tpu.memref_slice %arg6[%dma_wait3A_1035, %dma_wait3A_1039] : memref<43x128xi32, #tpu.memory_space<vmem>> -> memref<1x128xi32, #tpu.memory_space<vmem>>
    %dma_wait3A_1041 = tpu.memref_squeeze %dma_wait3A_1040 : memref<1x128xi32, #tpu.memory_space<vmem>> -> memref<128xi32, #tpu.memory_space<vmem>>
    %dma_wait3A_1042 = arith.constant 0 : i32
    %dma_wait3A_1043 = arith.constant 0 : i32
    %dma_wait3A_1044 = tpu.memref_slice %arg3[%dma_wait3A_1034, %dma_wait3A_1042, %dma_wait3A_1043] : memref<43x4096x8xf32, #tpu.memory_space<hbm>> -> memref<1x4096x8xf32, #tpu.memory_space<hbm>>
    %dma_wait3A_1045 = tpu.memref_squeeze %dma_wait3A_1044 : memref<1x4096x8xf32, #tpu.memory_space<hbm>> -> memref<4096x8xf32, #tpu.memory_space<hbm>>
    %dma_wait3A_1046 = arith.constant 0 : i32
    %dma_wait3A_1047 = arith.constant 0 : i32
    %dma_wait3A_1048 = tpu.memref_slice %dma_wait3A_1045[%dma_wait3A_1046, %dma_wait3A_1047] : memref<4096x8xf32, #tpu.memory_space<hbm>> -> memref<4096x8xf32, #tpu.memory_space<hbm>>
    tpu.wait_indirect_dma semaphore(%arg10 : memref<!tpu.dma_semaphore, #tpu.memory_space<semaphore_mem>>) src(%dma_wait3A_1048 : memref<4096x8xf32, #tpu.memory_space<hbm>>) dst(%dma_wait3A_1038 : memref<128x8xf32, #tpu.memory_space<vmem>>)
    %dma_wait3A_1049 = arith.constant 27 : i32
    %dma_wait3A_1050 = arith.constant 27 : i32
    %dma_wait3A_1051 = arith.constant 3456 : i32
    %dma_wait3A_1052 = arith.constant 0 : i32
    %dma_wait3A_1053 = tpu.memref_slice %arg7[%dma_wait3A_1051, %dma_wait3A_1052] : memref<5504x8xf32, #tpu.memory_space<vmem>> -> memref<128x8xf32, #tpu.memory_space<vmem>>
    %dma_wait3A_1054 = arith.constant 0 : i32
    %dma_wait3A_1055 = tpu.memref_slice %arg6[%dma_wait3A_1050, %dma_wait3A_1054] : memref<43x128xi32, #tpu.memory_space<vmem>> -> memref<1x128xi32, #tpu.memory_space<vmem>>
    %dma_wait3A_1056 = tpu.memref_squeeze %dma_wait3A_1055 : memref<1x128xi32, #tpu.memory_space<vmem>> -> memref<128xi32, #tpu.memory_space<vmem>>
    %dma_wait3A_1057 = arith.constant 0 : i32
    %dma_wait3A_1058 = arith.constant 0 : i32
    %dma_wait3A_1059 = tpu.memref_slice %arg3[%dma_wait3A_1049, %dma_wait3A_1057, %dma_wait3A_1058] : memref<43x4096x8xf32, #tpu.memory_space<hbm>> -> memref<1x4096x8xf32, #tpu.memory_space<hbm>>
    %dma_wait3A_1060 = tpu.memref_squeeze %dma_wait3A_1059 : memref<1x4096x8xf32, #tpu.memory_space<hbm>> -> memref<4096x8xf32, #tpu.memory_space<hbm>>
    %dma_wait3A_1061 = arith.constant 0 : i32
    %dma_wait3A_1062 = arith.constant 0 : i32
    %dma_wait3A_1063 = tpu.memref_slice %dma_wait3A_1060[%dma_wait3A_1061, %dma_wait3A_1062] : memref<4096x8xf32, #tpu.memory_space<hbm>> -> memref<4096x8xf32, #tpu.memory_space<hbm>>
    tpu.wait_indirect_dma semaphore(%arg10 : memref<!tpu.dma_semaphore, #tpu.memory_space<semaphore_mem>>) src(%dma_wait3A_1063 : memref<4096x8xf32, #tpu.memory_space<hbm>>) dst(%dma_wait3A_1053 : memref<128x8xf32, #tpu.memory_space<vmem>>)
    %dma_wait3A_1064 = arith.constant 28 : i32
    %dma_wait3A_1065 = arith.constant 28 : i32
    %dma_wait3A_1066 = arith.constant 3584 : i32
    %dma_wait3A_1067 = arith.constant 0 : i32
    %dma_wait3A_1068 = tpu.memref_slice %arg7[%dma_wait3A_1066, %dma_wait3A_1067] : memref<5504x8xf32, #tpu.memory_space<vmem>> -> memref<128x8xf32, #tpu.memory_space<vmem>>
    %dma_wait3A_1069 = arith.constant 0 : i32
    %dma_wait3A_1070 = tpu.memref_slice %arg6[%dma_wait3A_1065, %dma_wait3A_1069] : memref<43x128xi32, #tpu.memory_space<vmem>> -> memref<1x128xi32, #tpu.memory_space<vmem>>
    %dma_wait3A_1071 = tpu.memref_squeeze %dma_wait3A_1070 : memref<1x128xi32, #tpu.memory_space<vmem>> -> memref<128xi32, #tpu.memory_space<vmem>>
    %dma_wait3A_1072 = arith.constant 0 : i32
    %dma_wait3A_1073 = arith.constant 0 : i32
    %dma_wait3A_1074 = tpu.memref_slice %arg3[%dma_wait3A_1064, %dma_wait3A_1072, %dma_wait3A_1073] : memref<43x4096x8xf32, #tpu.memory_space<hbm>> -> memref<1x4096x8xf32, #tpu.memory_space<hbm>>
    %dma_wait3A_1075 = tpu.memref_squeeze %dma_wait3A_1074 : memref<1x4096x8xf32, #tpu.memory_space<hbm>> -> memref<4096x8xf32, #tpu.memory_space<hbm>>
    %dma_wait3A_1076 = arith.constant 0 : i32
    %dma_wait3A_1077 = arith.constant 0 : i32
    %dma_wait3A_1078 = tpu.memref_slice %dma_wait3A_1075[%dma_wait3A_1076, %dma_wait3A_1077] : memref<4096x8xf32, #tpu.memory_space<hbm>> -> memref<4096x8xf32, #tpu.memory_space<hbm>>
    tpu.wait_indirect_dma semaphore(%arg10 : memref<!tpu.dma_semaphore, #tpu.memory_space<semaphore_mem>>) src(%dma_wait3A_1078 : memref<4096x8xf32, #tpu.memory_space<hbm>>) dst(%dma_wait3A_1068 : memref<128x8xf32, #tpu.memory_space<vmem>>)
    %dma_wait3A_1079 = arith.constant 29 : i32
    %dma_wait3A_1080 = arith.constant 29 : i32
    %dma_wait3A_1081 = arith.constant 3712 : i32
    %dma_wait3A_1082 = arith.constant 0 : i32
    %dma_wait3A_1083 = tpu.memref_slice %arg7[%dma_wait3A_1081, %dma_wait3A_1082] : memref<5504x8xf32, #tpu.memory_space<vmem>> -> memref<128x8xf32, #tpu.memory_space<vmem>>
    %dma_wait3A_1084 = arith.constant 0 : i32
    %dma_wait3A_1085 = tpu.memref_slice %arg6[%dma_wait3A_1080, %dma_wait3A_1084] : memref<43x128xi32, #tpu.memory_space<vmem>> -> memref<1x128xi32, #tpu.memory_space<vmem>>
    %dma_wait3A_1086 = tpu.memref_squeeze %dma_wait3A_1085 : memref<1x128xi32, #tpu.memory_space<vmem>> -> memref<128xi32, #tpu.memory_space<vmem>>
    %dma_wait3A_1087 = arith.constant 0 : i32
    %dma_wait3A_1088 = arith.constant 0 : i32
    %dma_wait3A_1089 = tpu.memref_slice %arg3[%dma_wait3A_1079, %dma_wait3A_1087, %dma_wait3A_1088] : memref<43x4096x8xf32, #tpu.memory_space<hbm>> -> memref<1x4096x8xf32, #tpu.memory_space<hbm>>
    %dma_wait3A_1090 = tpu.memref_squeeze %dma_wait3A_1089 : memref<1x4096x8xf32, #tpu.memory_space<hbm>> -> memref<4096x8xf32, #tpu.memory_space<hbm>>
    %dma_wait3A_1091 = arith.constant 0 : i32
    %dma_wait3A_1092 = arith.constant 0 : i32
    %dma_wait3A_1093 = tpu.memref_slice %dma_wait3A_1090[%dma_wait3A_1091, %dma_wait3A_1092] : memref<4096x8xf32, #tpu.memory_space<hbm>> -> memref<4096x8xf32, #tpu.memory_space<hbm>>
    tpu.wait_indirect_dma semaphore(%arg10 : memref<!tpu.dma_semaphore, #tpu.memory_space<semaphore_mem>>) src(%dma_wait3A_1093 : memref<4096x8xf32, #tpu.memory_space<hbm>>) dst(%dma_wait3A_1083 : memref<128x8xf32, #tpu.memory_space<vmem>>)
    %dma_wait3A_1094 = arith.constant 30 : i32
    %dma_wait3A_1095 = arith.constant 30 : i32
    %dma_wait3A_1096 = arith.constant 3840 : i32
    %dma_wait3A_1097 = arith.constant 0 : i32
    %dma_wait3A_1098 = tpu.memref_slice %arg7[%dma_wait3A_1096, %dma_wait3A_1097] : memref<5504x8xf32, #tpu.memory_space<vmem>> -> memref<128x8xf32, #tpu.memory_space<vmem>>
    %dma_wait3A_1099 = arith.constant 0 : i32
    %dma_wait3A_1100 = tpu.memref_slice %arg6[%dma_wait3A_1095, %dma_wait3A_1099] : memref<43x128xi32, #tpu.memory_space<vmem>> -> memref<1x128xi32, #tpu.memory_space<vmem>>
    %dma_wait3A_1101 = tpu.memref_squeeze %dma_wait3A_1100 : memref<1x128xi32, #tpu.memory_space<vmem>> -> memref<128xi32, #tpu.memory_space<vmem>>
    %dma_wait3A_1102 = arith.constant 0 : i32
    %dma_wait3A_1103 = arith.constant 0 : i32
    %dma_wait3A_1104 = tpu.memref_slice %arg3[%dma_wait3A_1094, %dma_wait3A_1102, %dma_wait3A_1103] : memref<43x4096x8xf32, #tpu.memory_space<hbm>> -> memref<1x4096x8xf32, #tpu.memory_space<hbm>>
    %dma_wait3A_1105 = tpu.memref_squeeze %dma_wait3A_1104 : memref<1x4096x8xf32, #tpu.memory_space<hbm>> -> memref<4096x8xf32, #tpu.memory_space<hbm>>
    %dma_wait3A_1106 = arith.constant 0 : i32
    %dma_wait3A_1107 = arith.constant 0 : i32
    %dma_wait3A_1108 = tpu.memref_slice %dma_wait3A_1105[%dma_wait3A_1106, %dma_wait3A_1107] : memref<4096x8xf32, #tpu.memory_space<hbm>> -> memref<4096x8xf32, #tpu.memory_space<hbm>>
    tpu.wait_indirect_dma semaphore(%arg10 : memref<!tpu.dma_semaphore, #tpu.memory_space<semaphore_mem>>) src(%dma_wait3A_1108 : memref<4096x8xf32, #tpu.memory_space<hbm>>) dst(%dma_wait3A_1098 : memref<128x8xf32, #tpu.memory_space<vmem>>)
    %dma_wait3A_1109 = arith.constant 31 : i32
    %dma_wait3A_1110 = arith.constant 31 : i32
    %dma_wait3A_1111 = arith.constant 3968 : i32
    %dma_wait3A_1112 = arith.constant 0 : i32
    %dma_wait3A_1113 = tpu.memref_slice %arg7[%dma_wait3A_1111, %dma_wait3A_1112] : memref<5504x8xf32, #tpu.memory_space<vmem>> -> memref<128x8xf32, #tpu.memory_space<vmem>>
    %dma_wait3A_1114 = arith.constant 0 : i32
    %dma_wait3A_1115 = tpu.memref_slice %arg6[%dma_wait3A_1110, %dma_wait3A_1114] : memref<43x128xi32, #tpu.memory_space<vmem>> -> memref<1x128xi32, #tpu.memory_space<vmem>>
    %dma_wait3A_1116 = tpu.memref_squeeze %dma_wait3A_1115 : memref<1x128xi32, #tpu.memory_space<vmem>> -> memref<128xi32, #tpu.memory_space<vmem>>
    %dma_wait3A_1117 = arith.constant 0 : i32
    %dma_wait3A_1118 = arith.constant 0 : i32
    %dma_wait3A_1119 = tpu.memref_slice %arg3[%dma_wait3A_1109, %dma_wait3A_1117, %dma_wait3A_1118] : memref<43x4096x8xf32, #tpu.memory_space<hbm>> -> memref<1x4096x8xf32, #tpu.memory_space<hbm>>
    %dma_wait3A_1120 = tpu.memref_squeeze %dma_wait3A_1119 : memref<1x4096x8xf32, #tpu.memory_space<hbm>> -> memref<4096x8xf32, #tpu.memory_space<hbm>>
    %dma_wait3A_1121 = arith.constant 0 : i32
    %dma_wait3A_1122 = arith.constant 0 : i32
    %dma_wait3A_1123 = tpu.memref_slice %dma_wait3A_1120[%dma_wait3A_1121, %dma_wait3A_1122] : memref<4096x8xf32, #tpu.memory_space<hbm>> -> memref<4096x8xf32, #tpu.memory_space<hbm>>
    tpu.wait_indirect_dma semaphore(%arg10 : memref<!tpu.dma_semaphore, #tpu.memory_space<semaphore_mem>>) src(%dma_wait3A_1123 : memref<4096x8xf32, #tpu.memory_space<hbm>>) dst(%dma_wait3A_1113 : memref<128x8xf32, #tpu.memory_space<vmem>>)
    %dma_wait3A_1124 = arith.constant 32 : i32
    %dma_wait3A_1125 = arith.constant 32 : i32
    %dma_wait3A_1126 = arith.constant 4096 : i32
    %dma_wait3A_1127 = arith.constant 0 : i32
    %dma_wait3A_1128 = tpu.memref_slice %arg7[%dma_wait3A_1126, %dma_wait3A_1127] : memref<5504x8xf32, #tpu.memory_space<vmem>> -> memref<128x8xf32, #tpu.memory_space<vmem>>
    %dma_wait3A_1129 = arith.constant 0 : i32
    %dma_wait3A_1130 = tpu.memref_slice %arg6[%dma_wait3A_1125, %dma_wait3A_1129] : memref<43x128xi32, #tpu.memory_space<vmem>> -> memref<1x128xi32, #tpu.memory_space<vmem>>
    %dma_wait3A_1131 = tpu.memref_squeeze %dma_wait3A_1130 : memref<1x128xi32, #tpu.memory_space<vmem>> -> memref<128xi32, #tpu.memory_space<vmem>>
    %dma_wait3A_1132 = arith.constant 0 : i32
    %dma_wait3A_1133 = arith.constant 0 : i32
    %dma_wait3A_1134 = tpu.memref_slice %arg3[%dma_wait3A_1124, %dma_wait3A_1132, %dma_wait3A_1133] : memref<43x4096x8xf32, #tpu.memory_space<hbm>> -> memref<1x4096x8xf32, #tpu.memory_space<hbm>>
    %dma_wait3A_1135 = tpu.memref_squeeze %dma_wait3A_1134 : memref<1x4096x8xf32, #tpu.memory_space<hbm>> -> memref<4096x8xf32, #tpu.memory_space<hbm>>
    %dma_wait3A_1136 = arith.constant 0 : i32
    %dma_wait3A_1137 = arith.constant 0 : i32
    %dma_wait3A_1138 = tpu.memref_slice %dma_wait3A_1135[%dma_wait3A_1136, %dma_wait3A_1137] : memref<4096x8xf32, #tpu.memory_space<hbm>> -> memref<4096x8xf32, #tpu.memory_space<hbm>>
    tpu.wait_indirect_dma semaphore(%arg10 : memref<!tpu.dma_semaphore, #tpu.memory_space<semaphore_mem>>) src(%dma_wait3A_1138 : memref<4096x8xf32, #tpu.memory_space<hbm>>) dst(%dma_wait3A_1128 : memref<128x8xf32, #tpu.memory_space<vmem>>)
    %dma_wait3A_1139 = arith.constant 33 : i32
    %dma_wait3A_1140 = arith.constant 33 : i32
    %dma_wait3A_1141 = arith.constant 4224 : i32
    %dma_wait3A_1142 = arith.constant 0 : i32
    %dma_wait3A_1143 = tpu.memref_slice %arg7[%dma_wait3A_1141, %dma_wait3A_1142] : memref<5504x8xf32, #tpu.memory_space<vmem>> -> memref<128x8xf32, #tpu.memory_space<vmem>>
    %dma_wait3A_1144 = arith.constant 0 : i32
    %dma_wait3A_1145 = tpu.memref_slice %arg6[%dma_wait3A_1140, %dma_wait3A_1144] : memref<43x128xi32, #tpu.memory_space<vmem>> -> memref<1x128xi32, #tpu.memory_space<vmem>>
    %dma_wait3A_1146 = tpu.memref_squeeze %dma_wait3A_1145 : memref<1x128xi32, #tpu.memory_space<vmem>> -> memref<128xi32, #tpu.memory_space<vmem>>
    %dma_wait3A_1147 = arith.constant 0 : i32
    %dma_wait3A_1148 = arith.constant 0 : i32
    %dma_wait3A_1149 = tpu.memref_slice %arg3[%dma_wait3A_1139, %dma_wait3A_1147, %dma_wait3A_1148] : memref<43x4096x8xf32, #tpu.memory_space<hbm>> -> memref<1x4096x8xf32, #tpu.memory_space<hbm>>
    %dma_wait3A_1150 = tpu.memref_squeeze %dma_wait3A_1149 : memref<1x4096x8xf32, #tpu.memory_space<hbm>> -> memref<4096x8xf32, #tpu.memory_space<hbm>>
    %dma_wait3A_1151 = arith.constant 0 : i32
    %dma_wait3A_1152 = arith.constant 0 : i32
    %dma_wait3A_1153 = tpu.memref_slice %dma_wait3A_1150[%dma_wait3A_1151, %dma_wait3A_1152] : memref<4096x8xf32, #tpu.memory_space<hbm>> -> memref<4096x8xf32, #tpu.memory_space<hbm>>
    tpu.wait_indirect_dma semaphore(%arg10 : memref<!tpu.dma_semaphore, #tpu.memory_space<semaphore_mem>>) src(%dma_wait3A_1153 : memref<4096x8xf32, #tpu.memory_space<hbm>>) dst(%dma_wait3A_1143 : memref<128x8xf32, #tpu.memory_space<vmem>>)
    %dma_wait3A_1154 = arith.constant 34 : i32
    %dma_wait3A_1155 = arith.constant 34 : i32
    %dma_wait3A_1156 = arith.constant 4352 : i32
    %dma_wait3A_1157 = arith.constant 0 : i32
    %dma_wait3A_1158 = tpu.memref_slice %arg7[%dma_wait3A_1156, %dma_wait3A_1157] : memref<5504x8xf32, #tpu.memory_space<vmem>> -> memref<128x8xf32, #tpu.memory_space<vmem>>
    %dma_wait3A_1159 = arith.constant 0 : i32
    %dma_wait3A_1160 = tpu.memref_slice %arg6[%dma_wait3A_1155, %dma_wait3A_1159] : memref<43x128xi32, #tpu.memory_space<vmem>> -> memref<1x128xi32, #tpu.memory_space<vmem>>
    %dma_wait3A_1161 = tpu.memref_squeeze %dma_wait3A_1160 : memref<1x128xi32, #tpu.memory_space<vmem>> -> memref<128xi32, #tpu.memory_space<vmem>>
    %dma_wait3A_1162 = arith.constant 0 : i32
    %dma_wait3A_1163 = arith.constant 0 : i32
    %dma_wait3A_1164 = tpu.memref_slice %arg3[%dma_wait3A_1154, %dma_wait3A_1162, %dma_wait3A_1163] : memref<43x4096x8xf32, #tpu.memory_space<hbm>> -> memref<1x4096x8xf32, #tpu.memory_space<hbm>>
    %dma_wait3A_1165 = tpu.memref_squeeze %dma_wait3A_1164 : memref<1x4096x8xf32, #tpu.memory_space<hbm>> -> memref<4096x8xf32, #tpu.memory_space<hbm>>
    %dma_wait3A_1166 = arith.constant 0 : i32
    %dma_wait3A_1167 = arith.constant 0 : i32
    %dma_wait3A_1168 = tpu.memref_slice %dma_wait3A_1165[%dma_wait3A_1166, %dma_wait3A_1167] : memref<4096x8xf32, #tpu.memory_space<hbm>> -> memref<4096x8xf32, #tpu.memory_space<hbm>>
    tpu.wait_indirect_dma semaphore(%arg10 : memref<!tpu.dma_semaphore, #tpu.memory_space<semaphore_mem>>) src(%dma_wait3A_1168 : memref<4096x8xf32, #tpu.memory_space<hbm>>) dst(%dma_wait3A_1158 : memref<128x8xf32, #tpu.memory_space<vmem>>)
    %dma_wait3A_1169 = arith.constant 35 : i32
    %dma_wait3A_1170 = arith.constant 35 : i32
    %dma_wait3A_1171 = arith.constant 4480 : i32
    %dma_wait3A_1172 = arith.constant 0 : i32
    %dma_wait3A_1173 = tpu.memref_slice %arg7[%dma_wait3A_1171, %dma_wait3A_1172] : memref<5504x8xf32, #tpu.memory_space<vmem>> -> memref<128x8xf32, #tpu.memory_space<vmem>>
    %dma_wait3A_1174 = arith.constant 0 : i32
    %dma_wait3A_1175 = tpu.memref_slice %arg6[%dma_wait3A_1170, %dma_wait3A_1174] : memref<43x128xi32, #tpu.memory_space<vmem>> -> memref<1x128xi32, #tpu.memory_space<vmem>>
    %dma_wait3A_1176 = tpu.memref_squeeze %dma_wait3A_1175 : memref<1x128xi32, #tpu.memory_space<vmem>> -> memref<128xi32, #tpu.memory_space<vmem>>
    %dma_wait3A_1177 = arith.constant 0 : i32
    %dma_wait3A_1178 = arith.constant 0 : i32
    %dma_wait3A_1179 = tpu.memref_slice %arg3[%dma_wait3A_1169, %dma_wait3A_1177, %dma_wait3A_1178] : memref<43x4096x8xf32, #tpu.memory_space<hbm>> -> memref<1x4096x8xf32, #tpu.memory_space<hbm>>
    %dma_wait3A_1180 = tpu.memref_squeeze %dma_wait3A_1179 : memref<1x4096x8xf32, #tpu.memory_space<hbm>> -> memref<4096x8xf32, #tpu.memory_space<hbm>>
    %dma_wait3A_1181 = arith.constant 0 : i32
    %dma_wait3A_1182 = arith.constant 0 : i32
    %dma_wait3A_1183 = tpu.memref_slice %dma_wait3A_1180[%dma_wait3A_1181, %dma_wait3A_1182] : memref<4096x8xf32, #tpu.memory_space<hbm>> -> memref<4096x8xf32, #tpu.memory_space<hbm>>
    tpu.wait_indirect_dma semaphore(%arg10 : memref<!tpu.dma_semaphore, #tpu.memory_space<semaphore_mem>>) src(%dma_wait3A_1183 : memref<4096x8xf32, #tpu.memory_space<hbm>>) dst(%dma_wait3A_1173 : memref<128x8xf32, #tpu.memory_space<vmem>>)
    %dma_wait3A_1184 = arith.constant 36 : i32
    %dma_wait3A_1185 = arith.constant 36 : i32
    %dma_wait3A_1186 = arith.constant 4608 : i32
    %dma_wait3A_1187 = arith.constant 0 : i32
    %dma_wait3A_1188 = tpu.memref_slice %arg7[%dma_wait3A_1186, %dma_wait3A_1187] : memref<5504x8xf32, #tpu.memory_space<vmem>> -> memref<128x8xf32, #tpu.memory_space<vmem>>
    %dma_wait3A_1189 = arith.constant 0 : i32
    %dma_wait3A_1190 = tpu.memref_slice %arg6[%dma_wait3A_1185, %dma_wait3A_1189] : memref<43x128xi32, #tpu.memory_space<vmem>> -> memref<1x128xi32, #tpu.memory_space<vmem>>
    %dma_wait3A_1191 = tpu.memref_squeeze %dma_wait3A_1190 : memref<1x128xi32, #tpu.memory_space<vmem>> -> memref<128xi32, #tpu.memory_space<vmem>>
    %dma_wait3A_1192 = arith.constant 0 : i32
    %dma_wait3A_1193 = arith.constant 0 : i32
    %dma_wait3A_1194 = tpu.memref_slice %arg3[%dma_wait3A_1184, %dma_wait3A_1192, %dma_wait3A_1193] : memref<43x4096x8xf32, #tpu.memory_space<hbm>> -> memref<1x4096x8xf32, #tpu.memory_space<hbm>>
    %dma_wait3A_1195 = tpu.memref_squeeze %dma_wait3A_1194 : memref<1x4096x8xf32, #tpu.memory_space<hbm>> -> memref<4096x8xf32, #tpu.memory_space<hbm>>
    %dma_wait3A_1196 = arith.constant 0 : i32
    %dma_wait3A_1197 = arith.constant 0 : i32
    %dma_wait3A_1198 = tpu.memref_slice %dma_wait3A_1195[%dma_wait3A_1196, %dma_wait3A_1197] : memref<4096x8xf32, #tpu.memory_space<hbm>> -> memref<4096x8xf32, #tpu.memory_space<hbm>>
    tpu.wait_indirect_dma semaphore(%arg10 : memref<!tpu.dma_semaphore, #tpu.memory_space<semaphore_mem>>) src(%dma_wait3A_1198 : memref<4096x8xf32, #tpu.memory_space<hbm>>) dst(%dma_wait3A_1188 : memref<128x8xf32, #tpu.memory_space<vmem>>)
    %dma_wait3A_1199 = arith.constant 37 : i32
    %dma_wait3A_1200 = arith.constant 37 : i32
    %dma_wait3A_1201 = arith.constant 4736 : i32
    %dma_wait3A_1202 = arith.constant 0 : i32
    %dma_wait3A_1203 = tpu.memref_slice %arg7[%dma_wait3A_1201, %dma_wait3A_1202] : memref<5504x8xf32, #tpu.memory_space<vmem>> -> memref<128x8xf32, #tpu.memory_space<vmem>>
    %dma_wait3A_1204 = arith.constant 0 : i32
    %dma_wait3A_1205 = tpu.memref_slice %arg6[%dma_wait3A_1200, %dma_wait3A_1204] : memref<43x128xi32, #tpu.memory_space<vmem>> -> memref<1x128xi32, #tpu.memory_space<vmem>>
    %dma_wait3A_1206 = tpu.memref_squeeze %dma_wait3A_1205 : memref<1x128xi32, #tpu.memory_space<vmem>> -> memref<128xi32, #tpu.memory_space<vmem>>
    %dma_wait3A_1207 = arith.constant 0 : i32
    %dma_wait3A_1208 = arith.constant 0 : i32
    %dma_wait3A_1209 = tpu.memref_slice %arg3[%dma_wait3A_1199, %dma_wait3A_1207, %dma_wait3A_1208] : memref<43x4096x8xf32, #tpu.memory_space<hbm>> -> memref<1x4096x8xf32, #tpu.memory_space<hbm>>
    %dma_wait3A_1210 = tpu.memref_squeeze %dma_wait3A_1209 : memref<1x4096x8xf32, #tpu.memory_space<hbm>> -> memref<4096x8xf32, #tpu.memory_space<hbm>>
    %dma_wait3A_1211 = arith.constant 0 : i32
    %dma_wait3A_1212 = arith.constant 0 : i32
    %dma_wait3A_1213 = tpu.memref_slice %dma_wait3A_1210[%dma_wait3A_1211, %dma_wait3A_1212] : memref<4096x8xf32, #tpu.memory_space<hbm>> -> memref<4096x8xf32, #tpu.memory_space<hbm>>
    tpu.wait_indirect_dma semaphore(%arg10 : memref<!tpu.dma_semaphore, #tpu.memory_space<semaphore_mem>>) src(%dma_wait3A_1213 : memref<4096x8xf32, #tpu.memory_space<hbm>>) dst(%dma_wait3A_1203 : memref<128x8xf32, #tpu.memory_space<vmem>>)
    %dma_wait3A_1214 = arith.constant 38 : i32
    %dma_wait3A_1215 = arith.constant 38 : i32
    %dma_wait3A_1216 = arith.constant 4864 : i32
    %dma_wait3A_1217 = arith.constant 0 : i32
    %dma_wait3A_1218 = tpu.memref_slice %arg7[%dma_wait3A_1216, %dma_wait3A_1217] : memref<5504x8xf32, #tpu.memory_space<vmem>> -> memref<128x8xf32, #tpu.memory_space<vmem>>
    %dma_wait3A_1219 = arith.constant 0 : i32
    %dma_wait3A_1220 = tpu.memref_slice %arg6[%dma_wait3A_1215, %dma_wait3A_1219] : memref<43x128xi32, #tpu.memory_space<vmem>> -> memref<1x128xi32, #tpu.memory_space<vmem>>
    %dma_wait3A_1221 = tpu.memref_squeeze %dma_wait3A_1220 : memref<1x128xi32, #tpu.memory_space<vmem>> -> memref<128xi32, #tpu.memory_space<vmem>>
    %dma_wait3A_1222 = arith.constant 0 : i32
    %dma_wait3A_1223 = arith.constant 0 : i32
    %dma_wait3A_1224 = tpu.memref_slice %arg3[%dma_wait3A_1214, %dma_wait3A_1222, %dma_wait3A_1223] : memref<43x4096x8xf32, #tpu.memory_space<hbm>> -> memref<1x4096x8xf32, #tpu.memory_space<hbm>>
    %dma_wait3A_1225 = tpu.memref_squeeze %dma_wait3A_1224 : memref<1x4096x8xf32, #tpu.memory_space<hbm>> -> memref<4096x8xf32, #tpu.memory_space<hbm>>
    %dma_wait3A_1226 = arith.constant 0 : i32
    %dma_wait3A_1227 = arith.constant 0 : i32
    %dma_wait3A_1228 = tpu.memref_slice %dma_wait3A_1225[%dma_wait3A_1226, %dma_wait3A_1227] : memref<4096x8xf32, #tpu.memory_space<hbm>> -> memref<4096x8xf32, #tpu.memory_space<hbm>>
    tpu.wait_indirect_dma semaphore(%arg10 : memref<!tpu.dma_semaphore, #tpu.memory_space<semaphore_mem>>) src(%dma_wait3A_1228 : memref<4096x8xf32, #tpu.memory_space<hbm>>) dst(%dma_wait3A_1218 : memref<128x8xf32, #tpu.memory_space<vmem>>)
    %dma_wait3A_1229 = arith.constant 39 : i32
    %dma_wait3A_1230 = arith.constant 39 : i32
    %dma_wait3A_1231 = arith.constant 4992 : i32
    %dma_wait3A_1232 = arith.constant 0 : i32
    %dma_wait3A_1233 = tpu.memref_slice %arg7[%dma_wait3A_1231, %dma_wait3A_1232] : memref<5504x8xf32, #tpu.memory_space<vmem>> -> memref<128x8xf32, #tpu.memory_space<vmem>>
    %dma_wait3A_1234 = arith.constant 0 : i32
    %dma_wait3A_1235 = tpu.memref_slice %arg6[%dma_wait3A_1230, %dma_wait3A_1234] : memref<43x128xi32, #tpu.memory_space<vmem>> -> memref<1x128xi32, #tpu.memory_space<vmem>>
    %dma_wait3A_1236 = tpu.memref_squeeze %dma_wait3A_1235 : memref<1x128xi32, #tpu.memory_space<vmem>> -> memref<128xi32, #tpu.memory_space<vmem>>
    %dma_wait3A_1237 = arith.constant 0 : i32
    %dma_wait3A_1238 = arith.constant 0 : i32
    %dma_wait3A_1239 = tpu.memref_slice %arg3[%dma_wait3A_1229, %dma_wait3A_1237, %dma_wait3A_1238] : memref<43x4096x8xf32, #tpu.memory_space<hbm>> -> memref<1x4096x8xf32, #tpu.memory_space<hbm>>
    %dma_wait3A_1240 = tpu.memref_squeeze %dma_wait3A_1239 : memref<1x4096x8xf32, #tpu.memory_space<hbm>> -> memref<4096x8xf32, #tpu.memory_space<hbm>>
    %dma_wait3A_1241 = arith.constant 0 : i32
    %dma_wait3A_1242 = arith.constant 0 : i32
    %dma_wait3A_1243 = tpu.memref_slice %dma_wait3A_1240[%dma_wait3A_1241, %dma_wait3A_1242] : memref<4096x8xf32, #tpu.memory_space<hbm>> -> memref<4096x8xf32, #tpu.memory_space<hbm>>
    tpu.wait_indirect_dma semaphore(%arg10 : memref<!tpu.dma_semaphore, #tpu.memory_space<semaphore_mem>>) src(%dma_wait3A_1243 : memref<4096x8xf32, #tpu.memory_space<hbm>>) dst(%dma_wait3A_1233 : memref<128x8xf32, #tpu.memory_space<vmem>>)
    %dma_wait3A_1244 = arith.constant 40 : i32
    %dma_wait3A_1245 = arith.constant 40 : i32
    %dma_wait3A_1246 = arith.constant 5120 : i32
    %dma_wait3A_1247 = arith.constant 0 : i32
    %dma_wait3A_1248 = tpu.memref_slice %arg7[%dma_wait3A_1246, %dma_wait3A_1247] : memref<5504x8xf32, #tpu.memory_space<vmem>> -> memref<128x8xf32, #tpu.memory_space<vmem>>
    %dma_wait3A_1249 = arith.constant 0 : i32
    %dma_wait3A_1250 = tpu.memref_slice %arg6[%dma_wait3A_1245, %dma_wait3A_1249] : memref<43x128xi32, #tpu.memory_space<vmem>> -> memref<1x128xi32, #tpu.memory_space<vmem>>
    %dma_wait3A_1251 = tpu.memref_squeeze %dma_wait3A_1250 : memref<1x128xi32, #tpu.memory_space<vmem>> -> memref<128xi32, #tpu.memory_space<vmem>>
    %dma_wait3A_1252 = arith.constant 0 : i32
    %dma_wait3A_1253 = arith.constant 0 : i32
    %dma_wait3A_1254 = tpu.memref_slice %arg3[%dma_wait3A_1244, %dma_wait3A_1252, %dma_wait3A_1253] : memref<43x4096x8xf32, #tpu.memory_space<hbm>> -> memref<1x4096x8xf32, #tpu.memory_space<hbm>>
    %dma_wait3A_1255 = tpu.memref_squeeze %dma_wait3A_1254 : memref<1x4096x8xf32, #tpu.memory_space<hbm>> -> memref<4096x8xf32, #tpu.memory_space<hbm>>
    %dma_wait3A_1256 = arith.constant 0 : i32
    %dma_wait3A_1257 = arith.constant 0 : i32
    %dma_wait3A_1258 = tpu.memref_slice %dma_wait3A_1255[%dma_wait3A_1256, %dma_wait3A_1257] : memref<4096x8xf32, #tpu.memory_space<hbm>> -> memref<4096x8xf32, #tpu.memory_space<hbm>>
    tpu.wait_indirect_dma semaphore(%arg10 : memref<!tpu.dma_semaphore, #tpu.memory_space<semaphore_mem>>) src(%dma_wait3A_1258 : memref<4096x8xf32, #tpu.memory_space<hbm>>) dst(%dma_wait3A_1248 : memref<128x8xf32, #tpu.memory_space<vmem>>)
    %dma_wait3A_1259 = arith.constant 41 : i32
    %dma_wait3A_1260 = arith.constant 41 : i32
    %dma_wait3A_1261 = arith.constant 5248 : i32
    %dma_wait3A_1262 = arith.constant 0 : i32
    %dma_wait3A_1263 = tpu.memref_slice %arg7[%dma_wait3A_1261, %dma_wait3A_1262] : memref<5504x8xf32, #tpu.memory_space<vmem>> -> memref<128x8xf32, #tpu.memory_space<vmem>>
    %dma_wait3A_1264 = arith.constant 0 : i32
    %dma_wait3A_1265 = tpu.memref_slice %arg6[%dma_wait3A_1260, %dma_wait3A_1264] : memref<43x128xi32, #tpu.memory_space<vmem>> -> memref<1x128xi32, #tpu.memory_space<vmem>>
    %dma_wait3A_1266 = tpu.memref_squeeze %dma_wait3A_1265 : memref<1x128xi32, #tpu.memory_space<vmem>> -> memref<128xi32, #tpu.memory_space<vmem>>
    %dma_wait3A_1267 = arith.constant 0 : i32
    %dma_wait3A_1268 = arith.constant 0 : i32
    %dma_wait3A_1269 = tpu.memref_slice %arg3[%dma_wait3A_1259, %dma_wait3A_1267, %dma_wait3A_1268] : memref<43x4096x8xf32, #tpu.memory_space<hbm>> -> memref<1x4096x8xf32, #tpu.memory_space<hbm>>
    %dma_wait3A_1270 = tpu.memref_squeeze %dma_wait3A_1269 : memref<1x4096x8xf32, #tpu.memory_space<hbm>> -> memref<4096x8xf32, #tpu.memory_space<hbm>>
    %dma_wait3A_1271 = arith.constant 0 : i32
    %dma_wait3A_1272 = arith.constant 0 : i32
    %dma_wait3A_1273 = tpu.memref_slice %dma_wait3A_1270[%dma_wait3A_1271, %dma_wait3A_1272] : memref<4096x8xf32, #tpu.memory_space<hbm>> -> memref<4096x8xf32, #tpu.memory_space<hbm>>
    tpu.wait_indirect_dma semaphore(%arg10 : memref<!tpu.dma_semaphore, #tpu.memory_space<semaphore_mem>>) src(%dma_wait3A_1273 : memref<4096x8xf32, #tpu.memory_space<hbm>>) dst(%dma_wait3A_1263 : memref<128x8xf32, #tpu.memory_space<vmem>>)
    %dma_wait3A_1274 = arith.constant 42 : i32
    %dma_wait3A_1275 = arith.constant 42 : i32
    %dma_wait3A_1276 = arith.constant 5376 : i32
    %dma_wait3A_1277 = arith.constant 0 : i32
    %dma_wait3A_1278 = tpu.memref_slice %arg7[%dma_wait3A_1276, %dma_wait3A_1277] : memref<5504x8xf32, #tpu.memory_space<vmem>> -> memref<128x8xf32, #tpu.memory_space<vmem>>
    %dma_wait3A_1279 = arith.constant 0 : i32
    %dma_wait3A_1280 = tpu.memref_slice %arg6[%dma_wait3A_1275, %dma_wait3A_1279] : memref<43x128xi32, #tpu.memory_space<vmem>> -> memref<1x128xi32, #tpu.memory_space<vmem>>
    %dma_wait3A_1281 = tpu.memref_squeeze %dma_wait3A_1280 : memref<1x128xi32, #tpu.memory_space<vmem>> -> memref<128xi32, #tpu.memory_space<vmem>>
    %dma_wait3A_1282 = arith.constant 0 : i32
    %dma_wait3A_1283 = arith.constant 0 : i32
    %dma_wait3A_1284 = tpu.memref_slice %arg3[%dma_wait3A_1274, %dma_wait3A_1282, %dma_wait3A_1283] : memref<43x4096x8xf32, #tpu.memory_space<hbm>> -> memref<1x4096x8xf32, #tpu.memory_space<hbm>>
    %dma_wait3A_1285 = tpu.memref_squeeze %dma_wait3A_1284 : memref<1x4096x8xf32, #tpu.memory_space<hbm>> -> memref<4096x8xf32, #tpu.memory_space<hbm>>
    %dma_wait3A_1286 = arith.constant 0 : i32
    %dma_wait3A_1287 = arith.constant 0 : i32
    %dma_wait3A_1288 = tpu.memref_slice %dma_wait3A_1285[%dma_wait3A_1286, %dma_wait3A_1287] : memref<4096x8xf32, #tpu.memory_space<hbm>> -> memref<4096x8xf32, #tpu.memory_space<hbm>>
    tpu.wait_indirect_dma semaphore(%arg10 : memref<!tpu.dma_semaphore, #tpu.memory_space<semaphore_mem>>) src(%dma_wait3A_1288 : memref<4096x8xf32, #tpu.memory_space<hbm>>) dst(%dma_wait3A_1278 : memref<128x8xf32, #tpu.memory_space<vmem>>)
    %iota3A = tpu.iota {dimensions = array<i32: 0>} : vector<16xi32>
    %get3A = arith.constant 0 : index
    %get3A_1289 = tpu.vector_load %arg9[%get3A] {strides = array<i32>} : memref<32xf32, #tpu.memory_space<vmem>>, vector<16xf32>,
    %get3A_1290 = arith.constant 16 : index
    %get3A_1291 = tpu.vector_load %arg9[%get3A_1290] {strides = array<i32>} : memref<32xf32, #tpu.memory_space<vmem>>, vector<16xf32>,
    %and3A = arith.constant 7 : i32
    %and3A_1292 = vector.broadcast %and3A : i32 to vector<16xi32>
    %and3A_1293 = arith.andi %iota3A, %and3A_1292 : vector<16xi32>
    %shift_right_arithmetic3A = arith.constant 3 : i32
    %shift_right_arithmetic3A_1294 = vector.broadcast %shift_right_arithmetic3A : i32 to vector<16xi32>
    %shift_right_arithmetic3A_1295 = arith.shrsi %iota3A, %shift_right_arithmetic3A_1294 : vector<16xi32>
    %scan3A = arith.constant 0 : i32
    %scan3A_1296 = arith.constant 64 : i32
    %scan3A_1297 = arith.addi %scan3A, %scan3A_1296 : i32
    %scan3A_1298 = arith.constant 1 : i32
    scf.for %scan3A_1304 = %scan3A to %scan3A_1297 step %scan3A_1298  : i32 {
      %mul3A_1305 = arith.constant 2 : i32
      %mul3A_1306 = arith.muli %mul3A_1305, %scan3A_1304 : i32
      %add3A_1307 = vector.broadcast %mul3A_1306 : i32 to vector<16xi32>
      %add3A_1308 = arith.addi %add3A_1307, %shift_right_arithmetic3A_1295 : vector<16xi32>
      %broadcast_in_dim3A = arith.constant 0.000000e+00 : f32
      %broadcast_in_dim3A_1309 = vector.broadcast %broadcast_in_dim3A : f32 to vector<16xf32>
      %add3A_1310 = arith.constant 0 : i32
      %add3A_1311 = vector.broadcast %add3A_1310 : i32 to vector<16xi32>
      %add3A_1312 = arith.addi %add3A_1311, %add3A_1308 : vector<16xi32>
      %gather3A = tpu.vector_load_idx %arg7[%add3A_1312, %and3A_1293] : memref<5504x8xf32, #tpu.memory_space<vmem>>[vector<16xi32>, vector<16xi32>], vector<16xf32>,
      %add3A_1313 = arith.addf %broadcast_in_dim3A_1309, %gather3A : vector<16xf32>
      %add3A_1314 = arith.constant 128 : i32
      %add3A_1315 = vector.broadcast %add3A_1314 : i32 to vector<16xi32>
      %add3A_1316 = arith.addi %add3A_1315, %add3A_1308 : vector<16xi32>
      %gather3A_1317 = tpu.vector_load_idx %arg7[%add3A_1316, %and3A_1293] : memref<5504x8xf32, #tpu.memory_space<vmem>>[vector<16xi32>, vector<16xi32>], vector<16xf32>,
      %add3A_1318 = arith.addf %add3A_1313, %gather3A_1317 : vector<16xf32>
      %add3A_1319 = arith.constant 256 : i32
      %add3A_1320 = vector.broadcast %add3A_1319 : i32 to vector<16xi32>
      %add3A_1321 = arith.addi %add3A_1320, %add3A_1308 : vector<16xi32>
      %gather3A_1322 = tpu.vector_load_idx %arg7[%add3A_1321, %and3A_1293] : memref<5504x8xf32, #tpu.memory_space<vmem>>[vector<16xi32>, vector<16xi32>], vector<16xf32>,
      %add3A_1323 = arith.addf %add3A_1318, %gather3A_1322 : vector<16xf32>
      %add3A_1324 = arith.constant 384 : i32
      %add3A_1325 = vector.broadcast %add3A_1324 : i32 to vector<16xi32>
      %add3A_1326 = arith.addi %add3A_1325, %add3A_1308 : vector<16xi32>
      %gather3A_1327 = tpu.vector_load_idx %arg7[%add3A_1326, %and3A_1293] : memref<5504x8xf32, #tpu.memory_space<vmem>>[vector<16xi32>, vector<16xi32>], vector<16xf32>,
      %add3A_1328 = arith.addf %add3A_1323, %gather3A_1327 : vector<16xf32>
      %add3A_1329 = arith.constant 512 : i32
      %add3A_1330 = vector.broadcast %add3A_1329 : i32 to vector<16xi32>
      %add3A_1331 = arith.addi %add3A_1330, %add3A_1308 : vector<16xi32>
      %gather3A_1332 = tpu.vector_load_idx %arg7[%add3A_1331, %and3A_1293] : memref<5504x8xf32, #tpu.memory_space<vmem>>[vector<16xi32>, vector<16xi32>], vector<16xf32>,
      %add3A_1333 = arith.addf %add3A_1328, %gather3A_1332 : vector<16xf32>
      %add3A_1334 = arith.constant 640 : i32
      %add3A_1335 = vector.broadcast %add3A_1334 : i32 to vector<16xi32>
      %add3A_1336 = arith.addi %add3A_1335, %add3A_1308 : vector<16xi32>
      %gather3A_1337 = tpu.vector_load_idx %arg7[%add3A_1336, %and3A_1293] : memref<5504x8xf32, #tpu.memory_space<vmem>>[vector<16xi32>, vector<16xi32>], vector<16xf32>,
      %add3A_1338 = arith.addf %add3A_1333, %gather3A_1337 : vector<16xf32>
      %add3A_1339 = arith.constant 768 : i32
      %add3A_1340 = vector.broadcast %add3A_1339 : i32 to vector<16xi32>
      %add3A_1341 = arith.addi %add3A_1340, %add3A_1308 : vector<16xi32>
      %gather3A_1342 = tpu.vector_load_idx %arg7[%add3A_1341, %and3A_1293] : memref<5504x8xf32, #tpu.memory_space<vmem>>[vector<16xi32>, vector<16xi32>], vector<16xf32>,
      %add3A_1343 = arith.addf %add3A_1338, %gather3A_1342 : vector<16xf32>
      %add3A_1344 = arith.constant 896 : i32
      %add3A_1345 = vector.broadcast %add3A_1344 : i32 to vector<16xi32>
      %add3A_1346 = arith.addi %add3A_1345, %add3A_1308 : vector<16xi32>
      %gather3A_1347 = tpu.vector_load_idx %arg7[%add3A_1346, %and3A_1293] : memref<5504x8xf32, #tpu.memory_space<vmem>>[vector<16xi32>, vector<16xi32>], vector<16xf32>,
      %add3A_1348 = arith.addf %add3A_1343, %gather3A_1347 : vector<16xf32>
      %add3A_1349 = arith.constant 1024 : i32
      %add3A_1350 = vector.broadcast %add3A_1349 : i32 to vector<16xi32>
      %add3A_1351 = arith.addi %add3A_1350, %add3A_1308 : vector<16xi32>
      %gather3A_1352 = tpu.vector_load_idx %arg7[%add3A_1351, %and3A_1293] : memref<5504x8xf32, #tpu.memory_space<vmem>>[vector<16xi32>, vector<16xi32>], vector<16xf32>,
      %add3A_1353 = arith.addf %add3A_1348, %gather3A_1352 : vector<16xf32>
      %add3A_1354 = arith.constant 1152 : i32
      %add3A_1355 = vector.broadcast %add3A_1354 : i32 to vector<16xi32>
      %add3A_1356 = arith.addi %add3A_1355, %add3A_1308 : vector<16xi32>
      %gather3A_1357 = tpu.vector_load_idx %arg7[%add3A_1356, %and3A_1293] : memref<5504x8xf32, #tpu.memory_space<vmem>>[vector<16xi32>, vector<16xi32>], vector<16xf32>,
      %add3A_1358 = arith.addf %add3A_1353, %gather3A_1357 : vector<16xf32>
      %add3A_1359 = arith.constant 1280 : i32
      %add3A_1360 = vector.broadcast %add3A_1359 : i32 to vector<16xi32>
      %add3A_1361 = arith.addi %add3A_1360, %add3A_1308 : vector<16xi32>
      %gather3A_1362 = tpu.vector_load_idx %arg7[%add3A_1361, %and3A_1293] : memref<5504x8xf32, #tpu.memory_space<vmem>>[vector<16xi32>, vector<16xi32>], vector<16xf32>,
      %add3A_1363 = arith.addf %add3A_1358, %gather3A_1362 : vector<16xf32>
      %add3A_1364 = arith.constant 1408 : i32
      %add3A_1365 = vector.broadcast %add3A_1364 : i32 to vector<16xi32>
      %add3A_1366 = arith.addi %add3A_1365, %add3A_1308 : vector<16xi32>
      %gather3A_1367 = tpu.vector_load_idx %arg7[%add3A_1366, %and3A_1293] : memref<5504x8xf32, #tpu.memory_space<vmem>>[vector<16xi32>, vector<16xi32>], vector<16xf32>,
      %add3A_1368 = arith.addf %add3A_1363, %gather3A_1367 : vector<16xf32>
      %add3A_1369 = arith.constant 1536 : i32
      %add3A_1370 = vector.broadcast %add3A_1369 : i32 to vector<16xi32>
      %add3A_1371 = arith.addi %add3A_1370, %add3A_1308 : vector<16xi32>
      %gather3A_1372 = tpu.vector_load_idx %arg7[%add3A_1371, %and3A_1293] : memref<5504x8xf32, #tpu.memory_space<vmem>>[vector<16xi32>, vector<16xi32>], vector<16xf32>,
      %add3A_1373 = arith.addf %add3A_1368, %gather3A_1372 : vector<16xf32>
      %add3A_1374 = arith.constant 1664 : i32
      %add3A_1375 = vector.broadcast %add3A_1374 : i32 to vector<16xi32>
      %add3A_1376 = arith.addi %add3A_1375, %add3A_1308 : vector<16xi32>
      %gather3A_1377 = tpu.vector_load_idx %arg7[%add3A_1376, %and3A_1293] : memref<5504x8xf32, #tpu.memory_space<vmem>>[vector<16xi32>, vector<16xi32>], vector<16xf32>,
      %add3A_1378 = arith.addf %add3A_1373, %gather3A_1377 : vector<16xf32>
      %add3A_1379 = arith.constant 1792 : i32
      %add3A_1380 = vector.broadcast %add3A_1379 : i32 to vector<16xi32>
      %add3A_1381 = arith.addi %add3A_1380, %add3A_1308 : vector<16xi32>
      %gather3A_1382 = tpu.vector_load_idx %arg7[%add3A_1381, %and3A_1293] : memref<5504x8xf32, #tpu.memory_space<vmem>>[vector<16xi32>, vector<16xi32>], vector<16xf32>,
      %add3A_1383 = arith.addf %add3A_1378, %gather3A_1382 : vector<16xf32>
      %add3A_1384 = arith.constant 1920 : i32
      %add3A_1385 = vector.broadcast %add3A_1384 : i32 to vector<16xi32>
      %add3A_1386 = arith.addi %add3A_1385, %add3A_1308 : vector<16xi32>
      %gather3A_1387 = tpu.vector_load_idx %arg7[%add3A_1386, %and3A_1293] : memref<5504x8xf32, #tpu.memory_space<vmem>>[vector<16xi32>, vector<16xi32>], vector<16xf32>,
      %add3A_1388 = arith.addf %add3A_1383, %gather3A_1387 : vector<16xf32>
      %add3A_1389 = arith.constant 2048 : i32
      %add3A_1390 = vector.broadcast %add3A_1389 : i32 to vector<16xi32>
      %add3A_1391 = arith.addi %add3A_1390, %add3A_1308 : vector<16xi32>
      %gather3A_1392 = tpu.vector_load_idx %arg7[%add3A_1391, %and3A_1293] : memref<5504x8xf32, #tpu.memory_space<vmem>>[vector<16xi32>, vector<16xi32>], vector<16xf32>,
      %add3A_1393 = arith.addf %add3A_1388, %gather3A_1392 : vector<16xf32>
      %add3A_1394 = arith.constant 2176 : i32
      %add3A_1395 = vector.broadcast %add3A_1394 : i32 to vector<16xi32>
      %add3A_1396 = arith.addi %add3A_1395, %add3A_1308 : vector<16xi32>
      %gather3A_1397 = tpu.vector_load_idx %arg7[%add3A_1396, %and3A_1293] : memref<5504x8xf32, #tpu.memory_space<vmem>>[vector<16xi32>, vector<16xi32>], vector<16xf32>,
      %add3A_1398 = arith.addf %add3A_1393, %gather3A_1397 : vector<16xf32>
      %add3A_1399 = arith.constant 2304 : i32
      %add3A_1400 = vector.broadcast %add3A_1399 : i32 to vector<16xi32>
      %add3A_1401 = arith.addi %add3A_1400, %add3A_1308 : vector<16xi32>
      %gather3A_1402 = tpu.vector_load_idx %arg7[%add3A_1401, %and3A_1293] : memref<5504x8xf32, #tpu.memory_space<vmem>>[vector<16xi32>, vector<16xi32>], vector<16xf32>,
      %add3A_1403 = arith.addf %add3A_1398, %gather3A_1402 : vector<16xf32>
      %add3A_1404 = arith.constant 2432 : i32
      %add3A_1405 = vector.broadcast %add3A_1404 : i32 to vector<16xi32>
      %add3A_1406 = arith.addi %add3A_1405, %add3A_1308 : vector<16xi32>
      %gather3A_1407 = tpu.vector_load_idx %arg7[%add3A_1406, %and3A_1293] : memref<5504x8xf32, #tpu.memory_space<vmem>>[vector<16xi32>, vector<16xi32>], vector<16xf32>,
      %add3A_1408 = arith.addf %add3A_1403, %gather3A_1407 : vector<16xf32>
      %add3A_1409 = arith.constant 2560 : i32
      %add3A_1410 = vector.broadcast %add3A_1409 : i32 to vector<16xi32>
      %add3A_1411 = arith.addi %add3A_1410, %add3A_1308 : vector<16xi32>
      %gather3A_1412 = tpu.vector_load_idx %arg7[%add3A_1411, %and3A_1293] : memref<5504x8xf32, #tpu.memory_space<vmem>>[vector<16xi32>, vector<16xi32>], vector<16xf32>,
      %add3A_1413 = arith.addf %add3A_1408, %gather3A_1412 : vector<16xf32>
      %add3A_1414 = arith.constant 2688 : i32
      %add3A_1415 = vector.broadcast %add3A_1414 : i32 to vector<16xi32>
      %add3A_1416 = arith.addi %add3A_1415, %add3A_1308 : vector<16xi32>
      %gather3A_1417 = tpu.vector_load_idx %arg7[%add3A_1416, %and3A_1293] : memref<5504x8xf32, #tpu.memory_space<vmem>>[vector<16xi32>, vector<16xi32>], vector<16xf32>,
      %add3A_1418 = arith.addf %add3A_1413, %gather3A_1417 : vector<16xf32>
      %add3A_1419 = arith.constant 2816 : i32
      %add3A_1420 = vector.broadcast %add3A_1419 : i32 to vector<16xi32>
      %add3A_1421 = arith.addi %add3A_1420, %add3A_1308 : vector<16xi32>
      %gather3A_1422 = tpu.vector_load_idx %arg7[%add3A_1421, %and3A_1293] : memref<5504x8xf32, #tpu.memory_space<vmem>>[vector<16xi32>, vector<16xi32>], vector<16xf32>,
      %add3A_1423 = arith.addf %add3A_1418, %gather3A_1422 : vector<16xf32>
      %add3A_1424 = arith.constant 2944 : i32
      %add3A_1425 = vector.broadcast %add3A_1424 : i32 to vector<16xi32>
      %add3A_1426 = arith.addi %add3A_1425, %add3A_1308 : vector<16xi32>
      %gather3A_1427 = tpu.vector_load_idx %arg7[%add3A_1426, %and3A_1293] : memref<5504x8xf32, #tpu.memory_space<vmem>>[vector<16xi32>, vector<16xi32>], vector<16xf32>,
      %add3A_1428 = arith.addf %add3A_1423, %gather3A_1427 : vector<16xf32>
      %add3A_1429 = arith.constant 3072 : i32
      %add3A_1430 = vector.broadcast %add3A_1429 : i32 to vector<16xi32>
      %add3A_1431 = arith.addi %add3A_1430, %add3A_1308 : vector<16xi32>
      %gather3A_1432 = tpu.vector_load_idx %arg7[%add3A_1431, %and3A_1293] : memref<5504x8xf32, #tpu.memory_space<vmem>>[vector<16xi32>, vector<16xi32>], vector<16xf32>,
      %add3A_1433 = arith.addf %add3A_1428, %gather3A_1432 : vector<16xf32>
      %add3A_1434 = arith.constant 3200 : i32
      %add3A_1435 = vector.broadcast %add3A_1434 : i32 to vector<16xi32>
      %add3A_1436 = arith.addi %add3A_1435, %add3A_1308 : vector<16xi32>
      %gather3A_1437 = tpu.vector_load_idx %arg7[%add3A_1436, %and3A_1293] : memref<5504x8xf32, #tpu.memory_space<vmem>>[vector<16xi32>, vector<16xi32>], vector<16xf32>,
      %add3A_1438 = arith.addf %add3A_1433, %gather3A_1437 : vector<16xf32>
      %add3A_1439 = arith.constant 3328 : i32
      %add3A_1440 = vector.broadcast %add3A_1439 : i32 to vector<16xi32>
      %add3A_1441 = arith.addi %add3A_1440, %add3A_1308 : vector<16xi32>
      %gather3A_1442 = tpu.vector_load_idx %arg7[%add3A_1441, %and3A_1293] : memref<5504x8xf32, #tpu.memory_space<vmem>>[vector<16xi32>, vector<16xi32>], vector<16xf32>,
      %add3A_1443 = arith.addf %add3A_1438, %gather3A_1442 : vector<16xf32>
      %add3A_1444 = arith.constant 3456 : i32
      %add3A_1445 = vector.broadcast %add3A_1444 : i32 to vector<16xi32>
      %add3A_1446 = arith.addi %add3A_1445, %add3A_1308 : vector<16xi32>
      %gather3A_1447 = tpu.vector_load_idx %arg7[%add3A_1446, %and3A_1293] : memref<5504x8xf32, #tpu.memory_space<vmem>>[vector<16xi32>, vector<16xi32>], vector<16xf32>,
      %add3A_1448 = arith.addf %add3A_1443, %gather3A_1447 : vector<16xf32>
      %add3A_1449 = arith.constant 3584 : i32
      %add3A_1450 = vector.broadcast %add3A_1449 : i32 to vector<16xi32>
      %add3A_1451 = arith.addi %add3A_1450, %add3A_1308 : vector<16xi32>
      %gather3A_1452 = tpu.vector_load_idx %arg7[%add3A_1451, %and3A_1293] : memref<5504x8xf32, #tpu.memory_space<vmem>>[vector<16xi32>, vector<16xi32>], vector<16xf32>,
      %add3A_1453 = arith.addf %add3A_1448, %gather3A_1452 : vector<16xf32>
      %add3A_1454 = arith.constant 3712 : i32
      %add3A_1455 = vector.broadcast %add3A_1454 : i32 to vector<16xi32>
      %add3A_1456 = arith.addi %add3A_1455, %add3A_1308 : vector<16xi32>
      %gather3A_1457 = tpu.vector_load_idx %arg7[%add3A_1456, %and3A_1293] : memref<5504x8xf32, #tpu.memory_space<vmem>>[vector<16xi32>, vector<16xi32>], vector<16xf32>,
      %add3A_1458 = arith.addf %add3A_1453, %gather3A_1457 : vector<16xf32>
      %add3A_1459 = arith.constant 3840 : i32
      %add3A_1460 = vector.broadcast %add3A_1459 : i32 to vector<16xi32>
      %add3A_1461 = arith.addi %add3A_1460, %add3A_1308 : vector<16xi32>
      %gather3A_1462 = tpu.vector_load_idx %arg7[%add3A_1461, %and3A_1293] : memref<5504x8xf32, #tpu.memory_space<vmem>>[vector<16xi32>, vector<16xi32>], vector<16xf32>,
      %add3A_1463 = arith.addf %add3A_1458, %gather3A_1462 : vector<16xf32>
      %add3A_1464 = arith.constant 3968 : i32
      %add3A_1465 = vector.broadcast %add3A_1464 : i32 to vector<16xi32>
      %add3A_1466 = arith.addi %add3A_1465, %add3A_1308 : vector<16xi32>
      %gather3A_1467 = tpu.vector_load_idx %arg7[%add3A_1466, %and3A_1293] : memref<5504x8xf32, #tpu.memory_space<vmem>>[vector<16xi32>, vector<16xi32>], vector<16xf32>,
      %add3A_1468 = arith.addf %add3A_1463, %gather3A_1467 : vector<16xf32>
      %add3A_1469 = arith.constant 4096 : i32
      %add3A_1470 = vector.broadcast %add3A_1469 : i32 to vector<16xi32>
      %add3A_1471 = arith.addi %add3A_1470, %add3A_1308 : vector<16xi32>
      %gather3A_1472 = tpu.vector_load_idx %arg7[%add3A_1471, %and3A_1293] : memref<5504x8xf32, #tpu.memory_space<vmem>>[vector<16xi32>, vector<16xi32>], vector<16xf32>,
      %add3A_1473 = arith.addf %add3A_1468, %gather3A_1472 : vector<16xf32>
      %add3A_1474 = arith.constant 4224 : i32
      %add3A_1475 = vector.broadcast %add3A_1474 : i32 to vector<16xi32>
      %add3A_1476 = arith.addi %add3A_1475, %add3A_1308 : vector<16xi32>
      %gather3A_1477 = tpu.vector_load_idx %arg7[%add3A_1476, %and3A_1293] : memref<5504x8xf32, #tpu.memory_space<vmem>>[vector<16xi32>, vector<16xi32>], vector<16xf32>,
      %add3A_1478 = arith.addf %add3A_1473, %gather3A_1477 : vector<16xf32>
      %add3A_1479 = arith.constant 4352 : i32
      %add3A_1480 = vector.broadcast %add3A_1479 : i32 to vector<16xi32>
      %add3A_1481 = arith.addi %add3A_1480, %add3A_1308 : vector<16xi32>
      %gather3A_1482 = tpu.vector_load_idx %arg7[%add3A_1481, %and3A_1293] : memref<5504x8xf32, #tpu.memory_space<vmem>>[vector<16xi32>, vector<16xi32>], vector<16xf32>,
      %add3A_1483 = arith.addf %add3A_1478, %gather3A_1482 : vector<16xf32>
      %add3A_1484 = arith.constant 4480 : i32
      %add3A_1485 = vector.broadcast %add3A_1484 : i32 to vector<16xi32>
      %add3A_1486 = arith.addi %add3A_1485, %add3A_1308 : vector<16xi32>
      %gather3A_1487 = tpu.vector_load_idx %arg7[%add3A_1486, %and3A_1293] : memref<5504x8xf32, #tpu.memory_space<vmem>>[vector<16xi32>, vector<16xi32>], vector<16xf32>,
      %add3A_1488 = arith.addf %add3A_1483, %gather3A_1487 : vector<16xf32>
      %add3A_1489 = arith.constant 4608 : i32
      %add3A_1490 = vector.broadcast %add3A_1489 : i32 to vector<16xi32>
      %add3A_1491 = arith.addi %add3A_1490, %add3A_1308 : vector<16xi32>
      %gather3A_1492 = tpu.vector_load_idx %arg7[%add3A_1491, %and3A_1293] : memref<5504x8xf32, #tpu.memory_space<vmem>>[vector<16xi32>, vector<16xi32>], vector<16xf32>,
      %add3A_1493 = arith.addf %add3A_1488, %gather3A_1492 : vector<16xf32>
      %add3A_1494 = arith.constant 4736 : i32
      %add3A_1495 = vector.broadcast %add3A_1494 : i32 to vector<16xi32>
      %add3A_1496 = arith.addi %add3A_1495, %add3A_1308 : vector<16xi32>
      %gather3A_1497 = tpu.vector_load_idx %arg7[%add3A_1496, %and3A_1293] : memref<5504x8xf32, #tpu.memory_space<vmem>>[vector<16xi32>, vector<16xi32>], vector<16xf32>,
      %add3A_1498 = arith.addf %add3A_1493, %gather3A_1497 : vector<16xf32>
      %add3A_1499 = arith.constant 4864 : i32
      %add3A_1500 = vector.broadcast %add3A_1499 : i32 to vector<16xi32>
      %add3A_1501 = arith.addi %add3A_1500, %add3A_1308 : vector<16xi32>
      %gather3A_1502 = tpu.vector_load_idx %arg7[%add3A_1501, %and3A_1293] : memref<5504x8xf32, #tpu.memory_space<vmem>>[vector<16xi32>, vector<16xi32>], vector<16xf32>,
      %add3A_1503 = arith.addf %add3A_1498, %gather3A_1502 : vector<16xf32>
      %add3A_1504 = arith.constant 4992 : i32
      %add3A_1505 = vector.broadcast %add3A_1504 : i32 to vector<16xi32>
      %add3A_1506 = arith.addi %add3A_1505, %add3A_1308 : vector<16xi32>
      %gather3A_1507 = tpu.vector_load_idx %arg7[%add3A_1506, %and3A_1293] : memref<5504x8xf32, #tpu.memory_space<vmem>>[vector<16xi32>, vector<16xi32>], vector<16xf32>,
      %add3A_1508 = arith.addf %add3A_1503, %gather3A_1507 : vector<16xf32>
      %add3A_1509 = arith.constant 5120 : i32
      %add3A_1510 = vector.broadcast %add3A_1509 : i32 to vector<16xi32>
      %add3A_1511 = arith.addi %add3A_1510, %add3A_1308 : vector<16xi32>
      %gather3A_1512 = tpu.vector_load_idx %arg7[%add3A_1511, %and3A_1293] : memref<5504x8xf32, #tpu.memory_space<vmem>>[vector<16xi32>, vector<16xi32>], vector<16xf32>,
      %add3A_1513 = arith.addf %add3A_1508, %gather3A_1512 : vector<16xf32>
      %add3A_1514 = arith.constant 5248 : i32
      %add3A_1515 = vector.broadcast %add3A_1514 : i32 to vector<16xi32>
      %add3A_1516 = arith.addi %add3A_1515, %add3A_1308 : vector<16xi32>
      %gather3A_1517 = tpu.vector_load_idx %arg7[%add3A_1516, %and3A_1293] : memref<5504x8xf32, #tpu.memory_space<vmem>>[vector<16xi32>, vector<16xi32>], vector<16xf32>,
      %add3A_1518 = arith.addf %add3A_1513, %gather3A_1517 : vector<16xf32>
      %add3A_1519 = arith.constant 5376 : i32
      %add3A_1520 = vector.broadcast %add3A_1519 : i32 to vector<16xi32>
      %add3A_1521 = arith.addi %add3A_1520, %add3A_1308 : vector<16xi32>
      %gather3A_1522 = tpu.vector_load_idx %arg7[%add3A_1521, %and3A_1293] : memref<5504x8xf32, #tpu.memory_space<vmem>>[vector<16xi32>, vector<16xi32>], vector<16xf32>,
      %add3A_1523 = arith.addf %add3A_1518, %gather3A_1522 : vector<16xf32>
      %add3A_1524 = arith.addf %add3A_1523, %add3A_1523 : vector<16xf32>
      %exp3A = math.exp %add3A_1524 : vector<16xf32>
      %add3A_1525 = arith.constant 1.000000e+00 : f32
      %add3A_1526 = vector.broadcast %add3A_1525 : f32 to vector<16xf32>
      %add3A_1527 = arith.addf %exp3A, %add3A_1526 : vector<16xf32>
      %div3A = arith.constant 2.000000e+00 : f32
      %div3A_1528 = vector.broadcast %div3A : f32 to vector<16xf32>
      %div3A_1529 = arith.divf %div3A_1528, %add3A_1527 : vector<16xf32>
      %sub3A = arith.constant 1.000000e+00 : f32
      %sub3A_1530 = vector.broadcast %sub3A : f32 to vector<16xf32>
      %sub3A_1531 = arith.subf %sub3A_1530, %div3A_1529 : vector<16xf32>
      %mul3A_1532 = arith.mulf %sub3A_1531, %get3A_1289 : vector<16xf32>
      %add3A_1533 = arith.addf %mul3A_1532, %get3A_1291 : vector<16xf32>
      %mul3A_1534 = arith.constant 16 : i32
      %mul3A_1535 = arith.muli %scan3A_1304, %mul3A_1534 : i32
      %swap3A = arith.index_cast %mul3A_1535 : i32 to index
      %swap3A_1536 = tpu.vector_load %arg8[%swap3A] {strides = array<i32>} : memref<1024xf32, #tpu.memory_space<vmem>>, vector<16xf32>,
      tpu.vector_store %arg8[%swap3A], %add3A_1533 {strides = array<i32>} : memref<1024xf32, #tpu.memory_space<vmem>>, vector<16xf32>,
    }
    %scan3A_1299 = arith.constant 64 : i32
    %mul3A_1300 = arith.constant 128 : i32
    %mul3A_1301 = arith.muli %add3A, %mul3A_1300 : i32
    %mul3A_1302 = arith.constant 8 : i32
    %mul3A_1303 = arith.muli %mul3A_1301, %mul3A_1302 : i32
    "tpu.region"() ({
      %run_scoped3A = tpu.sem_alloc : memref<!tpu.dma_semaphore, #tpu.memory_space<semaphore_mem>>
      %dma_start3A_1304 = tpu.memref_slice %arg5[%mul3A_1303] : memref<32768xf32, #tpu.memory_space<hbm>> -> memref<1024xf32, #tpu.memory_space<hbm>>
      %dma_start3A_1305 = tpu.memref_slice %arg5[%mul3A_1303] : memref<32768xf32, #tpu.memory_space<hbm>> -> memref<1024xf32, #tpu.memory_space<hbm>>
      tpu.enqueue_dma source(%arg8 : memref<1024xf32, #tpu.memory_space<vmem>>) target(%dma_start3A_1305 : memref<1024xf32, #tpu.memory_space<hbm>>) target_semaphore(%run_scoped3A : memref<!tpu.dma_semaphore, #tpu.memory_space<semaphore_mem>>)
      %dma_wait3A_1306 = tpu.memref_slice %arg5[%mul3A_1303] : memref<32768xf32, #tpu.memory_space<hbm>> -> memref<1024xf32, #tpu.memory_space<hbm>>
      %dma_wait3A_1307 = tpu.memref_slice %arg5[%mul3A_1303] : memref<32768xf32, #tpu.memory_space<hbm>> -> memref<1024xf32, #tpu.memory_space<hbm>>
      tpu.wait_dma2 semaphore(%run_scoped3A : memref<!tpu.dma_semaphore, #tpu.memory_space<semaphore_mem>>) src(%arg8 : memref<1024xf32, #tpu.memory_space<vmem>>) dst(%dma_wait3A_1307 : memref<1024xf32, #tpu.memory_space<hbm>>)
      tpu.yield
    }) : () -> ()
    return
  }
}

module attributes {stable_mosaic.version = 14 : i64} {
  func.func @_addr_body(%arg0: i32, %arg1: memref<1024x64xf32, #tpu.memory_space<vmem>>, %arg2: memref<64x12xf32, #tpu.memory_space<vmem>>, %arg3: memref<64x4096x512xf32, #tpu.memory_space<any>>, %arg4: memref<8x43x128xi32, #tpu.memory_space<vmem>>, %arg5: memref<13x64x512xf32, #tpu.memory_space<vmem>>, %arg6: memref<!tpu.dma_semaphore, #tpu.memory_space<semaphore_mem>>) attributes {dimension_semantics = [#tpu.dimension_semantics<arbitrary>], iteration_bounds = array<i64: 4>, scalar_prefetch = 0 : i64, scratch_operands = 2 : i64, tpu.core_type = #tpu.core_type<tc>, window_params = [{transform_indices = @transform_0, window_bounds = array<i64: 1024, 64>}, {pipeline_mode = #tpu.pipeline_mode<synchronous>, transform_indices = @transform_1, window_bounds = array<i64: 64, 12>}, {}, {transform_indices = @transform_3, window_bounds = array<i64: 8, 43, 128>}]} {
    %eq3A = arith.constant 0 : i32
    %eq3A_0 = arith.cmpi eq, %arg0, %eq3A : i32
    %convert_element_type3A = arith.extui %eq3A_0 : i1 to i32
    %cond3A = arith.constant 0 : i32
    %cond3A_1 = arith.cmpi ne, %convert_element_type3A, %cond3A : i32
    scf.if %cond3A_1 {
      %dma_start3A = arith.constant 0 : i32
      %dma_start3A_248 = arith.constant 0 : i32
      %dma_start3A_249 = arith.constant 0 : i32
      %dma_start3A_250 = arith.constant 0 : i32
      %dma_start3A_251 = tpu.memref_slice %arg5[%dma_start3A_248, %dma_start3A_249, %dma_start3A_250] : memref<13x64x512xf32, #tpu.memory_space<vmem>> -> memref<1x64x512xf32, #tpu.memory_space<vmem>>
      %dma_start3A_252 = tpu.memref_squeeze %dma_start3A_251 : memref<1x64x512xf32, #tpu.memory_space<vmem>> -> memref<64x512xf32, #tpu.memory_space<vmem>>
      %dma_start3A_253 = arith.constant 0 : i32
      %dma_start3A_254 = arith.constant 0 : i32
      %dma_start3A_255 = tpu.memref_slice %arg3[%dma_start3A_253, %dma_start3A, %dma_start3A_254] : memref<64x4096x512xf32, #tpu.memory_space<any>> -> memref<64x1x512xf32, #tpu.memory_space<any>>
      %dma_start3A_256 = tpu.memref_squeeze %dma_start3A_255 : memref<64x1x512xf32, #tpu.memory_space<any>> -> memref<64x512xf32, #tpu.memory_space<any>>
      tpu.enqueue_dma source(%dma_start3A_256 : memref<64x512xf32, #tpu.memory_space<any>>) target(%dma_start3A_252 : memref<64x512xf32, #tpu.memory_space<vmem>>) target_semaphore(%arg6 : memref<!tpu.dma_semaphore, #tpu.memory_space<semaphore_mem>>)
      %dma_start3A_257 = arith.constant 1 : i32
      %dma_start3A_258 = arith.constant 1 : i32
      %dma_start3A_259 = arith.constant 0 : i32
      %dma_start3A_260 = arith.constant 0 : i32
      %dma_start3A_261 = tpu.memref_slice %arg5[%dma_start3A_258, %dma_start3A_259, %dma_start3A_260] : memref<13x64x512xf32, #tpu.memory_space<vmem>> -> memref<1x64x512xf32, #tpu.memory_space<vmem>>
      %dma_start3A_262 = tpu.memref_squeeze %dma_start3A_261 : memref<1x64x512xf32, #tpu.memory_space<vmem>> -> memref<64x512xf32, #tpu.memory_space<vmem>>
      %dma_start3A_263 = arith.constant 0 : i32
      %dma_start3A_264 = arith.constant 0 : i32
      %dma_start3A_265 = tpu.memref_slice %arg3[%dma_start3A_263, %dma_start3A_257, %dma_start3A_264] : memref<64x4096x512xf32, #tpu.memory_space<any>> -> memref<64x1x512xf32, #tpu.memory_space<any>>
      %dma_start3A_266 = tpu.memref_squeeze %dma_start3A_265 : memref<64x1x512xf32, #tpu.memory_space<any>> -> memref<64x512xf32, #tpu.memory_space<any>>
      tpu.enqueue_dma source(%dma_start3A_266 : memref<64x512xf32, #tpu.memory_space<any>>) target(%dma_start3A_262 : memref<64x512xf32, #tpu.memory_space<vmem>>) target_semaphore(%arg6 : memref<!tpu.dma_semaphore, #tpu.memory_space<semaphore_mem>>)
      %dma_start3A_267 = arith.constant 3 : i32
      %dma_start3A_268 = arith.constant 2 : i32
      %dma_start3A_269 = arith.constant 0 : i32
      %dma_start3A_270 = arith.constant 0 : i32
      %dma_start3A_271 = tpu.memref_slice %arg5[%dma_start3A_268, %dma_start3A_269, %dma_start3A_270] : memref<13x64x512xf32, #tpu.memory_space<vmem>> -> memref<1x64x512xf32, #tpu.memory_space<vmem>>
      %dma_start3A_272 = tpu.memref_squeeze %dma_start3A_271 : memref<1x64x512xf32, #tpu.memory_space<vmem>> -> memref<64x512xf32, #tpu.memory_space<vmem>>
      %dma_start3A_273 = arith.constant 0 : i32
      %dma_start3A_274 = arith.constant 0 : i32
      %dma_start3A_275 = tpu.memref_slice %arg3[%dma_start3A_273, %dma_start3A_267, %dma_start3A_274] : memref<64x4096x512xf32, #tpu.memory_space<any>> -> memref<64x1x512xf32, #tpu.memory_space<any>>
      %dma_start3A_276 = tpu.memref_squeeze %dma_start3A_275 : memref<64x1x512xf32, #tpu.memory_space<any>> -> memref<64x512xf32, #tpu.memory_space<any>>
      tpu.enqueue_dma source(%dma_start3A_276 : memref<64x512xf32, #tpu.memory_space<any>>) target(%dma_start3A_272 : memref<64x512xf32, #tpu.memory_space<vmem>>) target_semaphore(%arg6 : memref<!tpu.dma_semaphore, #tpu.memory_space<semaphore_mem>>)
      %dma_start3A_277 = arith.constant 7 : i32
      %dma_start3A_278 = arith.constant 3 : i32
      %dma_start3A_279 = arith.constant 0 : i32
      %dma_start3A_280 = arith.constant 0 : i32
      %dma_start3A_281 = tpu.memref_slice %arg5[%dma_start3A_278, %dma_start3A_279, %dma_start3A_280] : memref<13x64x512xf32, #tpu.memory_space<vmem>> -> memref<1x64x512xf32, #tpu.memory_space<vmem>>
      %dma_start3A_282 = tpu.memref_squeeze %dma_start3A_281 : memref<1x64x512xf32, #tpu.memory_space<vmem>> -> memref<64x512xf32, #tpu.memory_space<vmem>>
      %dma_start3A_283 = arith.constant 0 : i32
      %dma_start3A_284 = arith.constant 0 : i32
      %dma_start3A_285 = tpu.memref_slice %arg3[%dma_start3A_283, %dma_start3A_277, %dma_start3A_284] : memref<64x4096x512xf32, #tpu.memory_space<any>> -> memref<64x1x512xf32, #tpu.memory_space<any>>
      %dma_start3A_286 = tpu.memref_squeeze %dma_start3A_285 : memref<64x1x512xf32, #tpu.memory_space<any>> -> memref<64x512xf32, #tpu.memory_space<any>>
      tpu.enqueue_dma source(%dma_start3A_286 : memref<64x512xf32, #tpu.memory_space<any>>) target(%dma_start3A_282 : memref<64x512xf32, #tpu.memory_space<vmem>>) target_semaphore(%arg6 : memref<!tpu.dma_semaphore, #tpu.memory_space<semaphore_mem>>)
      %dma_start3A_287 = arith.constant 15 : i32
      %dma_start3A_288 = arith.constant 4 : i32
      %dma_start3A_289 = arith.constant 0 : i32
      %dma_start3A_290 = arith.constant 0 : i32
      %dma_start3A_291 = tpu.memref_slice %arg5[%dma_start3A_288, %dma_start3A_289, %dma_start3A_290] : memref<13x64x512xf32, #tpu.memory_space<vmem>> -> memref<1x64x512xf32, #tpu.memory_space<vmem>>
      %dma_start3A_292 = tpu.memref_squeeze %dma_start3A_291 : memref<1x64x512xf32, #tpu.memory_space<vmem>> -> memref<64x512xf32, #tpu.memory_space<vmem>>
      %dma_start3A_293 = arith.constant 0 : i32
      %dma_start3A_294 = arith.constant 0 : i32
      %dma_start3A_295 = tpu.memref_slice %arg3[%dma_start3A_293, %dma_start3A_287, %dma_start3A_294] : memref<64x4096x512xf32, #tpu.memory_space<any>> -> memref<64x1x512xf32, #tpu.memory_space<any>>
      %dma_start3A_296 = tpu.memref_squeeze %dma_start3A_295 : memref<64x1x512xf32, #tpu.memory_space<any>> -> memref<64x512xf32, #tpu.memory_space<any>>
      tpu.enqueue_dma source(%dma_start3A_296 : memref<64x512xf32, #tpu.memory_space<any>>) target(%dma_start3A_292 : memref<64x512xf32, #tpu.memory_space<vmem>>) target_semaphore(%arg6 : memref<!tpu.dma_semaphore, #tpu.memory_space<semaphore_mem>>)
      %dma_start3A_297 = arith.constant 31 : i32
      %dma_start3A_298 = arith.constant 5 : i32
      %dma_start3A_299 = arith.constant 0 : i32
      %dma_start3A_300 = arith.constant 0 : i32
      %dma_start3A_301 = tpu.memref_slice %arg5[%dma_start3A_298, %dma_start3A_299, %dma_start3A_300] : memref<13x64x512xf32, #tpu.memory_space<vmem>> -> memref<1x64x512xf32, #tpu.memory_space<vmem>>
      %dma_start3A_302 = tpu.memref_squeeze %dma_start3A_301 : memref<1x64x512xf32, #tpu.memory_space<vmem>> -> memref<64x512xf32, #tpu.memory_space<vmem>>
      %dma_start3A_303 = arith.constant 0 : i32
      %dma_start3A_304 = arith.constant 0 : i32
      %dma_start3A_305 = tpu.memref_slice %arg3[%dma_start3A_303, %dma_start3A_297, %dma_start3A_304] : memref<64x4096x512xf32, #tpu.memory_space<any>> -> memref<64x1x512xf32, #tpu.memory_space<any>>
      %dma_start3A_306 = tpu.memref_squeeze %dma_start3A_305 : memref<64x1x512xf32, #tpu.memory_space<any>> -> memref<64x512xf32, #tpu.memory_space<any>>
      tpu.enqueue_dma source(%dma_start3A_306 : memref<64x512xf32, #tpu.memory_space<any>>) target(%dma_start3A_302 : memref<64x512xf32, #tpu.memory_space<vmem>>) target_semaphore(%arg6 : memref<!tpu.dma_semaphore, #tpu.memory_space<semaphore_mem>>)
      %dma_start3A_307 = arith.constant 63 : i32
      %dma_start3A_308 = arith.constant 6 : i32
      %dma_start3A_309 = arith.constant 0 : i32
      %dma_start3A_310 = arith.constant 0 : i32
      %dma_start3A_311 = tpu.memref_slice %arg5[%dma_start3A_308, %dma_start3A_309, %dma_start3A_310] : memref<13x64x512xf32, #tpu.memory_space<vmem>> -> memref<1x64x512xf32, #tpu.memory_space<vmem>>
      %dma_start3A_312 = tpu.memref_squeeze %dma_start3A_311 : memref<1x64x512xf32, #tpu.memory_space<vmem>> -> memref<64x512xf32, #tpu.memory_space<vmem>>
      %dma_start3A_313 = arith.constant 0 : i32
      %dma_start3A_314 = arith.constant 0 : i32
      %dma_start3A_315 = tpu.memref_slice %arg3[%dma_start3A_313, %dma_start3A_307, %dma_start3A_314] : memref<64x4096x512xf32, #tpu.memory_space<any>> -> memref<64x1x512xf32, #tpu.memory_space<any>>
      %dma_start3A_316 = tpu.memref_squeeze %dma_start3A_315 : memref<64x1x512xf32, #tpu.memory_space<any>> -> memref<64x512xf32, #tpu.memory_space<any>>
      tpu.enqueue_dma source(%dma_start3A_316 : memref<64x512xf32, #tpu.memory_space<any>>) target(%dma_start3A_312 : memref<64x512xf32, #tpu.memory_space<vmem>>) target_semaphore(%arg6 : memref<!tpu.dma_semaphore, #tpu.memory_space<semaphore_mem>>)
      %dma_start3A_317 = arith.constant 127 : i32
      %dma_start3A_318 = arith.constant 7 : i32
      %dma_start3A_319 = arith.constant 0 : i32
      %dma_start3A_320 = arith.constant 0 : i32
      %dma_start3A_321 = tpu.memref_slice %arg5[%dma_start3A_318, %dma_start3A_319, %dma_start3A_320] : memref<13x64x512xf32, #tpu.memory_space<vmem>> -> memref<1x64x512xf32, #tpu.memory_space<vmem>>
      %dma_start3A_322 = tpu.memref_squeeze %dma_start3A_321 : memref<1x64x512xf32, #tpu.memory_space<vmem>> -> memref<64x512xf32, #tpu.memory_space<vmem>>
      %dma_start3A_323 = arith.constant 0 : i32
      %dma_start3A_324 = arith.constant 0 : i32
      %dma_start3A_325 = tpu.memref_slice %arg3[%dma_start3A_323, %dma_start3A_317, %dma_start3A_324] : memref<64x4096x512xf32, #tpu.memory_space<any>> -> memref<64x1x512xf32, #tpu.memory_space<any>>
      %dma_start3A_326 = tpu.memref_squeeze %dma_start3A_325 : memref<64x1x512xf32, #tpu.memory_space<any>> -> memref<64x512xf32, #tpu.memory_space<any>>
      tpu.enqueue_dma source(%dma_start3A_326 : memref<64x512xf32, #tpu.memory_space<any>>) target(%dma_start3A_322 : memref<64x512xf32, #tpu.memory_space<vmem>>) target_semaphore(%arg6 : memref<!tpu.dma_semaphore, #tpu.memory_space<semaphore_mem>>)
      %dma_start3A_327 = arith.constant 255 : i32
      %dma_start3A_328 = arith.constant 8 : i32
      %dma_start3A_329 = arith.constant 0 : i32
      %dma_start3A_330 = arith.constant 0 : i32
      %dma_start3A_331 = tpu.memref_slice %arg5[%dma_start3A_328, %dma_start3A_329, %dma_start3A_330] : memref<13x64x512xf32, #tpu.memory_space<vmem>> -> memref<1x64x512xf32, #tpu.memory_space<vmem>>
      %dma_start3A_332 = tpu.memref_squeeze %dma_start3A_331 : memref<1x64x512xf32, #tpu.memory_space<vmem>> -> memref<64x512xf32, #tpu.memory_space<vmem>>
      %dma_start3A_333 = arith.constant 0 : i32
      %dma_start3A_334 = arith.constant 0 : i32
      %dma_start3A_335 = tpu.memref_slice %arg3[%dma_start3A_333, %dma_start3A_327, %dma_start3A_334] : memref<64x4096x512xf32, #tpu.memory_space<any>> -> memref<64x1x512xf32, #tpu.memory_space<any>>
      %dma_start3A_336 = tpu.memref_squeeze %dma_start3A_335 : memref<64x1x512xf32, #tpu.memory_space<any>> -> memref<64x512xf32, #tpu.memory_space<any>>
      tpu.enqueue_dma source(%dma_start3A_336 : memref<64x512xf32, #tpu.memory_space<any>>) target(%dma_start3A_332 : memref<64x512xf32, #tpu.memory_space<vmem>>) target_semaphore(%arg6 : memref<!tpu.dma_semaphore, #tpu.memory_space<semaphore_mem>>)
      %dma_start3A_337 = arith.constant 511 : i32
      %dma_start3A_338 = arith.constant 9 : i32
      %dma_start3A_339 = arith.constant 0 : i32
      %dma_start3A_340 = arith.constant 0 : i32
      %dma_start3A_341 = tpu.memref_slice %arg5[%dma_start3A_338, %dma_start3A_339, %dma_start3A_340] : memref<13x64x512xf32, #tpu.memory_space<vmem>> -> memref<1x64x512xf32, #tpu.memory_space<vmem>>
      %dma_start3A_342 = tpu.memref_squeeze %dma_start3A_341 : memref<1x64x512xf32, #tpu.memory_space<vmem>> -> memref<64x512xf32, #tpu.memory_space<vmem>>
      %dma_start3A_343 = arith.constant 0 : i32
      %dma_start3A_344 = arith.constant 0 : i32
      %dma_start3A_345 = tpu.memref_slice %arg3[%dma_start3A_343, %dma_start3A_337, %dma_start3A_344] : memref<64x4096x512xf32, #tpu.memory_space<any>> -> memref<64x1x512xf32, #tpu.memory_space<any>>
      %dma_start3A_346 = tpu.memref_squeeze %dma_start3A_345 : memref<64x1x512xf32, #tpu.memory_space<any>> -> memref<64x512xf32, #tpu.memory_space<any>>
      tpu.enqueue_dma source(%dma_start3A_346 : memref<64x512xf32, #tpu.memory_space<any>>) target(%dma_start3A_342 : memref<64x512xf32, #tpu.memory_space<vmem>>) target_semaphore(%arg6 : memref<!tpu.dma_semaphore, #tpu.memory_space<semaphore_mem>>)
      %dma_start3A_347 = arith.constant 1023 : i32
      %dma_start3A_348 = arith.constant 10 : i32
      %dma_start3A_349 = arith.constant 0 : i32
      %dma_start3A_350 = arith.constant 0 : i32
      %dma_start3A_351 = tpu.memref_slice %arg5[%dma_start3A_348, %dma_start3A_349, %dma_start3A_350] : memref<13x64x512xf32, #tpu.memory_space<vmem>> -> memref<1x64x512xf32, #tpu.memory_space<vmem>>
      %dma_start3A_352 = tpu.memref_squeeze %dma_start3A_351 : memref<1x64x512xf32, #tpu.memory_space<vmem>> -> memref<64x512xf32, #tpu.memory_space<vmem>>
      %dma_start3A_353 = arith.constant 0 : i32
      %dma_start3A_354 = arith.constant 0 : i32
      %dma_start3A_355 = tpu.memref_slice %arg3[%dma_start3A_353, %dma_start3A_347, %dma_start3A_354] : memref<64x4096x512xf32, #tpu.memory_space<any>> -> memref<64x1x512xf32, #tpu.memory_space<any>>
      %dma_start3A_356 = tpu.memref_squeeze %dma_start3A_355 : memref<64x1x512xf32, #tpu.memory_space<any>> -> memref<64x512xf32, #tpu.memory_space<any>>
      tpu.enqueue_dma source(%dma_start3A_356 : memref<64x512xf32, #tpu.memory_space<any>>) target(%dma_start3A_352 : memref<64x512xf32, #tpu.memory_space<vmem>>) target_semaphore(%arg6 : memref<!tpu.dma_semaphore, #tpu.memory_space<semaphore_mem>>)
      %dma_start3A_357 = arith.constant 2047 : i32
      %dma_start3A_358 = arith.constant 11 : i32
      %dma_start3A_359 = arith.constant 0 : i32
      %dma_start3A_360 = arith.constant 0 : i32
      %dma_start3A_361 = tpu.memref_slice %arg5[%dma_start3A_358, %dma_start3A_359, %dma_start3A_360] : memref<13x64x512xf32, #tpu.memory_space<vmem>> -> memref<1x64x512xf32, #tpu.memory_space<vmem>>
      %dma_start3A_362 = tpu.memref_squeeze %dma_start3A_361 : memref<1x64x512xf32, #tpu.memory_space<vmem>> -> memref<64x512xf32, #tpu.memory_space<vmem>>
      %dma_start3A_363 = arith.constant 0 : i32
      %dma_start3A_364 = arith.constant 0 : i32
      %dma_start3A_365 = tpu.memref_slice %arg3[%dma_start3A_363, %dma_start3A_357, %dma_start3A_364] : memref<64x4096x512xf32, #tpu.memory_space<any>> -> memref<64x1x512xf32, #tpu.memory_space<any>>
      %dma_start3A_366 = tpu.memref_squeeze %dma_start3A_365 : memref<64x1x512xf32, #tpu.memory_space<any>> -> memref<64x512xf32, #tpu.memory_space<any>>
      tpu.enqueue_dma source(%dma_start3A_366 : memref<64x512xf32, #tpu.memory_space<any>>) target(%dma_start3A_362 : memref<64x512xf32, #tpu.memory_space<vmem>>) target_semaphore(%arg6 : memref<!tpu.dma_semaphore, #tpu.memory_space<semaphore_mem>>)
      %dma_start3A_367 = arith.constant 4095 : i32
      %dma_start3A_368 = arith.constant 12 : i32
      %dma_start3A_369 = arith.constant 0 : i32
      %dma_start3A_370 = arith.constant 0 : i32
      %dma_start3A_371 = tpu.memref_slice %arg5[%dma_start3A_368, %dma_start3A_369, %dma_start3A_370] : memref<13x64x512xf32, #tpu.memory_space<vmem>> -> memref<1x64x512xf32, #tpu.memory_space<vmem>>
      %dma_start3A_372 = tpu.memref_squeeze %dma_start3A_371 : memref<1x64x512xf32, #tpu.memory_space<vmem>> -> memref<64x512xf32, #tpu.memory_space<vmem>>
      %dma_start3A_373 = arith.constant 0 : i32
      %dma_start3A_374 = arith.constant 0 : i32
      %dma_start3A_375 = tpu.memref_slice %arg3[%dma_start3A_373, %dma_start3A_367, %dma_start3A_374] : memref<64x4096x512xf32, #tpu.memory_space<any>> -> memref<64x1x512xf32, #tpu.memory_space<any>>
      %dma_start3A_376 = tpu.memref_squeeze %dma_start3A_375 : memref<64x1x512xf32, #tpu.memory_space<any>> -> memref<64x512xf32, #tpu.memory_space<any>>
      tpu.enqueue_dma source(%dma_start3A_376 : memref<64x512xf32, #tpu.memory_space<any>>) target(%dma_start3A_372 : memref<64x512xf32, #tpu.memory_space<vmem>>) target_semaphore(%arg6 : memref<!tpu.dma_semaphore, #tpu.memory_space<semaphore_mem>>)
      %dma_wait3A = arith.constant 0 : i32
      %dma_wait3A_377 = arith.constant 0 : i32
      %dma_wait3A_378 = arith.constant 0 : i32
      %dma_wait3A_379 = arith.constant 0 : i32
      %dma_wait3A_380 = tpu.memref_slice %arg5[%dma_wait3A_377, %dma_wait3A_378, %dma_wait3A_379] : memref<13x64x512xf32, #tpu.memory_space<vmem>> -> memref<1x64x512xf32, #tpu.memory_space<vmem>>
      %dma_wait3A_381 = tpu.memref_squeeze %dma_wait3A_380 : memref<1x64x512xf32, #tpu.memory_space<vmem>> -> memref<64x512xf32, #tpu.memory_space<vmem>>
      %dma_wait3A_382 = arith.constant 0 : i32
      %dma_wait3A_383 = arith.constant 0 : i32
      %dma_wait3A_384 = tpu.memref_slice %arg3[%dma_wait3A_382, %dma_wait3A, %dma_wait3A_383] : memref<64x4096x512xf32, #tpu.memory_space<any>> -> memref<64x1x512xf32, #tpu.memory_space<any>>
      %dma_wait3A_385 = tpu.memref_squeeze %dma_wait3A_384 : memref<64x1x512xf32, #tpu.memory_space<any>> -> memref<64x512xf32, #tpu.memory_space<any>>
      tpu.wait_dma2 semaphore(%arg6 : memref<!tpu.dma_semaphore, #tpu.memory_space<semaphore_mem>>) src(%dma_wait3A_385 : memref<64x512xf32, #tpu.memory_space<any>>) dst(%dma_wait3A_381 : memref<64x512xf32, #tpu.memory_space<vmem>>)
      %dma_wait3A_386 = arith.constant 1 : i32
      %dma_wait3A_387 = arith.constant 1 : i32
      %dma_wait3A_388 = arith.constant 0 : i32
      %dma_wait3A_389 = arith.constant 0 : i32
      %dma_wait3A_390 = tpu.memref_slice %arg5[%dma_wait3A_387, %dma_wait3A_388, %dma_wait3A_389] : memref<13x64x512xf32, #tpu.memory_space<vmem>> -> memref<1x64x512xf32, #tpu.memory_space<vmem>>
      %dma_wait3A_391 = tpu.memref_squeeze %dma_wait3A_390 : memref<1x64x512xf32, #tpu.memory_space<vmem>> -> memref<64x512xf32, #tpu.memory_space<vmem>>
      %dma_wait3A_392 = arith.constant 0 : i32
      %dma_wait3A_393 = arith.constant 0 : i32
      %dma_wait3A_394 = tpu.memref_slice %arg3[%dma_wait3A_392, %dma_wait3A_386, %dma_wait3A_393] : memref<64x4096x512xf32, #tpu.memory_space<any>> -> memref<64x1x512xf32, #tpu.memory_space<any>>
      %dma_wait3A_395 = tpu.memref_squeeze %dma_wait3A_394 : memref<64x1x512xf32, #tpu.memory_space<any>> -> memref<64x512xf32, #tpu.memory_space<any>>
      tpu.wait_dma2 semaphore(%arg6 : memref<!tpu.dma_semaphore, #tpu.memory_space<semaphore_mem>>) src(%dma_wait3A_395 : memref<64x512xf32, #tpu.memory_space<any>>) dst(%dma_wait3A_391 : memref<64x512xf32, #tpu.memory_space<vmem>>)
      %dma_wait3A_396 = arith.constant 3 : i32
      %dma_wait3A_397 = arith.constant 2 : i32
      %dma_wait3A_398 = arith.constant 0 : i32
      %dma_wait3A_399 = arith.constant 0 : i32
      %dma_wait3A_400 = tpu.memref_slice %arg5[%dma_wait3A_397, %dma_wait3A_398, %dma_wait3A_399] : memref<13x64x512xf32, #tpu.memory_space<vmem>> -> memref<1x64x512xf32, #tpu.memory_space<vmem>>
      %dma_wait3A_401 = tpu.memref_squeeze %dma_wait3A_400 : memref<1x64x512xf32, #tpu.memory_space<vmem>> -> memref<64x512xf32, #tpu.memory_space<vmem>>
      %dma_wait3A_402 = arith.constant 0 : i32
      %dma_wait3A_403 = arith.constant 0 : i32
      %dma_wait3A_404 = tpu.memref_slice %arg3[%dma_wait3A_402, %dma_wait3A_396, %dma_wait3A_403] : memref<64x4096x512xf32, #tpu.memory_space<any>> -> memref<64x1x512xf32, #tpu.memory_space<any>>
      %dma_wait3A_405 = tpu.memref_squeeze %dma_wait3A_404 : memref<64x1x512xf32, #tpu.memory_space<any>> -> memref<64x512xf32, #tpu.memory_space<any>>
      tpu.wait_dma2 semaphore(%arg6 : memref<!tpu.dma_semaphore, #tpu.memory_space<semaphore_mem>>) src(%dma_wait3A_405 : memref<64x512xf32, #tpu.memory_space<any>>) dst(%dma_wait3A_401 : memref<64x512xf32, #tpu.memory_space<vmem>>)
      %dma_wait3A_406 = arith.constant 7 : i32
      %dma_wait3A_407 = arith.constant 3 : i32
      %dma_wait3A_408 = arith.constant 0 : i32
      %dma_wait3A_409 = arith.constant 0 : i32
      %dma_wait3A_410 = tpu.memref_slice %arg5[%dma_wait3A_407, %dma_wait3A_408, %dma_wait3A_409] : memref<13x64x512xf32, #tpu.memory_space<vmem>> -> memref<1x64x512xf32, #tpu.memory_space<vmem>>
      %dma_wait3A_411 = tpu.memref_squeeze %dma_wait3A_410 : memref<1x64x512xf32, #tpu.memory_space<vmem>> -> memref<64x512xf32, #tpu.memory_space<vmem>>
      %dma_wait3A_412 = arith.constant 0 : i32
      %dma_wait3A_413 = arith.constant 0 : i32
      %dma_wait3A_414 = tpu.memref_slice %arg3[%dma_wait3A_412, %dma_wait3A_406, %dma_wait3A_413] : memref<64x4096x512xf32, #tpu.memory_space<any>> -> memref<64x1x512xf32, #tpu.memory_space<any>>
      %dma_wait3A_415 = tpu.memref_squeeze %dma_wait3A_414 : memref<64x1x512xf32, #tpu.memory_space<any>> -> memref<64x512xf32, #tpu.memory_space<any>>
      tpu.wait_dma2 semaphore(%arg6 : memref<!tpu.dma_semaphore, #tpu.memory_space<semaphore_mem>>) src(%dma_wait3A_415 : memref<64x512xf32, #tpu.memory_space<any>>) dst(%dma_wait3A_411 : memref<64x512xf32, #tpu.memory_space<vmem>>)
      %dma_wait3A_416 = arith.constant 15 : i32
      %dma_wait3A_417 = arith.constant 4 : i32
      %dma_wait3A_418 = arith.constant 0 : i32
      %dma_wait3A_419 = arith.constant 0 : i32
      %dma_wait3A_420 = tpu.memref_slice %arg5[%dma_wait3A_417, %dma_wait3A_418, %dma_wait3A_419] : memref<13x64x512xf32, #tpu.memory_space<vmem>> -> memref<1x64x512xf32, #tpu.memory_space<vmem>>
      %dma_wait3A_421 = tpu.memref_squeeze %dma_wait3A_420 : memref<1x64x512xf32, #tpu.memory_space<vmem>> -> memref<64x512xf32, #tpu.memory_space<vmem>>
      %dma_wait3A_422 = arith.constant 0 : i32
      %dma_wait3A_423 = arith.constant 0 : i32
      %dma_wait3A_424 = tpu.memref_slice %arg3[%dma_wait3A_422, %dma_wait3A_416, %dma_wait3A_423] : memref<64x4096x512xf32, #tpu.memory_space<any>> -> memref<64x1x512xf32, #tpu.memory_space<any>>
      %dma_wait3A_425 = tpu.memref_squeeze %dma_wait3A_424 : memref<64x1x512xf32, #tpu.memory_space<any>> -> memref<64x512xf32, #tpu.memory_space<any>>
      tpu.wait_dma2 semaphore(%arg6 : memref<!tpu.dma_semaphore, #tpu.memory_space<semaphore_mem>>) src(%dma_wait3A_425 : memref<64x512xf32, #tpu.memory_space<any>>) dst(%dma_wait3A_421 : memref<64x512xf32, #tpu.memory_space<vmem>>)
      %dma_wait3A_426 = arith.constant 31 : i32
      %dma_wait3A_427 = arith.constant 5 : i32
      %dma_wait3A_428 = arith.constant 0 : i32
      %dma_wait3A_429 = arith.constant 0 : i32
      %dma_wait3A_430 = tpu.memref_slice %arg5[%dma_wait3A_427, %dma_wait3A_428, %dma_wait3A_429] : memref<13x64x512xf32, #tpu.memory_space<vmem>> -> memref<1x64x512xf32, #tpu.memory_space<vmem>>
      %dma_wait3A_431 = tpu.memref_squeeze %dma_wait3A_430 : memref<1x64x512xf32, #tpu.memory_space<vmem>> -> memref<64x512xf32, #tpu.memory_space<vmem>>
      %dma_wait3A_432 = arith.constant 0 : i32
      %dma_wait3A_433 = arith.constant 0 : i32
      %dma_wait3A_434 = tpu.memref_slice %arg3[%dma_wait3A_432, %dma_wait3A_426, %dma_wait3A_433] : memref<64x4096x512xf32, #tpu.memory_space<any>> -> memref<64x1x512xf32, #tpu.memory_space<any>>
      %dma_wait3A_435 = tpu.memref_squeeze %dma_wait3A_434 : memref<64x1x512xf32, #tpu.memory_space<any>> -> memref<64x512xf32, #tpu.memory_space<any>>
      tpu.wait_dma2 semaphore(%arg6 : memref<!tpu.dma_semaphore, #tpu.memory_space<semaphore_mem>>) src(%dma_wait3A_435 : memref<64x512xf32, #tpu.memory_space<any>>) dst(%dma_wait3A_431 : memref<64x512xf32, #tpu.memory_space<vmem>>)
      %dma_wait3A_436 = arith.constant 63 : i32
      %dma_wait3A_437 = arith.constant 6 : i32
      %dma_wait3A_438 = arith.constant 0 : i32
      %dma_wait3A_439 = arith.constant 0 : i32
      %dma_wait3A_440 = tpu.memref_slice %arg5[%dma_wait3A_437, %dma_wait3A_438, %dma_wait3A_439] : memref<13x64x512xf32, #tpu.memory_space<vmem>> -> memref<1x64x512xf32, #tpu.memory_space<vmem>>
      %dma_wait3A_441 = tpu.memref_squeeze %dma_wait3A_440 : memref<1x64x512xf32, #tpu.memory_space<vmem>> -> memref<64x512xf32, #tpu.memory_space<vmem>>
      %dma_wait3A_442 = arith.constant 0 : i32
      %dma_wait3A_443 = arith.constant 0 : i32
      %dma_wait3A_444 = tpu.memref_slice %arg3[%dma_wait3A_442, %dma_wait3A_436, %dma_wait3A_443] : memref<64x4096x512xf32, #tpu.memory_space<any>> -> memref<64x1x512xf32, #tpu.memory_space<any>>
      %dma_wait3A_445 = tpu.memref_squeeze %dma_wait3A_444 : memref<64x1x512xf32, #tpu.memory_space<any>> -> memref<64x512xf32, #tpu.memory_space<any>>
      tpu.wait_dma2 semaphore(%arg6 : memref<!tpu.dma_semaphore, #tpu.memory_space<semaphore_mem>>) src(%dma_wait3A_445 : memref<64x512xf32, #tpu.memory_space<any>>) dst(%dma_wait3A_441 : memref<64x512xf32, #tpu.memory_space<vmem>>)
      %dma_wait3A_446 = arith.constant 127 : i32
      %dma_wait3A_447 = arith.constant 7 : i32
      %dma_wait3A_448 = arith.constant 0 : i32
      %dma_wait3A_449 = arith.constant 0 : i32
      %dma_wait3A_450 = tpu.memref_slice %arg5[%dma_wait3A_447, %dma_wait3A_448, %dma_wait3A_449] : memref<13x64x512xf32, #tpu.memory_space<vmem>> -> memref<1x64x512xf32, #tpu.memory_space<vmem>>
      %dma_wait3A_451 = tpu.memref_squeeze %dma_wait3A_450 : memref<1x64x512xf32, #tpu.memory_space<vmem>> -> memref<64x512xf32, #tpu.memory_space<vmem>>
      %dma_wait3A_452 = arith.constant 0 : i32
      %dma_wait3A_453 = arith.constant 0 : i32
      %dma_wait3A_454 = tpu.memref_slice %arg3[%dma_wait3A_452, %dma_wait3A_446, %dma_wait3A_453] : memref<64x4096x512xf32, #tpu.memory_space<any>> -> memref<64x1x512xf32, #tpu.memory_space<any>>
      %dma_wait3A_455 = tpu.memref_squeeze %dma_wait3A_454 : memref<64x1x512xf32, #tpu.memory_space<any>> -> memref<64x512xf32, #tpu.memory_space<any>>
      tpu.wait_dma2 semaphore(%arg6 : memref<!tpu.dma_semaphore, #tpu.memory_space<semaphore_mem>>) src(%dma_wait3A_455 : memref<64x512xf32, #tpu.memory_space<any>>) dst(%dma_wait3A_451 : memref<64x512xf32, #tpu.memory_space<vmem>>)
      %dma_wait3A_456 = arith.constant 255 : i32
      %dma_wait3A_457 = arith.constant 8 : i32
      %dma_wait3A_458 = arith.constant 0 : i32
      %dma_wait3A_459 = arith.constant 0 : i32
      %dma_wait3A_460 = tpu.memref_slice %arg5[%dma_wait3A_457, %dma_wait3A_458, %dma_wait3A_459] : memref<13x64x512xf32, #tpu.memory_space<vmem>> -> memref<1x64x512xf32, #tpu.memory_space<vmem>>
      %dma_wait3A_461 = tpu.memref_squeeze %dma_wait3A_460 : memref<1x64x512xf32, #tpu.memory_space<vmem>> -> memref<64x512xf32, #tpu.memory_space<vmem>>
      %dma_wait3A_462 = arith.constant 0 : i32
      %dma_wait3A_463 = arith.constant 0 : i32
      %dma_wait3A_464 = tpu.memref_slice %arg3[%dma_wait3A_462, %dma_wait3A_456, %dma_wait3A_463] : memref<64x4096x512xf32, #tpu.memory_space<any>> -> memref<64x1x512xf32, #tpu.memory_space<any>>
      %dma_wait3A_465 = tpu.memref_squeeze %dma_wait3A_464 : memref<64x1x512xf32, #tpu.memory_space<any>> -> memref<64x512xf32, #tpu.memory_space<any>>
      tpu.wait_dma2 semaphore(%arg6 : memref<!tpu.dma_semaphore, #tpu.memory_space<semaphore_mem>>) src(%dma_wait3A_465 : memref<64x512xf32, #tpu.memory_space<any>>) dst(%dma_wait3A_461 : memref<64x512xf32, #tpu.memory_space<vmem>>)
      %dma_wait3A_466 = arith.constant 511 : i32
      %dma_wait3A_467 = arith.constant 9 : i32
      %dma_wait3A_468 = arith.constant 0 : i32
      %dma_wait3A_469 = arith.constant 0 : i32
      %dma_wait3A_470 = tpu.memref_slice %arg5[%dma_wait3A_467, %dma_wait3A_468, %dma_wait3A_469] : memref<13x64x512xf32, #tpu.memory_space<vmem>> -> memref<1x64x512xf32, #tpu.memory_space<vmem>>
      %dma_wait3A_471 = tpu.memref_squeeze %dma_wait3A_470 : memref<1x64x512xf32, #tpu.memory_space<vmem>> -> memref<64x512xf32, #tpu.memory_space<vmem>>
      %dma_wait3A_472 = arith.constant 0 : i32
      %dma_wait3A_473 = arith.constant 0 : i32
      %dma_wait3A_474 = tpu.memref_slice %arg3[%dma_wait3A_472, %dma_wait3A_466, %dma_wait3A_473] : memref<64x4096x512xf32, #tpu.memory_space<any>> -> memref<64x1x512xf32, #tpu.memory_space<any>>
      %dma_wait3A_475 = tpu.memref_squeeze %dma_wait3A_474 : memref<64x1x512xf32, #tpu.memory_space<any>> -> memref<64x512xf32, #tpu.memory_space<any>>
      tpu.wait_dma2 semaphore(%arg6 : memref<!tpu.dma_semaphore, #tpu.memory_space<semaphore_mem>>) src(%dma_wait3A_475 : memref<64x512xf32, #tpu.memory_space<any>>) dst(%dma_wait3A_471 : memref<64x512xf32, #tpu.memory_space<vmem>>)
      %dma_wait3A_476 = arith.constant 1023 : i32
      %dma_wait3A_477 = arith.constant 10 : i32
      %dma_wait3A_478 = arith.constant 0 : i32
      %dma_wait3A_479 = arith.constant 0 : i32
      %dma_wait3A_480 = tpu.memref_slice %arg5[%dma_wait3A_477, %dma_wait3A_478, %dma_wait3A_479] : memref<13x64x512xf32, #tpu.memory_space<vmem>> -> memref<1x64x512xf32, #tpu.memory_space<vmem>>
      %dma_wait3A_481 = tpu.memref_squeeze %dma_wait3A_480 : memref<1x64x512xf32, #tpu.memory_space<vmem>> -> memref<64x512xf32, #tpu.memory_space<vmem>>
      %dma_wait3A_482 = arith.constant 0 : i32
      %dma_wait3A_483 = arith.constant 0 : i32
      %dma_wait3A_484 = tpu.memref_slice %arg3[%dma_wait3A_482, %dma_wait3A_476, %dma_wait3A_483] : memref<64x4096x512xf32, #tpu.memory_space<any>> -> memref<64x1x512xf32, #tpu.memory_space<any>>
      %dma_wait3A_485 = tpu.memref_squeeze %dma_wait3A_484 : memref<64x1x512xf32, #tpu.memory_space<any>> -> memref<64x512xf32, #tpu.memory_space<any>>
      tpu.wait_dma2 semaphore(%arg6 : memref<!tpu.dma_semaphore, #tpu.memory_space<semaphore_mem>>) src(%dma_wait3A_485 : memref<64x512xf32, #tpu.memory_space<any>>) dst(%dma_wait3A_481 : memref<64x512xf32, #tpu.memory_space<vmem>>)
      %dma_wait3A_486 = arith.constant 2047 : i32
      %dma_wait3A_487 = arith.constant 11 : i32
      %dma_wait3A_488 = arith.constant 0 : i32
      %dma_wait3A_489 = arith.constant 0 : i32
      %dma_wait3A_490 = tpu.memref_slice %arg5[%dma_wait3A_487, %dma_wait3A_488, %dma_wait3A_489] : memref<13x64x512xf32, #tpu.memory_space<vmem>> -> memref<1x64x512xf32, #tpu.memory_space<vmem>>
      %dma_wait3A_491 = tpu.memref_squeeze %dma_wait3A_490 : memref<1x64x512xf32, #tpu.memory_space<vmem>> -> memref<64x512xf32, #tpu.memory_space<vmem>>
      %dma_wait3A_492 = arith.constant 0 : i32
      %dma_wait3A_493 = arith.constant 0 : i32
      %dma_wait3A_494 = tpu.memref_slice %arg3[%dma_wait3A_492, %dma_wait3A_486, %dma_wait3A_493] : memref<64x4096x512xf32, #tpu.memory_space<any>> -> memref<64x1x512xf32, #tpu.memory_space<any>>
      %dma_wait3A_495 = tpu.memref_squeeze %dma_wait3A_494 : memref<64x1x512xf32, #tpu.memory_space<any>> -> memref<64x512xf32, #tpu.memory_space<any>>
      tpu.wait_dma2 semaphore(%arg6 : memref<!tpu.dma_semaphore, #tpu.memory_space<semaphore_mem>>) src(%dma_wait3A_495 : memref<64x512xf32, #tpu.memory_space<any>>) dst(%dma_wait3A_491 : memref<64x512xf32, #tpu.memory_space<vmem>>)
      %dma_wait3A_496 = arith.constant 4095 : i32
      %dma_wait3A_497 = arith.constant 12 : i32
      %dma_wait3A_498 = arith.constant 0 : i32
      %dma_wait3A_499 = arith.constant 0 : i32
      %dma_wait3A_500 = tpu.memref_slice %arg5[%dma_wait3A_497, %dma_wait3A_498, %dma_wait3A_499] : memref<13x64x512xf32, #tpu.memory_space<vmem>> -> memref<1x64x512xf32, #tpu.memory_space<vmem>>
      %dma_wait3A_501 = tpu.memref_squeeze %dma_wait3A_500 : memref<1x64x512xf32, #tpu.memory_space<vmem>> -> memref<64x512xf32, #tpu.memory_space<vmem>>
      %dma_wait3A_502 = arith.constant 0 : i32
      %dma_wait3A_503 = arith.constant 0 : i32
      %dma_wait3A_504 = tpu.memref_slice %arg3[%dma_wait3A_502, %dma_wait3A_496, %dma_wait3A_503] : memref<64x4096x512xf32, #tpu.memory_space<any>> -> memref<64x1x512xf32, #tpu.memory_space<any>>
      %dma_wait3A_505 = tpu.memref_squeeze %dma_wait3A_504 : memref<64x1x512xf32, #tpu.memory_space<any>> -> memref<64x512xf32, #tpu.memory_space<any>>
      tpu.wait_dma2 semaphore(%arg6 : memref<!tpu.dma_semaphore, #tpu.memory_space<semaphore_mem>>) src(%dma_wait3A_505 : memref<64x512xf32, #tpu.memory_space<any>>) dst(%dma_wait3A_501 : memref<64x512xf32, #tpu.memory_space<vmem>>)
    } else {
    }
    %get3A = arith.constant 0 : index
    %get3A_2 = arith.constant 0 : index
    %get3A_3 = vector.load %arg1[%get3A, %get3A_2] : memref<1024x64xf32, #tpu.memory_space<vmem>>, vector<1024x64xf32>
    %get3A_4 = arith.constant 0 : index
    %get3A_5 = arith.constant 0 : index
    %get3A_6 = vector.load %arg2[%get3A_4, %get3A_5] : memref<64x12xf32, #tpu.memory_space<vmem>>, vector<64x12xf32>
    %broadcast_in_dim3A = arith.constant 0 : i32
    %broadcast_in_dim3A_7 = vector.broadcast %broadcast_in_dim3A : i32 to vector<1024x64xi32>
    %slice3A = vector.extract_strided_slice %get3A_6 {offsets = [0, 0], sizes = [64, 1], strides = [1, 1]} : vector<64x12xf32> to vector<64x1xf32>
    %squeeze3A = vector.shape_cast %slice3A : vector<64x1xf32> to vector<64xf32>
    %broadcast_in_dim3A_8 = vector.shape_cast %squeeze3A : vector<64xf32> to vector<1x64xf32>
    %gt3A = vector.broadcast %broadcast_in_dim3A_8 : vector<1x64xf32> to vector<1024x64xf32>
    %gt3A_9 = arith.cmpf ogt, %get3A_3, %gt3A : vector<1024x64xf32>
    %convert_element_type3A_10 = arith.extui %gt3A_9 : vector<1024x64xi1> to vector<1024x64xi32>
    %add3A = arith.addi %broadcast_in_dim3A_7, %convert_element_type3A_10 : vector<1024x64xi32>
    %slice3A_11 = vector.extract_strided_slice %get3A_6 {offsets = [0, 1], sizes = [64, 1], strides = [1, 1]} : vector<64x12xf32> to vector<64x1xf32>
    %squeeze3A_12 = vector.shape_cast %slice3A_11 : vector<64x1xf32> to vector<64xf32>
    %broadcast_in_dim3A_13 = vector.shape_cast %squeeze3A_12 : vector<64xf32> to vector<1x64xf32>
    %gt3A_14 = vector.broadcast %broadcast_in_dim3A_13 : vector<1x64xf32> to vector<1024x64xf32>
    %gt3A_15 = arith.cmpf ogt, %get3A_3, %gt3A_14 : vector<1024x64xf32>
    %convert_element_type3A_16 = arith.extui %gt3A_15 : vector<1024x64xi1> to vector<1024x64xi32>
    %add3A_17 = arith.addi %add3A, %convert_element_type3A_16 : vector<1024x64xi32>
    %slice3A_18 = vector.extract_strided_slice %get3A_6 {offsets = [0, 2], sizes = [64, 1], strides = [1, 1]} : vector<64x12xf32> to vector<64x1xf32>
    %squeeze3A_19 = vector.shape_cast %slice3A_18 : vector<64x1xf32> to vector<64xf32>
    %broadcast_in_dim3A_20 = vector.shape_cast %squeeze3A_19 : vector<64xf32> to vector<1x64xf32>
    %gt3A_21 = vector.broadcast %broadcast_in_dim3A_20 : vector<1x64xf32> to vector<1024x64xf32>
    %gt3A_22 = arith.cmpf ogt, %get3A_3, %gt3A_21 : vector<1024x64xf32>
    %convert_element_type3A_23 = arith.extui %gt3A_22 : vector<1024x64xi1> to vector<1024x64xi32>
    %add3A_24 = arith.addi %add3A_17, %convert_element_type3A_23 : vector<1024x64xi32>
    %slice3A_25 = vector.extract_strided_slice %get3A_6 {offsets = [0, 3], sizes = [64, 1], strides = [1, 1]} : vector<64x12xf32> to vector<64x1xf32>
    %squeeze3A_26 = vector.shape_cast %slice3A_25 : vector<64x1xf32> to vector<64xf32>
    %broadcast_in_dim3A_27 = vector.shape_cast %squeeze3A_26 : vector<64xf32> to vector<1x64xf32>
    %gt3A_28 = vector.broadcast %broadcast_in_dim3A_27 : vector<1x64xf32> to vector<1024x64xf32>
    %gt3A_29 = arith.cmpf ogt, %get3A_3, %gt3A_28 : vector<1024x64xf32>
    %convert_element_type3A_30 = arith.extui %gt3A_29 : vector<1024x64xi1> to vector<1024x64xi32>
    %add3A_31 = arith.addi %add3A_24, %convert_element_type3A_30 : vector<1024x64xi32>
    %slice3A_32 = vector.extract_strided_slice %get3A_6 {offsets = [0, 4], sizes = [64, 1], strides = [1, 1]} : vector<64x12xf32> to vector<64x1xf32>
    %squeeze3A_33 = vector.shape_cast %slice3A_32 : vector<64x1xf32> to vector<64xf32>
    %broadcast_in_dim3A_34 = vector.shape_cast %squeeze3A_33 : vector<64xf32> to vector<1x64xf32>
    %gt3A_35 = vector.broadcast %broadcast_in_dim3A_34 : vector<1x64xf32> to vector<1024x64xf32>
    %gt3A_36 = arith.cmpf ogt, %get3A_3, %gt3A_35 : vector<1024x64xf32>
    %convert_element_type3A_37 = arith.extui %gt3A_36 : vector<1024x64xi1> to vector<1024x64xi32>
    %add3A_38 = arith.addi %add3A_31, %convert_element_type3A_37 : vector<1024x64xi32>
    %slice3A_39 = vector.extract_strided_slice %get3A_6 {offsets = [0, 5], sizes = [64, 1], strides = [1, 1]} : vector<64x12xf32> to vector<64x1xf32>
    %squeeze3A_40 = vector.shape_cast %slice3A_39 : vector<64x1xf32> to vector<64xf32>
    %broadcast_in_dim3A_41 = vector.shape_cast %squeeze3A_40 : vector<64xf32> to vector<1x64xf32>
    %gt3A_42 = vector.broadcast %broadcast_in_dim3A_41 : vector<1x64xf32> to vector<1024x64xf32>
    %gt3A_43 = arith.cmpf ogt, %get3A_3, %gt3A_42 : vector<1024x64xf32>
    %convert_element_type3A_44 = arith.extui %gt3A_43 : vector<1024x64xi1> to vector<1024x64xi32>
    %add3A_45 = arith.addi %add3A_38, %convert_element_type3A_44 : vector<1024x64xi32>
    %slice3A_46 = vector.extract_strided_slice %get3A_6 {offsets = [0, 6], sizes = [64, 1], strides = [1, 1]} : vector<64x12xf32> to vector<64x1xf32>
    %squeeze3A_47 = vector.shape_cast %slice3A_46 : vector<64x1xf32> to vector<64xf32>
    %broadcast_in_dim3A_48 = vector.shape_cast %squeeze3A_47 : vector<64xf32> to vector<1x64xf32>
    %gt3A_49 = vector.broadcast %broadcast_in_dim3A_48 : vector<1x64xf32> to vector<1024x64xf32>
    %gt3A_50 = arith.cmpf ogt, %get3A_3, %gt3A_49 : vector<1024x64xf32>
    %convert_element_type3A_51 = arith.extui %gt3A_50 : vector<1024x64xi1> to vector<1024x64xi32>
    %add3A_52 = arith.addi %add3A_45, %convert_element_type3A_51 : vector<1024x64xi32>
    %slice3A_53 = vector.extract_strided_slice %get3A_6 {offsets = [0, 7], sizes = [64, 1], strides = [1, 1]} : vector<64x12xf32> to vector<64x1xf32>
    %squeeze3A_54 = vector.shape_cast %slice3A_53 : vector<64x1xf32> to vector<64xf32>
    %broadcast_in_dim3A_55 = vector.shape_cast %squeeze3A_54 : vector<64xf32> to vector<1x64xf32>
    %gt3A_56 = vector.broadcast %broadcast_in_dim3A_55 : vector<1x64xf32> to vector<1024x64xf32>
    %gt3A_57 = arith.cmpf ogt, %get3A_3, %gt3A_56 : vector<1024x64xf32>
    %convert_element_type3A_58 = arith.extui %gt3A_57 : vector<1024x64xi1> to vector<1024x64xi32>
    %add3A_59 = arith.addi %add3A_52, %convert_element_type3A_58 : vector<1024x64xi32>
    %slice3A_60 = vector.extract_strided_slice %get3A_6 {offsets = [0, 8], sizes = [64, 1], strides = [1, 1]} : vector<64x12xf32> to vector<64x1xf32>
    %squeeze3A_61 = vector.shape_cast %slice3A_60 : vector<64x1xf32> to vector<64xf32>
    %broadcast_in_dim3A_62 = vector.shape_cast %squeeze3A_61 : vector<64xf32> to vector<1x64xf32>
    %gt3A_63 = vector.broadcast %broadcast_in_dim3A_62 : vector<1x64xf32> to vector<1024x64xf32>
    %gt3A_64 = arith.cmpf ogt, %get3A_3, %gt3A_63 : vector<1024x64xf32>
    %convert_element_type3A_65 = arith.extui %gt3A_64 : vector<1024x64xi1> to vector<1024x64xi32>
    %add3A_66 = arith.addi %add3A_59, %convert_element_type3A_65 : vector<1024x64xi32>
    %slice3A_67 = vector.extract_strided_slice %get3A_6 {offsets = [0, 9], sizes = [64, 1], strides = [1, 1]} : vector<64x12xf32> to vector<64x1xf32>
    %squeeze3A_68 = vector.shape_cast %slice3A_67 : vector<64x1xf32> to vector<64xf32>
    %broadcast_in_dim3A_69 = vector.shape_cast %squeeze3A_68 : vector<64xf32> to vector<1x64xf32>
    %gt3A_70 = vector.broadcast %broadcast_in_dim3A_69 : vector<1x64xf32> to vector<1024x64xf32>
    %gt3A_71 = arith.cmpf ogt, %get3A_3, %gt3A_70 : vector<1024x64xf32>
    %convert_element_type3A_72 = arith.extui %gt3A_71 : vector<1024x64xi1> to vector<1024x64xi32>
    %add3A_73 = arith.addi %add3A_66, %convert_element_type3A_72 : vector<1024x64xi32>
    %slice3A_74 = vector.extract_strided_slice %get3A_6 {offsets = [0, 10], sizes = [64, 1], strides = [1, 1]} : vector<64x12xf32> to vector<64x1xf32>
    %squeeze3A_75 = vector.shape_cast %slice3A_74 : vector<64x1xf32> to vector<64xf32>
    %broadcast_in_dim3A_76 = vector.shape_cast %squeeze3A_75 : vector<64xf32> to vector<1x64xf32>
    %gt3A_77 = vector.broadcast %broadcast_in_dim3A_76 : vector<1x64xf32> to vector<1024x64xf32>
    %gt3A_78 = arith.cmpf ogt, %get3A_3, %gt3A_77 : vector<1024x64xf32>
    %convert_element_type3A_79 = arith.extui %gt3A_78 : vector<1024x64xi1> to vector<1024x64xi32>
    %add3A_80 = arith.addi %add3A_73, %convert_element_type3A_79 : vector<1024x64xi32>
    %slice3A_81 = vector.extract_strided_slice %get3A_6 {offsets = [0, 11], sizes = [64, 1], strides = [1, 1]} : vector<64x12xf32> to vector<64x1xf32>
    %squeeze3A_82 = vector.shape_cast %slice3A_81 : vector<64x1xf32> to vector<64xf32>
    %broadcast_in_dim3A_83 = vector.shape_cast %squeeze3A_82 : vector<64xf32> to vector<1x64xf32>
    %gt3A_84 = vector.broadcast %broadcast_in_dim3A_83 : vector<1x64xf32> to vector<1024x64xf32>
    %gt3A_85 = arith.cmpf ogt, %get3A_3, %gt3A_84 : vector<1024x64xf32>
    %convert_element_type3A_86 = arith.extui %gt3A_85 : vector<1024x64xi1> to vector<1024x64xi32>
    %add3A_87 = arith.addi %add3A_80, %convert_element_type3A_86 : vector<1024x64xi32>
    %eq3A_88 = arith.constant 0 : i32
    %eq3A_89 = vector.broadcast %eq3A_88 : i32 to vector<1024x64xi32>
    %eq3A_90 = arith.cmpi eq, %add3A_87, %eq3A_89 : vector<1024x64xi32>
    %convert_element_type3A_91 = arith.extui %eq3A_90 : vector<1024x64xi1> to vector<1024x64xi32>
    %convert_element_type3A_92 = arith.sitofp %convert_element_type3A_91 : vector<1024x64xi32> to vector<1024x64xf32>
    %convert_element_type3A_93 = arith.truncf %convert_element_type3A_92 : vector<1024x64xf32> to vector<1024x64xbf16>
    %eq3A_94 = arith.constant 1 : i32
    %eq3A_95 = vector.broadcast %eq3A_94 : i32 to vector<1024x64xi32>
    %eq3A_96 = arith.cmpi eq, %add3A_87, %eq3A_95 : vector<1024x64xi32>
    %convert_element_type3A_97 = arith.extui %eq3A_96 : vector<1024x64xi1> to vector<1024x64xi32>
    %convert_element_type3A_98 = arith.sitofp %convert_element_type3A_97 : vector<1024x64xi32> to vector<1024x64xf32>
    %convert_element_type3A_99 = arith.truncf %convert_element_type3A_98 : vector<1024x64xf32> to vector<1024x64xbf16>
    %eq3A_100 = arith.constant 2 : i32
    %eq3A_101 = vector.broadcast %eq3A_100 : i32 to vector<1024x64xi32>
    %eq3A_102 = arith.cmpi eq, %add3A_87, %eq3A_101 : vector<1024x64xi32>
    %convert_element_type3A_103 = arith.extui %eq3A_102 : vector<1024x64xi1> to vector<1024x64xi32>
    %convert_element_type3A_104 = arith.sitofp %convert_element_type3A_103 : vector<1024x64xi32> to vector<1024x64xf32>
    %convert_element_type3A_105 = arith.truncf %convert_element_type3A_104 : vector<1024x64xf32> to vector<1024x64xbf16>
    %eq3A_106 = arith.constant 3 : i32
    %eq3A_107 = vector.broadcast %eq3A_106 : i32 to vector<1024x64xi32>
    %eq3A_108 = arith.cmpi eq, %add3A_87, %eq3A_107 : vector<1024x64xi32>
    %convert_element_type3A_109 = arith.extui %eq3A_108 : vector<1024x64xi1> to vector<1024x64xi32>
    %convert_element_type3A_110 = arith.sitofp %convert_element_type3A_109 : vector<1024x64xi32> to vector<1024x64xf32>
    %convert_element_type3A_111 = arith.truncf %convert_element_type3A_110 : vector<1024x64xf32> to vector<1024x64xbf16>
    %eq3A_112 = arith.constant 4 : i32
    %eq3A_113 = vector.broadcast %eq3A_112 : i32 to vector<1024x64xi32>
    %eq3A_114 = arith.cmpi eq, %add3A_87, %eq3A_113 : vector<1024x64xi32>
    %convert_element_type3A_115 = arith.extui %eq3A_114 : vector<1024x64xi1> to vector<1024x64xi32>
    %convert_element_type3A_116 = arith.sitofp %convert_element_type3A_115 : vector<1024x64xi32> to vector<1024x64xf32>
    %convert_element_type3A_117 = arith.truncf %convert_element_type3A_116 : vector<1024x64xf32> to vector<1024x64xbf16>
    %eq3A_118 = arith.constant 5 : i32
    %eq3A_119 = vector.broadcast %eq3A_118 : i32 to vector<1024x64xi32>
    %eq3A_120 = arith.cmpi eq, %add3A_87, %eq3A_119 : vector<1024x64xi32>
    %convert_element_type3A_121 = arith.extui %eq3A_120 : vector<1024x64xi1> to vector<1024x64xi32>
    %convert_element_type3A_122 = arith.sitofp %convert_element_type3A_121 : vector<1024x64xi32> to vector<1024x64xf32>
    %convert_element_type3A_123 = arith.truncf %convert_element_type3A_122 : vector<1024x64xf32> to vector<1024x64xbf16>
    %eq3A_124 = arith.constant 6 : i32
    %eq3A_125 = vector.broadcast %eq3A_124 : i32 to vector<1024x64xi32>
    %eq3A_126 = arith.cmpi eq, %add3A_87, %eq3A_125 : vector<1024x64xi32>
    %convert_element_type3A_127 = arith.extui %eq3A_126 : vector<1024x64xi1> to vector<1024x64xi32>
    %convert_element_type3A_128 = arith.sitofp %convert_element_type3A_127 : vector<1024x64xi32> to vector<1024x64xf32>
    %convert_element_type3A_129 = arith.truncf %convert_element_type3A_128 : vector<1024x64xf32> to vector<1024x64xbf16>
    %eq3A_130 = arith.constant 7 : i32
    %eq3A_131 = vector.broadcast %eq3A_130 : i32 to vector<1024x64xi32>
    %eq3A_132 = arith.cmpi eq, %add3A_87, %eq3A_131 : vector<1024x64xi32>
    %convert_element_type3A_133 = arith.extui %eq3A_132 : vector<1024x64xi1> to vector<1024x64xi32>
    %convert_element_type3A_134 = arith.sitofp %convert_element_type3A_133 : vector<1024x64xi32> to vector<1024x64xf32>
    %convert_element_type3A_135 = arith.truncf %convert_element_type3A_134 : vector<1024x64xf32> to vector<1024x64xbf16>
    %eq3A_136 = arith.constant 8 : i32
    %eq3A_137 = vector.broadcast %eq3A_136 : i32 to vector<1024x64xi32>
    %eq3A_138 = arith.cmpi eq, %add3A_87, %eq3A_137 : vector<1024x64xi32>
    %convert_element_type3A_139 = arith.extui %eq3A_138 : vector<1024x64xi1> to vector<1024x64xi32>
    %convert_element_type3A_140 = arith.sitofp %convert_element_type3A_139 : vector<1024x64xi32> to vector<1024x64xf32>
    %convert_element_type3A_141 = arith.truncf %convert_element_type3A_140 : vector<1024x64xf32> to vector<1024x64xbf16>
    %eq3A_142 = arith.constant 9 : i32
    %eq3A_143 = vector.broadcast %eq3A_142 : i32 to vector<1024x64xi32>
    %eq3A_144 = arith.cmpi eq, %add3A_87, %eq3A_143 : vector<1024x64xi32>
    %convert_element_type3A_145 = arith.extui %eq3A_144 : vector<1024x64xi1> to vector<1024x64xi32>
    %convert_element_type3A_146 = arith.sitofp %convert_element_type3A_145 : vector<1024x64xi32> to vector<1024x64xf32>
    %convert_element_type3A_147 = arith.truncf %convert_element_type3A_146 : vector<1024x64xf32> to vector<1024x64xbf16>
    %eq3A_148 = arith.constant 10 : i32
    %eq3A_149 = vector.broadcast %eq3A_148 : i32 to vector<1024x64xi32>
    %eq3A_150 = arith.cmpi eq, %add3A_87, %eq3A_149 : vector<1024x64xi32>
    %convert_element_type3A_151 = arith.extui %eq3A_150 : vector<1024x64xi1> to vector<1024x64xi32>
    %convert_element_type3A_152 = arith.sitofp %convert_element_type3A_151 : vector<1024x64xi32> to vector<1024x64xf32>
    %convert_element_type3A_153 = arith.truncf %convert_element_type3A_152 : vector<1024x64xf32> to vector<1024x64xbf16>
    %eq3A_154 = arith.constant 11 : i32
    %eq3A_155 = vector.broadcast %eq3A_154 : i32 to vector<1024x64xi32>
    %eq3A_156 = arith.cmpi eq, %add3A_87, %eq3A_155 : vector<1024x64xi32>
    %convert_element_type3A_157 = arith.extui %eq3A_156 : vector<1024x64xi1> to vector<1024x64xi32>
    %convert_element_type3A_158 = arith.sitofp %convert_element_type3A_157 : vector<1024x64xi32> to vector<1024x64xf32>
    %convert_element_type3A_159 = arith.truncf %convert_element_type3A_158 : vector<1024x64xf32> to vector<1024x64xbf16>
    %eq3A_160 = arith.constant 12 : i32
    %eq3A_161 = vector.broadcast %eq3A_160 : i32 to vector<1024x64xi32>
    %eq3A_162 = arith.cmpi eq, %add3A_87, %eq3A_161 : vector<1024x64xi32>
    %convert_element_type3A_163 = arith.extui %eq3A_162 : vector<1024x64xi1> to vector<1024x64xi32>
    %convert_element_type3A_164 = arith.sitofp %convert_element_type3A_163 : vector<1024x64xi32> to vector<1024x64xf32>
    %convert_element_type3A_165 = arith.truncf %convert_element_type3A_164 : vector<1024x64xf32> to vector<1024x64xbf16>
    %concatenate3A = tpu.concatenate %convert_element_type3A_93, %convert_element_type3A_99, %convert_element_type3A_105, %convert_element_type3A_111, %convert_element_type3A_117, %convert_element_type3A_123, %convert_element_type3A_129, %convert_element_type3A_135, %convert_element_type3A_141, %convert_element_type3A_147, %convert_element_type3A_153, %convert_element_type3A_159, %convert_element_type3A_165 in 1 : vector<1024x64xbf16>, vector<1024x64xbf16>, vector<1024x64xbf16>, vector<1024x64xbf16>, vector<1024x64xbf16>, vector<1024x64xbf16>, vector<1024x64xbf16>, vector<1024x64xbf16>, vector<1024x64xbf16>, vector<1024x64xbf16>, vector<1024x64xbf16>, vector<1024x64xbf16>, vector<1024x64xbf16> -> vector<1024x832xbf16>
    %get3A_166 = arith.constant 0 : index
    %get3A_167 = arith.constant 0 : index
    %get3A_168 = arith.constant 0 : index
    %get3A_169 = vector.load %arg5[%get3A_166, %get3A_167, %get3A_168] : memref<13x64x512xf32, #tpu.memory_space<vmem>>, vector<13x64x512xf32>
    %reshape3A = vector.shape_cast %get3A_169 : vector<13x64x512xf32> to vector<832x512xf32>
    %convert_element_type3A_170 = arith.truncf %reshape3A : vector<832x512xf32> to vector<832x512xbf16>
    %convert_element_type3A_171 = arith.extf %convert_element_type3A_170 : vector<832x512xbf16> to vector<832x512xf32>
    %sub3A = arith.subf %reshape3A, %convert_element_type3A_171 : vector<832x512xf32>
    %convert_element_type3A_172 = arith.truncf %sub3A : vector<832x512xf32> to vector<832x512xbf16>
    %convert_element_type3A_173 = arith.extf %convert_element_type3A_172 : vector<832x512xbf16> to vector<832x512xf32>
    %sub3A_174 = arith.subf %sub3A, %convert_element_type3A_173 : vector<832x512xf32>
    %convert_element_type3A_175 = arith.truncf %sub3A_174 : vector<832x512xf32> to vector<832x512xbf16>
    %dot_general3A = arith.constant dense<0.000000e+00> : vector<1024x512xf32>
    %dot_general3A_176 = tpu.matmul %concatenate3A, %convert_element_type3A_170, %dot_general3A {dimension_numbers = #tpu.dot_dimension_numbers<[1], [0], [0], [1], [0, 0, 1, 1], [], []>, transpose_lhs_hint = false} : vector<1024x832xbf16>, vector<832x512xbf16>, vector<1024x512xf32> -> vector<1024x512xf32>
    %dot_general3A_177 = arith.constant dense<0.000000e+00> : vector<1024x512xf32>
    %dot_general3A_178 = tpu.matmul %concatenate3A, %convert_element_type3A_172, %dot_general3A_177 {dimension_numbers = #tpu.dot_dimension_numbers<[1], [0], [0], [1], [0, 0, 1, 1], [], []>, transpose_lhs_hint = false} : vector<1024x832xbf16>, vector<832x512xbf16>, vector<1024x512xf32> -> vector<1024x512xf32>
    %add3A_179 = arith.addf %dot_general3A_176, %dot_general3A_178 : vector<1024x512xf32>
    %dot_general3A_180 = arith.constant dense<0.000000e+00> : vector<1024x512xf32>
    %dot_general3A_181 = tpu.matmul %concatenate3A, %convert_element_type3A_175, %dot_general3A_180 {dimension_numbers = #tpu.dot_dimension_numbers<[1], [0], [0], [1], [0, 0, 1, 1], [], []>, transpose_lhs_hint = false} : vector<1024x832xbf16>, vector<832x512xbf16>, vector<1024x512xf32> -> vector<1024x512xf32>
    %add3A_182 = arith.addf %add3A_179, %dot_general3A_181 : vector<1024x512xf32>
    %gt3A_183 = arith.constant 0.000000e+00 : f32
    %gt3A_184 = vector.broadcast %gt3A_183 : f32 to vector<1024x512xf32>
    %gt3A_185 = arith.cmpf ogt, %add3A_182, %gt3A_184 : vector<1024x512xf32>
    %convert_element_type3A_186 = arith.extui %gt3A_185 : vector<1024x512xi1> to vector<1024x512xi32>
    %convert_element_type3A_187 = arith.sitofp %convert_element_type3A_186 : vector<1024x512xi32> to vector<1024x512xf32>
    %iota3A = tpu.iota {dimensions = array<i32: 0>} : vector<512x43xi32>
    %iota3A_188 = tpu.iota {dimensions = array<i32: 1>} : vector<512x43xi32>
    %jit3A = arith.constant 12 : i32
    %div3A = vector.broadcast %jit3A : i32 to vector<512x43xi32>
    %div3A_189 = arith.divsi %iota3A, %div3A : vector<512x43xi32>
    %sign3A = arith.constant 0 : i32
    %sign3A_190 = vector.broadcast %sign3A : i32 to vector<512x43xi32>
    %sign3A_191 = arith.cmpi sgt, %iota3A, %sign3A_190 : vector<512x43xi32>
    %sign3A_192 = arith.extui %sign3A_191 : vector<512x43xi1> to vector<512x43xi32>
    %sign3A_193 = arith.constant 0 : i32
    %sign3A_194 = vector.broadcast %sign3A_193 : i32 to vector<512x43xi32>
    %sign3A_195 = arith.cmpi slt, %iota3A, %sign3A_194 : vector<512x43xi32>
    %sign3A_196 = arith.extui %sign3A_195 : vector<512x43xi1> to vector<512x43xi32>
    %sign3A_197 = arith.subi %sign3A_192, %sign3A_196 : vector<512x43xi32>
    %sign3A_198 = arith.constant 0 : i32
    %sign3A_199 = arith.cmpi sgt, %jit3A, %sign3A_198 : i32
    %sign3A_200 = arith.extui %sign3A_199 : i1 to i32
    %sign3A_201 = arith.constant 0 : i32
    %sign3A_202 = arith.cmpi slt, %jit3A, %sign3A_201 : i32
    %sign3A_203 = arith.extui %sign3A_202 : i1 to i32
    %sign3A_204 = arith.subi %sign3A_200, %sign3A_203 : i32
    %ne3A = vector.broadcast %sign3A_204 : i32 to vector<512x43xi32>
    %ne3A_205 = arith.cmpi ne, %sign3A_197, %ne3A : vector<512x43xi32>
    %rem3A = vector.broadcast %jit3A : i32 to vector<512x43xi32>
    %rem3A_206 = arith.remsi %iota3A, %rem3A : vector<512x43xi32>
    %ne3A_207 = arith.constant 0 : i32
    %ne3A_208 = vector.broadcast %ne3A_207 : i32 to vector<512x43xi32>
    %ne3A_209 = arith.cmpi ne, %rem3A_206, %ne3A_208 : vector<512x43xi32>
    %and3A = arith.andi %ne3A_205, %ne3A_209 : vector<512x43xi1>
    %sub3A_210 = arith.constant 1 : i32
    %sub3A_211 = vector.broadcast %sub3A_210 : i32 to vector<512x43xi32>
    %sub3A_212 = arith.subi %div3A_189, %sub3A_211 : vector<512x43xi32>
    %select_n3A = arith.select %and3A, %sub3A_212, %div3A_189 : vector<512x43xi1>, vector<512x43xi32>
    %eq3A_213 = arith.cmpi eq, %select_n3A, %iota3A_188 : vector<512x43xi32>
    %jit3A_214 = arith.constant 12 : i32
    %eq3A_215 = arith.constant 0 : i32
    %eq3A_216 = arith.cmpi eq, %jit3A_214, %eq3A_215 : i32
    %jit3A_217 = arith.constant 1 : i32
    %select_n3A_218 = arith.select %eq3A_216, %jit3A_217, %jit3A_214 : i32
    %rem3A_219 = vector.broadcast %select_n3A_218 : i32 to vector<512x43xi32>
    %rem3A_220 = arith.remsi %iota3A, %rem3A_219 : vector<512x43xi32>
    %ne3A_221 = arith.constant 0 : i32
    %ne3A_222 = vector.broadcast %ne3A_221 : i32 to vector<512x43xi32>
    %ne3A_223 = arith.cmpi ne, %rem3A_220, %ne3A_222 : vector<512x43xi32>
    %lt3A = arith.constant 0 : i32
    %lt3A_224 = vector.broadcast %lt3A : i32 to vector<512x43xi32>
    %lt3A_225 = arith.cmpi slt, %rem3A_220, %lt3A_224 : vector<512x43xi32>
    %lt3A_226 = arith.constant 0 : i32
    %lt3A_227 = arith.cmpi slt, %select_n3A_218, %lt3A_226 : i32
    %ne3A_228 = vector.broadcast %lt3A_227 : i1 to vector<512x43xi1>
    %ne3A_229 = vector.broadcast %ne3A_228 : vector<512x43xi1> to vector<512x43xi1>
    %ne3A_230 = arith.xori %lt3A_225, %ne3A_229 : vector<512x43xi1>
    %and3A_231 = arith.andi %ne3A_230, %ne3A_223 : vector<512x43xi1>
    %add3A_232 = vector.broadcast %select_n3A_218 : i32 to vector<512x43xi32>
    %add3A_233 = arith.addi %rem3A_220, %add3A_232 : vector<512x43xi32>
    %select_n3A_234 = arith.select %and3A_231, %add3A_233, %rem3A_220 : vector<512x43xi1>, vector<512x43xi32>
    %shift_left3A = arith.constant 1 : i32
    %shift_left3A_235 = vector.broadcast %shift_left3A : i32 to vector<512x43xi32>
    %shift_left3A_236 = arith.shli %shift_left3A_235, %select_n3A_234 : vector<512x43xi32>
    %jit3A_237 = arith.constant 0 : i32
    %broadcast_in_dim3A_238 = vector.broadcast %jit3A_237 : i32 to vector<512x43xi32>
    %select_n3A_239 = arith.select %eq3A_213, %shift_left3A_236, %broadcast_in_dim3A_238 : vector<512x43xi1>, vector<512x43xi32>
    %convert_element_type3A_240 = arith.sitofp %select_n3A_239 : vector<512x43xi32> to vector<512x43xf32>
    %dot_general3A_241 = arith.constant dense<0.000000e+00> : vector<1024x43xf32>
    %dot_general3A_242 = tpu.matmul %convert_element_type3A_187, %convert_element_type3A_240, %dot_general3A_241 {dimension_numbers = #tpu.dot_dimension_numbers<[1], [0], [0], [1], [0, 0, 1, 1], [], []>, precision = #tpu.contract_precision<fp32>, transpose_lhs_hint = false} : vector<1024x512xf32>, vector<512x43xf32>, vector<1024x43xf32> -> vector<1024x43xf32>
    %convert_element_type3A_243 = arith.fptosi %dot_general3A_242 : vector<1024x43xf32> to vector<1024x43xi32>
    %reshape3A_244 = vector.shape_cast %convert_element_type3A_243 : vector<1024x43xi32> to vector<8x128x43xi32>
    %transpose3A = tpu.transpose %reshape3A_244, [0, 2, 1] : vector<8x128x43xi32> -> vector<8x43x128xi32>
    %swap3A = arith.constant 0 : index
    %swap3A_245 = arith.constant 0 : index
    %swap3A_246 = arith.constant 0 : index
    %swap3A_247 = vector.load %arg4[%swap3A, %swap3A_245, %swap3A_246] : memref<8x43x128xi32, #tpu.memory_space<vmem>>, vector<8x43x128xi32>
    tpu.vector_store %arg4[%swap3A, %swap3A_245, %swap3A_246], %transpose3A {strides = array<i32>} : memref<8x43x128xi32, #tpu.memory_space<vmem>>, vector<8x43x128xi32>,
    return
  }
  func.func @transform_0(%arg0: i32) -> (i32, i32) {
    %c0_i32 = arith.constant 0 : i32
    %c0_i32_0 = arith.constant 0 : i32
    return %arg0, %c0_i32 : i32, i32
  }
  func.func @transform_1(%arg0: i32) -> (i32, i32) {
    %c0_i32 = arith.constant 0 : i32
    %c0_i32_0 = arith.constant 0 : i32
    %c0_i32_1 = arith.constant 0 : i32
    return %c0_i32, %c0_i32_0 : i32, i32
  }
  func.func @transform_3(%arg0: i32) -> (i32, i32, i32) {
    %c0_i32 = arith.constant 0 : i32
    %c0_i32_0 = arith.constant 0 : i32
    %c0_i32_1 = arith.constant 0 : i32
    return %arg0, %c0_i32, %c0_i32_0 : i32, i32, i32
  }
}

</mosaic_0001>

<sc_bundles>
// kernel: kernel.4.cloned.1.call-start
scs
__scs_entry_jumppad:
0x0: {  	(pc) =	sbr.rel $0x88, $3  }
0x1: {  	(tag) =	ssettag $0x0;
	lr =	simm.s32 $0x1  }
0x2: {  	[smem:$0x3F9B] =	sst lr;
	_ =	strace $0xD0000000  }
0x3: {  	_ = 	snop  }
0x4: {  	_ = 	snop  }
0x5: {  	_ = 	snop  }
0x6: {  	_ = 	snop  }
0x7: {  	_ = 	snop  }
__scs_overlays_trampoline_lowered:
0x8: {  	[smem:$0x3FAA] =	sst s0  }
0x9: {  	[smem:$0x3FAB] =	sst s1  }
0xa: {  	[smem:$0x3FAC] =	sst s2  }
0xb: {  	[smem:$0x3FAD] =	sst s3  }
0xc: {  	[smem:$0x3FAE] =	sst s4  }
0xd: {  	[smem:$0x3FAF] =	sst s5  }
0xe: {  	[smem:$0x3FB0] =	sst s6  }
0xf: {  	[smem:$0x3FB1] =	sst s7  }
0x10: {  	[smem:$0x3FB2] =	sst s8  }
0x11: {  	[smem:$0x3FB3] =	sst s9;
	s0 =	simm.s32 @!p0 $0x0  }
0x12: {  	s1 =	sld [smem:$0x3F99];
	s0 =	simm.s32 @p0 $0x1  }
0x13: {  	[smem:$0x3FB4] =	sst s0;
	s0 =	simm.s32 @!p1 $0x0  }
0x14: {  	s2 =	sld [smem:$0x3F98];
	s0 =	simm.s32 @p1 $0x1  }
0x15: {  	[smem:$0x3FB5] =	sst s0;
	s0 =	simm.s32 @!p2 $0x0  }
0x16: {  	s3 =	sld [smem:$0x3FDB];
	s0 =	simm.s32 @p2 $0x1  }
0x17: {  	s4 =	simm.s32 $0x1BF5;
	[smem:$0x3FB7] =	sst s0  }
0x18: {  	s0 =	sld [smem:$0x3F9A];
	_ =	swait.ge [sflag:s4], $0x0  }
0x19: {  	s7 =	sld [smem:$0x3F9B]  }
0x1a: {  	s8 =	sadd.s32 $0xFFFFE003, lr  }
0x1b: {  	s9 =	sadd.s32 $0xFFFFFEF7, lr;
	s5 =	simm.s32 $0xFFFFFFFF;
	p2 =	slt.u32 s8, $0xFFFFF086  }
0x1c: {  	p1 =	slt.u32 s9, $0xF7A;
	s5 =	simm.s32 @!p2 $0x0  }
0x1d: {  	s5 =	simm.s32 @p1 $0x1;
	p0 =	seq.s32 s7, s2  }
0x1e: {  	s7 =	smul.u32 @!p0 $0xF7A, s2;
	p2 =	seq.s32 @!p0 s5, $0x0  }
0x1f: {  	s9 =	smul.u32 $0xF7A, s1;
	s8 =	simm.s32 @!p0 $0x1BF5;
	p2 =	por !p2, p0  }
0x20: {  	[sflag:s8] =	ssyncset.s32 @!p0 $0xFFFFF086;
	s6 =	sadd.s32 @!p0 s3, s7;
	s7 =	simm.s32 @!p0 $0x108  }
0x21: {  	s3 =	sadd.s32 s3, s9;
	s6 =	sadd.s32 @!p0 $0x88, s6;
	s7 =	simm.s32 @p2 $0x1082  }
0x22: {  	[simem:s7], [sflag:s8] =	dma.local @!p0 [hbm:s6], $0xF7A  }
0x23: {  	s9 =	sor.u32 $0xD0000000, s2;
	s6 =	simm.s32 $0x108;
	_ =	swait.ge @!p0 [sflag:s8], $0x0  }
0x24: {  	s3 =	sadd.s32 $0x88, s3;
	s6 =	simm.s32 @!p1 $0x1082;
	[sflag:s4] =	ssyncset.s32 $0xFFFFF086  }
0x25: {  	[simem:s6], [sflag:s4] =	dma.local [hbm:s3], $0xF7A  }
0x26: {  	[smem:$0x3F9B] =	sst s1;
	(tag) =	ssettag s2;
	_ =	strace s9  }
0x27: {  	s1 =	sld [smem:$0x3FAB]  }
0x28: {  	s2 =	sld [smem:$0x3FAC]  }
0x29: {  	s4 =	sld [smem:$0x3FAE]  }
0x2a: {  	p0 =	seq.s32 s5, $0x0;
	s5 =	sld [smem:$0x3FAF]  }
0x2b: {  	s6 =	sld [smem:$0x3FB0]  }
0x2c: {  	s7 =	sld [smem:$0x3FB1]  }
0x2d: {  	s3 =	simm.s32 $0x108;
	s8 =	sld [smem:$0x3FB2]  }
0x2e: {  	s3 =	simm.s32 @!p0 $0x1082;
	s9 =	sld [smem:$0x3FB3]  }
0x2f: {  	lr =	sadd.s32 s0, s3;
	s0 =	sld [smem:$0x3FAA]  }
0x30: {  	s3 =	sld [smem:$0x3FAD]  }
0x31: {  	[smem:$0x3FB6] =	sst s10  }
0x32: {  	s10 =	sld [smem:$0x3FB4];
	_ =	sdelay $0x3  }
0x33: {  	p0 =	seq.s32 s10, $0x1;
	s10 =	sld [smem:$0x3FB6];
	_ =	sdelay $0x3  }
0x34: {  	[smem:$0x3FB6] =	sst s10  }
0x35: {  	s10 =	sld [smem:$0x3FB5];
	_ =	sdelay $0x3  }
0x36: {  	p1 =	seq.s32 s10, $0x1;
	s10 =	sld [smem:$0x3FB6];
	_ =	sdelay $0x3  }
0x37: {  	[smem:$0x3FB6] =	sst s10  }
0x38: {  	s10 =	sld [smem:$0x3FB7]  }
0x39: {  	_ = 	snop;
	(pc) =	sbr.ind lr, $3  }
0x3a: {  	_ = 	snop  }
0x3b: {  	_ = 	snop  }
0x3c: {  	p2 =	seq.s32 s10, $0x1;
	s10 =	sld [smem:$0x3FB6]  }
0x3d: {  	_ =	shalt  }
0x3e: {  	_ =	shalt  }
0x3f: {  	_ =	shalt  }
0x40: {  	_ =	shalt  }
0x41: {  	_ =	shalt  }
0x42: {  	_ =	shalt  }
0x43: {  	_ =	shalt  }
0x44: {  	_ =	shalt  }
0x45: {  	_ =	shalt  }
0x46: {  	_ =	shalt  }
0x47: {  	_ =	shalt  }
0x48: {  	_ =	shalt  }
0x49: {  	_ =	shalt  }
0x4a: {  	_ =	shalt  }
0x4b: {  	_ =	shalt  }
0x4c: {  	_ =	shalt  }
0x4d: {  	_ =	shalt  }
0x4e: {  	_ =	shalt  }
0x4f: {  	_ =	shalt  }
0x50: {  	_ =	shalt  }
0x51: {  	_ =	shalt  }
0x52: {  	_ =	shalt  }
0x53: {  	_ =	shalt  }
0x54: {  	_ =	shalt  }
0x55: {  	_ =	shalt  }
0x56: {  	_ =	shalt  }
0x57: {  	_ =	shalt  }
0x58: {  	_ =	shalt  }
0x59: {  	_ =	shalt  }
0x5a: {  	_ =	shalt  }
0x5b: {  	_ =	shalt  }
0x5c: {  	_ =	shalt  }
0x5d: {  	_ =	shalt  }
0x5e: {  	_ =	shalt  }
0x5f: {  	_ =	shalt  }
0x60: {  	_ =	shalt  }
0x61: {  	_ =	shalt  }
0x62: {  	_ =	shalt  }
0x63: {  	_ =	shalt  }
0x64: {  	_ =	shalt  }
0x65: {  	_ =	shalt  }
0x66: {  	_ =	shalt  }
0x67: {  	_ =	shalt  }
0x68: {  	_ =	shalt  }
0x69: {  	_ =	shalt  }
0x6a: {  	_ =	shalt  }
0x6b: {  	_ =	shalt  }
0x6c: {  	_ =	shalt  }
0x6d: {  	_ =	shalt  }
0x6e: {  	_ =	shalt  }
0x6f: {  	_ =	shalt  }
0x70: {  	_ =	shalt  }
0x71: {  	_ =	shalt  }
0x72: {  	_ =	shalt  }
0x73: {  	_ =	shalt  }
0x74: {  	_ =	shalt  }
0x75: {  	_ =	shalt  }
0x76: {  	_ =	shalt  }
0x77: {  	_ =	shalt  }
0x78: {  	_ =	shalt  }
0x79: {  	_ =	shalt  }
0x7a: {  	_ =	shalt  }
0x7b: {  	_ =	shalt  }
0x7c: {  	_ =	shalt  }
0x7d: {  	_ =	shalt  }
0x7e: {  	_ =	shalt  }
0x7f: {  	_ =	shalt  }
0x80: {  	_ =	shalt  }
0x81: {  	_ =	shalt  }
0x82: {  	_ =	shalt  }
0x83: {  	_ =	shalt  }
0x84: {  	_ =	shalt  }
0x85: {  	_ =	shalt  }
0x86: {  	_ =	shalt  }
0x87: {  	_ =	shalt  }
.Lfunc_end0:
.L_simem_size_0:
called_computation_lowered:
.L_overlay_start_0:
0x88: {  	s2 =	sld [smem:$0x3FD9]  }
0x89: {  	s3 =	sld [smem:$0x3FFE];
	_ =	sdelay $0x1  }
0x8a: {  	s1 =	srdreg.scid  }
0x8b: {  	s0 =	sand.u32 $0x1, s1  }
0x8c: {  	s17 =	sshll.u32 s0, $0xA;
	s2 =	sadd.s32 s3, s2  }
0x8d: {  	s2 =	sadd.s32 s2, s17  }
0x8e: {  	[smem:$0x3FC2] =	sst s2  }
0x8f: {  	_ = 	snop  }
0x90: {  	s2 =	sld [smem:$0x3FD0];
	(tm) =	ssettm $0x1  }
0x91: {  	s18 =	sld [smem:$0x3FFB];
	_ =	sdelay $0x3  }
0x92: {  	_ =	strace s18  }
0x93: {  	s3 =	sld [smem:$0x3FFC];
	_ =	sdelay $0x3  }
0x94: {  	_ =	strace s3  }
0x95: {  	s3 =	sld [smem:$0x3FFD];
	_ =	sdelay $0x3  }
0x96: {  	_ =	strace s3  }
0x97: {  	_ =	strace $0x8FFFFFFF  }
0x98: {  	s19 =	sld [smem:$0x3FDB];
	_ =	sdelay $0x1  }
0x99: {  	s4 =	simm.s32 $_scs_section_size  }
0x9a: {  	s5 =	simm.s32 $_size__tile_overlayer_lowered;
	s6 =	simm.s32 $_tile_overlayer_lowered  }
0x9b: {  	s22 =	simm.s32 $0x1BFF;
	s21 =	sshll.u32 s6, $0x1;
	s3 =	sadd.s32 s4, s19  }
0x9c: {  	s7 =	simm.s32 $0x0;
	s20 =	sshll.u32 s5, $0x1;
	s5 =	sadd.s32 s21, s3  }
0x9d: {  	[timem:s7], [sflag:s22] =	dma.local [hbm:s5], s20  }
0x9e: {  	_ =	swait.ge [sflag:s22], s20  }
0x9f: {  	s4 =	ssub.s32 $0x0, s20;
	[sflag:s22] =	ssyncset.done $0x0  }
0xa0: {  	[sflag:s22] =	ssyncadd.s32 s4;
	_ =	sdelay $0x1  }
0xa1: {  	s23 =	simm.s32 $0x1B8B  }
0xa2: {  	_ =	swait.ge [sflag:s23], $0x1  }
0xa3: {  	[sflag:s23] =	ssyncset.done $0x0  }
0xa4: {  	s25 =	simm.s32 $0x1B8E;
	s24 =	sld [smem:$0x3FFE];
	[sflag:s23] =	ssyncadd.s32 $0xFFFFFFFF  }
0xa5: {  	s26 =	simm.s32 $execute0_lowered;
	[smem:$0x3FD2] =	sst s25  }
0xa6: {  	s5 =	sshll.u32 s26, $0x1;
	_ =	strace $0x80000046;
	[dreg:$0x1] =	wrdreg $0xFFFFFFFF  }
0xa7: {  	s28 =	simm.s32 $_size_execute0_lowered;
	s3 =	sadd.s32 s3, s5;
	[dreg:$0x0] =	wrdreg $0x0  }
0xa8: {  	s5 =	sshll.u32 s28, $0x1;
	[dreg:$0x2] =	wrdreg s3  }
0xa9: {  	[dreg:$0x3] =	wrdreg s5  }
0xaa: {  	[dreg:$0x4] =	wrdreg $0xC0  }
0xab: {  	_ =	task [dreg:s7], $0x5FFFF  }
0xac: {  	[dreg:$0x1] =	wrdreg $0xFFFFFFFF  }
0xad: {  	[dreg:$0x0] =	wrdreg $0x60  }
0xae: {  	[dreg:$0x2] =	wrdreg s24  }
0xaf: {  	[dreg:$0x3] =	wrdreg s2  }
0xb0: {  	[dreg:$0x4] =	wrdreg $0x9  }
0xb1: {  	_ =	task.clear_ibuf [dreg:s7], $0x5FFFF;
	_ =	strace $0x90000046  }
0xb2: {  	s29 =	simm.s32 $0x9;
	_ =	strace $0x80000048  }
0xb3: {  	_ =	swait.ge [sflag:s29], $0x1  }
0xb4: {  	[sflag:s29] =	ssyncadd.s32 $0xFFFFFFFF  }
0xb5: {  	_ =	strace $0x90000048  }
0xb6: {  	_ =	sfence  }
0xb7: {  	s30 =	sld [smem:$0x0];
	_ =	sdelay $0x2  }
0xb8: {  	s31 =	sshll.u32 s1, $0xD;
	s1 =	sshrl.u32 s1, $0x2  }
0xb9: {  	s3 =	sand.u32 $0x4000, s31;
	s1 =	sadd.s32 s1, s30  }
0xba: {  	s0 =	sor.u32 s3, s0;
	s1 =	sshll.u32 s1, $0x11  }
0xbb: {  	s0 =	sor.u32 s1, s0  }
0xbc: {  	s0 =	sadd.s32 $0x8F2B, s0  }
0xbd: {  	[sflag:s0] =	ssyncadd.remote.s32 $0x1  }
0xbe: {  	_ =	sfence.sel $0xFFFF  }
0xbf: {  	[dreg:$0x0] =	wrdreg $0xFFFFFFFF;
	(pc) =	sbr.abs _section_cstart, $3  }
0xc0: {  	[dreg:$0x1] =	wrdreg $0xFFFFFFFF  }
0xc1: {  	_ =	task.clear_ibuf [dreg:s7], $0x2FFFF;
	_ =	strace $0x9FFFFFFF  }
0xc2: {  	(tm) =	ssettm $0x7FFFFFFF  }
0xc3: {  	_ =	shalt  }
tec
execute0_lowered:
.L_overlay_start_1:
0x0: {  	(tag) =	ssettag $0x1  }
0x1: {  	s18 =	rddreg [dreg:$0x0]  }
0x2: {  	s14 =	rddreg [dreg:$0x1];
	s2 =	simm.s32 $0x0  }
0x3: {  	s0 =	srdreg.scid;
	[smem:$0x7FF] =	sst s2;
	s25 =	sadd.s32 $0x2B0C00, s18  }
0x4: {  	s26 =	sadd.s32 $0x6200, s18;
	_ =	strace $0x80000047;
	[dreg:$0x3] =	wrdreg s25  }
0x5: {  	s1 =	stileid.u32;
	s28 =	sadd.s32 $0x2B1C00, s18;
	[dreg:$0x4] =	wrdreg s26  }
0x6: {  	s3 =	sand.u32 $0x1, s0;
	s29 =	sadd.s32 $0x2B2C00, s18;
	[dreg:$0x5] =	wrdreg s28  }
0x7: {  	s24 =	sshll.u32 s1, $0x1;
	s4 =	sadd.s32 $0x2B3C00, s18;
	[dreg:$0x6] =	wrdreg s29  }
0x8: {  	s5 =	sadd.s32 $0x2B4C00, s18;
	s6 =	sadd.s32 $0x2B5C00, s18;
	[dreg:$0x7] =	wrdreg s4  }
0x9: {  	s7 =	sadd.s32 $0x2B6C00, s18;
	s8 =	sadd.s32 $0x2B7C00, s18;
	[dreg:$0x8] =	wrdreg s5  }
0xa: {  	s9 =	sadd.s32 $0x2B8C00, s18;
	s10 =	sadd.s32 $0x2B9C00, s18;
	[dreg:$0x9] =	wrdreg s6  }
0xb: {  	s11 =	sadd.s32 $0x2BAC00, s18;
	s13 =	sadd.s32 $0x2BBC00, s18;
	[dreg:$0xa] =	wrdreg s7  }
0xc: {  	s15 =	sadd.s32 $0x2BCC00, s18;
	s16 =	sadd.s32 $0x2BDC00, s18;
	[dreg:$0xb] =	wrdreg s8  }
0xd: {  	s17 =	sadd.s32 $0x2BEC00, s18;
	s19 =	sadd.s32 $0x2BFC00, s18;
	[dreg:$0xc] =	wrdreg s9  }
0xe: {  	s20 =	sadd.s32 $0x2C0C00, s18;
	s21 =	sadd.s32 $0x2C1C00, s18;
	[dreg:$0xd] =	wrdreg s10  }
0xf: {  	s22 =	sadd.s32 $0x2C2C00, s18;
	s23 =	sadd.s32 $0x2C3C00, s18;
	[dreg:$0xe] =	wrdreg s11  }
0x10: {  	s31 =	sadd.s32 $0x2CAC00, s18;
	s1 =	sadd.s32 $0x2CCC00, s18;
	[dreg:$0xf] =	wrdreg s13  }
0x11: {  	v43 =	vlaneseq.u32;
	s12 =	sor.u32 s3, s24;
	[dreg:$0x10] =	wrdreg s15;
	s24 =	sadd.s32 $0x2C4C00, s18  }
0x12: {  	v0 =	vshrl.u32 v43, $0x3;
	[dreg:$0x11] =	wrdreg s16;
	s25 =	sadd.s32 $0x2C5C00, s18;
	s26 =	sadd.s32 $0x2C6C00, s18  }
0x13: {  	[dreg:$0x12] =	wrdreg s17;
	s28 =	sadd.s32 $0x2C7C00, s18;
	s29 =	sadd.s32 $0x2C8C00, s18;
	v0 =	vmul.u32 $0x8, v0  }
0x14: {  	v43 =	vand.u32 $0x7, v43;
	s10 =	ssub.s32 $0x2, s3;
	s3 =	sadd.s32 $0x2CDC00, s18;
	s4 =	sadd.s32 $0x2CEC00, s18  }
0x15: {  	[dreg:$0x13] =	wrdreg s19;
	s6 =	sadd.s32 $0x2CFC00, s18;
	v1 =	vor.u32 $0xA800, v0;
	v2 =	vor.u32 $0xA400, v0;
	v3 =	vor.u32 $0xA000, v0  }
0x16: {  	s30 =	sadd.s32 $0x2C9C00, s18;
	[dreg:$0x14] =	wrdreg s20;
	s7 =	sadd.s32 $0x2D0C00, s18;
	v4 =	vor.u32 $0x9C00, v0;
	v5 =	vor.u32 $0x9800, v0;
	v6 =	vor.u32 $0x9400, v0  }
0x17: {  	[dreg:$0x15] =	wrdreg s21;
	s8 =	sadd.s32 $0x2D1C00, s18;
	v7 =	vor.u32 $0x9000, v0;
	v8 =	vor.u32 $0x8C00, v0;
	v9 =	vor.u32 $0x8800, v0  }
0x18: {  	[dreg:$0x16] =	wrdreg s22;
	s9 =	sadd.s32 $0x2D2C00, s18;
	v10 =	vor.u32 $0x8400, v0;
	v11 =	vor.u32 $0x8000, v0;
	v12 =	vor.u32 $0x7C00, v0  }
0x19: {  	[dreg:$0x17] =	wrdreg s23;
	s16 =	sadd.s32 $0x2D8C00, s18;
	v13 =	vor.u32 $0x7800, v0;
	v14 =	vor.u32 $0x7400, v0;
	v15 =	vor.u32 $0x7000, v0  }
0x1a: {  	s13 =	sadd.s32 $0x2D6C00, s18;
	s17 =	sadd.s32 $0x2D9C00, s18;
	[dreg:$0x18] =	wrdreg s24;
	v16 =	vor.u32 $0x6C00, v0;
	v17 =	vor.u32 $0x6800, v0;
	v18 =	vor.u32 $0x6400, v0  }
0x1b: {  	s20 =	simm.s32 $0x2;
	s21 =	simm.s32 $0x80;
	[dreg:$0x19] =	wrdreg s25;
	v19 =	vor.u32 $0x6000, v0;
	v20 =	vor.u32 $0x5C00, v0;
	v21 =	vor.u32 $0x5800, v0  }
0x1c: {  	s22 =	simm.s32 $0x1580;
	s0 =	smul.u32 $0x2B0, s12;
	[dreg:$0x1a] =	wrdreg s26;
	v22 =	vor.u32 $0x5400, v0;
	v23 =	vor.u32 $0x5000, v0;
	v24 =	vor.u32 $0x4C00, v0  }
0x1d: {  	[dreg:$0x1b] =	wrdreg s28;
	s11 =	sshrl.u32 s10, $0x1;
	s15 =	sshll.u32 s12, $0x7;
	v25 =	vor.u32 $0x4800, v0;
	v26 =	vor.u32 $0x4400, v0;
	v27 =	vor.u32 $0x4000, v0  }
0x1e: {  	s12 =	sadd.s32 $0x2D5C00, s18;
	s19 =	ssub.s32 s10, s11;
	s10 =	sadd.s32 $0x2D3C00, s18;
	v28 =	vor.u32 $0x3C00, v0;
	v29 =	vor.u32 $0x3800, v0;
	v30 =	vor.u32 $0x3400, v0  }
0x1f: {  	s23 =	simm.s32 $0x1;
	[dreg:$0x1c] =	wrdreg s29;
	s11 =	sadd.s32 $0x2D4C00, s18;
	v31 =	vor.u32 $0x3000, v0;
	v32 =	vor.u32 $0x2C00, v0;
	v33 =	vor.u32 $0x2800, v0  }
0x20: {  	s24 =	simm.s32 $0xC180;
	s14 =	sadd.s32 s14, s15;
	s15 =	sadd.s32 $0x2D7C00, s18;
	v34 =	vor.u32 $0x2400, v0;
	v35 =	vor.u32 $0x2000, v0;
	v36 =	vor.u32 $0x1C00, v0  }
0x21: {  	s25 =	simm.s32 $0x0;
	v37 =	vor.u32 $0x1800, v0;
	v38 =	vor.u32 $0x1400, v0;
	v39 =	vor.u32 $0x1000, v0;
	s5 =	sadd.s32 s0, s18;
	s0 =	sadd.s32 $0x2CBC00, s18  }
0x22: {  	v40 =	vor.u32 $0xC00, v0;
	v41 =	vor.u32 $0x800, v0;
	v42 =	vor.u32 $0x400, v0;
	s18 =	sadd.s32 $0x2DAC00, s18;
	s19 =	smax.u32 s19, $0x1;
	s5 =	sadd.s32 $0xC00, s5  }
.LBB2_1:
0x23: {  	[tilespmem:s2], [sflag:$0x2] =	stream.linear.gather [hbm4b:s5+s2], $0x1580, $0x38;
	[tilespmem:$0xC5A0] =	vst v63  }
0x24: {  	_ =	swait.ge [sflag:s20], $0x1580  }
0x25: {  	[sflag:s20] =	ssyncset.done $0x0  }
0x26: {  	s28 =	simm.s32 $0xC580;
	s26 =	rddreg [dreg:$0x4];
	[sflag:s20] =	ssyncadd.s32 $0xFFFFEA80  }
0x27: {  	[tilespmem:s28], [sflag:$0x2] =	stream.linear.gather [hbm4b:s26+s2], $0x20, $0x38;
	[tilespmem:$0xC5A0] =	vst v63  }
0x28: {  	_ =	swait.ge [sflag:s20], $0x20  }
0x29: {  	[sflag:s20] =	ssyncset.done $0x0  }
0x2a: {  	s29 =	rddreg [dreg:$0x3];
	[sflag:s20] =	ssyncadd.s32 $0xFFFFFFE0  }
0x2b: {  	[tilespmem:s22], [sflag:$0x1] =	stream.indirect.gather [hbm4b:s29+s21], $0x8, s2, s21, $0xb8;
	[tilespmem:$0xC5A0] =	vst v63  }
0x2c: {  	s28 =	simm.s32 $0x1980;
	s29 =	rddreg [dreg:$0x5]  }
0x2d: {  	[tilespmem:s28], [sflag:$0x1] =	stream.indirect.gather [hbm4b:s29+s21], $0x8, s21, s21, $0xb8;
	[tilespmem:$0xC5A0] =	vst v63  }
0x2e: {  	s26 =	rddreg [dreg:$0x6];
	s28 =	simm.s32 $0x100;
	s29 =	simm.s32 $0x1D80  }
0x2f: {  	[tilespmem:s29], [sflag:$0x1] =	stream.indirect.gather [hbm4b:s26+s21], $0x8, s28, s21, $0xb8;
	[tilespmem:$0xC5A0] =	vst v63  }
0x30: {  	s26 =	rddreg [dreg:$0x7];
	s28 =	simm.s32 $0x180;
	s29 =	simm.s32 $0x2180  }
0x31: {  	[tilespmem:s29], [sflag:$0x1] =	stream.indirect.gather [hbm4b:s26+s21], $0x8, s28, s21, $0xb8;
	[tilespmem:$0xC5A0] =	vst v63  }
0x32: {  	s26 =	rddreg [dreg:$0x8];
	s28 =	simm.s32 $0x200;
	s29 =	simm.s32 $0x2580  }
0x33: {  	[tilespmem:s29], [sflag:$0x1] =	stream.indirect.gather [hbm4b:s26+s21], $0x8, s28, s21, $0xb8;
	[tilespmem:$0xC5A0] =	vst v63  }
0x34: {  	s26 =	rddreg [dreg:$0x9];
	s28 =	simm.s32 $0x280;
	s29 =	simm.s32 $0x2980  }
0x35: {  	[tilespmem:s29], [sflag:$0x1] =	stream.indirect.gather [hbm4b:s26+s21], $0x8, s28, s21, $0xb8;
	[tilespmem:$0xC5A0] =	vst v63  }
0x36: {  	s26 =	rddreg [dreg:$0xa];
	s28 =	simm.s32 $0x300;
	s29 =	simm.s32 $0x2D80  }
0x37: {  	[tilespmem:s29], [sflag:$0x1] =	stream.indirect.gather [hbm4b:s26+s21], $0x8, s28, s21, $0xb8;
	[tilespmem:$0xC5A0] =	vst v63  }
0x38: {  	s26 =	rddreg [dreg:$0xb];
	s28 =	simm.s32 $0x380;
	s29 =	simm.s32 $0x3180  }
0x39: {  	[tilespmem:s29], [sflag:$0x1] =	stream.indirect.gather [hbm4b:s26+s21], $0x8, s28, s21, $0xb8;
	[tilespmem:$0xC5A0] =	vst v63  }
0x3a: {  	s26 =	rddreg [dreg:$0xc];
	s28 =	simm.s32 $0x400;
	s29 =	simm.s32 $0x3580  }
0x3b: {  	[tilespmem:s29], [sflag:$0x1] =	stream.indirect.gather [hbm4b:s26+s21], $0x8, s28, s21, $0xb8;
	[tilespmem:$0xC5A0] =	vst v63  }
0x3c: {  	s26 =	rddreg [dreg:$0xd];
	s28 =	simm.s32 $0x480;
	s29 =	simm.s32 $0x3980  }
0x3d: {  	[tilespmem:s29], [sflag:$0x1] =	stream.indirect.gather [hbm4b:s26+s21], $0x8, s28, s21, $0xb8;
	[tilespmem:$0xC5A0] =	vst v63  }
0x3e: {  	s26 =	rddreg [dreg:$0xe];
	s28 =	simm.s32 $0x500;
	s29 =	simm.s32 $0x3D80  }
0x3f: {  	[tilespmem:s29], [sflag:$0x1] =	stream.indirect.gather [hbm4b:s26+s21], $0x8, s28, s21, $0xb8;
	[tilespmem:$0xC5A0] =	vst v63  }
0x40: {  	s26 =	rddreg [dreg:$0xf];
	s28 =	simm.s32 $0x580;
	s29 =	simm.s32 $0x4180  }
0x41: {  	[tilespmem:s29], [sflag:$0x1] =	stream.indirect.gather [hbm4b:s26+s21], $0x8, s28, s21, $0xb8;
	[tilespmem:$0xC5A0] =	vst v63  }
0x42: {  	s26 =	rddreg [dreg:$0x10];
	s28 =	simm.s32 $0x600;
	s29 =	simm.s32 $0x4580  }
0x43: {  	[tilespmem:s29], [sflag:$0x1] =	stream.indirect.gather [hbm4b:s26+s21], $0x8, s28, s21, $0xb8;
	[tilespmem:$0xC5A0] =	vst v63  }
0x44: {  	s26 =	rddreg [dreg:$0x11];
	s28 =	simm.s32 $0x680;
	s29 =	simm.s32 $0x4980  }
0x45: {  	[tilespmem:s29], [sflag:$0x1] =	stream.indirect.gather [hbm4b:s26+s21], $0x8, s28, s21, $0xb8;
	[tilespmem:$0xC5A0] =	vst v63  }
0x46: {  	s26 =	rddreg [dreg:$0x12];
	s28 =	simm.s32 $0x700;
	s29 =	simm.s32 $0x4D80  }
0x47: {  	[tilespmem:s29], [sflag:$0x1] =	stream.indirect.gather [hbm4b:s26+s21], $0x8, s28, s21, $0xb8;
	[tilespmem:$0xC5A0] =	vst v63  }
0x48: {  	s26 =	rddreg [dreg:$0x13];
	s28 =	simm.s32 $0x780;
	s29 =	simm.s32 $0x5180  }
0x49: {  	[tilespmem:s29], [sflag:$0x1] =	stream.indirect.gather [hbm4b:s26+s21], $0x8, s28, s21, $0xb8;
	[tilespmem:$0xC5A0] =	vst v63  }
0x4a: {  	s26 =	rddreg [dreg:$0x14];
	s28 =	simm.s32 $0x800;
	s29 =	simm.s32 $0x5580  }
0x4b: {  	[tilespmem:s29], [sflag:$0x1] =	stream.indirect.gather [hbm4b:s26+s21], $0x8, s28, s21, $0xb8;
	[tilespmem:$0xC5A0] =	vst v63  }
0x4c: {  	s26 =	rddreg [dreg:$0x15];
	s28 =	simm.s32 $0x880;
	s29 =	simm.s32 $0x5980  }
0x4d: {  	[tilespmem:s29], [sflag:$0x1] =	stream.indirect.gather [hbm4b:s26+s21], $0x8, s28, s21, $0xb8;
	[tilespmem:$0xC5A0] =	vst v63  }
0x4e: {  	s26 =	rddreg [dreg:$0x16];
	s28 =	simm.s32 $0x900;
	s29 =	simm.s32 $0x5D80  }
0x4f: {  	[tilespmem:s29], [sflag:$0x1] =	stream.indirect.gather [hbm4b:s26+s21], $0x8, s28, s21, $0xb8;
	[tilespmem:$0xC5A0] =	vst v63  }
0x50: {  	s26 =	rddreg [dreg:$0x17];
	s28 =	simm.s32 $0x980;
	s29 =	simm.s32 $0x6180  }
0x51: {  	[tilespmem:s29], [sflag:$0x1] =	stream.indirect.gather [hbm4b:s26+s21], $0x8, s28, s21, $0xb8;
	[tilespmem:$0xC5A0] =	vst v63  }
0x52: {  	s26 =	rddreg [dreg:$0x18];
	s28 =	simm.s32 $0xA00;
	s29 =	simm.s32 $0x6580  }
0x53: {  	[tilespmem:s29], [sflag:$0x1] =	stream.indirect.gather [hbm4b:s26+s21], $0x8, s28, s21, $0xb8;
	[tilespmem:$0xC5A0] =	vst v63  }
0x54: {  	s26 =	rddreg [dreg:$0x19];
	s28 =	simm.s32 $0xA80;
	s29 =	simm.s32 $0x6980  }
0x55: {  	[tilespmem:s29], [sflag:$0x1] =	stream.indirect.gather [hbm4b:s26+s21], $0x8, s28, s21, $0xb8;
	[tilespmem:$0xC5A0] =	vst v63  }
0x56: {  	_ =	swait.ge [sflag:s23], $0x400  }
0x57: {  	[sflag:s23] =	ssyncset.done $0x0  }
0x58: {  	[sflag:s23] =	ssyncadd.s32 $0xFFFFFC00  }
0x59: {  	_ =	swait.ge [sflag:s23], $0x400  }
0x5a: {  	[sflag:s23] =	ssyncset.done $0x0  }
0x5b: {  	[sflag:s23] =	ssyncadd.s32 $0xFFFFFC00  }
0x5c: {  	_ =	swait.ge [sflag:s23], $0x400  }
0x5d: {  	[sflag:s23] =	ssyncset.done $0x0  }
0x5e: {  	[sflag:s23] =	ssyncadd.s32 $0xFFFFFC00  }
0x5f: {  	_ =	swait.ge [sflag:s23], $0x400  }
0x60: {  	[sflag:s23] =	ssyncset.done $0x0  }
0x61: {  	[sflag:s23] =	ssyncadd.s32 $0xFFFFFC00  }
0x62: {  	_ =	swait.ge [sflag:s23], $0x400  }
0x63: {  	[sflag:s23] =	ssyncset.done $0x0  }
0x64: {  	[sflag:s23] =	ssyncadd.s32 $0xFFFFFC00  }
0x65: {  	_ =	swait.ge [sflag:s23], $0x400  }
0x66: {  	[sflag:s23] =	ssyncset.done $0x0  }
0x67: {  	[sflag:s23] =	ssyncadd.s32 $0xFFFFFC00  }
0x68: {  	_ =	swait.ge [sflag:s23], $0x400  }
0x69: {  	[sflag:s23] =	ssyncset.done $0x0  }
0x6a: {  	[sflag:s23] =	ssyncadd.s32 $0xFFFFFC00  }
0x6b: {  	_ =	swait.ge [sflag:s23], $0x400  }
0x6c: {  	[sflag:s23] =	ssyncset.done $0x0  }
0x6d: {  	[sflag:s23] =	ssyncadd.s32 $0xFFFFFC00  }
0x6e: {  	_ =	swait.ge [sflag:s23], $0x400  }
0x6f: {  	[sflag:s23] =	ssyncset.done $0x0  }
0x70: {  	[sflag:s23] =	ssyncadd.s32 $0xFFFFFC00  }
0x71: {  	_ =	swait.ge [sflag:s23], $0x400  }
0x72: {  	[sflag:s23] =	ssyncset.done $0x0  }
0x73: {  	[sflag:s23] =	ssyncadd.s32 $0xFFFFFC00  }
0x74: {  	_ =	swait.ge [sflag:s23], $0x400  }
0x75: {  	s28 =	simm.s32 $0xB00;
	[sflag:s23] =	ssyncset.done $0x0  }
0x76: {  	s29 =	simm.s32 $0x6D80;
	s26 =	rddreg [dreg:$0x1a];
	[sflag:s23] =	ssyncadd.s32 $0xFFFFFC00  }
0x77: {  	[tilespmem:s29], [sflag:$0x1] =	stream.indirect.gather [hbm4b:s26+s21], $0x8, s28, s21, $0xb8;
	[tilespmem:$0xC5A0] =	vst v63  }
0x78: {  	s26 =	rddreg [dreg:$0x1b];
	s28 =	simm.s32 $0xB80;
	s29 =	simm.s32 $0x7180  }
0x79: {  	[tilespmem:s29], [sflag:$0x1] =	stream.indirect.gather [hbm4b:s26+s21], $0x8, s28, s21, $0xb8;
	[tilespmem:$0xC5A0] =	vst v63  }
0x7a: {  	s26 =	rddreg [dreg:$0x1c];
	s28 =	simm.s32 $0xC00;
	s29 =	simm.s32 $0x7580  }
0x7b: {  	[tilespmem:s29], [sflag:$0x1] =	stream.indirect.gather [hbm4b:s26+s21], $0x8, s28, s21, $0xb8;
	[tilespmem:$0xC5A0] =	vst v63  }
0x7c: {  	s29 =	simm.s32 $0xC80;
	s28 =	simm.s32 $0x7980  }
0x7d: {  	[tilespmem:s28], [sflag:$0x1] =	stream.indirect.gather [hbm4b:s30+s21], $0x8, s29, s21, $0xb8;
	[tilespmem:$0xC5A0] =	vst v63  }
0x7e: {  	s29 =	simm.s32 $0xD00;
	s28 =	simm.s32 $0x7D80  }
0x7f: {  	[tilespmem:s28], [sflag:$0x1] =	stream.indirect.gather [hbm4b:s31+s21], $0x8, s29, s21, $0xb8;
	[tilespmem:$0xC5A0] =	vst v63  }
0x80: {  	s29 =	simm.s32 $0xD80;
	s28 =	simm.s32 $0x8180  }
0x81: {  	[tilespmem:s28], [sflag:$0x1] =	stream.indirect.gather [hbm4b:s0+s21], $0x8, s29, s21, $0xb8;
	[tilespmem:$0xC5A0] =	vst v63  }
0x82: {  	s29 =	simm.s32 $0xE00;
	s28 =	simm.s32 $0x8580  }
0x83: {  	[tilespmem:s28], [sflag:$0x1] =	stream.indirect.gather [hbm4b:s1+s21], $0x8, s29, s21, $0xb8;
	[tilespmem:$0xC5A0] =	vst v63  }
0x84: {  	s29 =	simm.s32 $0xE80;
	s28 =	simm.s32 $0x8980  }
0x85: {  	[tilespmem:s28], [sflag:$0x1] =	stream.indirect.gather [hbm4b:s3+s21], $0x8, s29, s21, $0xb8;
	[tilespmem:$0xC5A0] =	vst v63  }
0x86: {  	s29 =	simm.s32 $0xF00;
	s28 =	simm.s32 $0x8D80  }
0x87: {  	[tilespmem:s28], [sflag:$0x1] =	stream.indirect.gather [hbm4b:s4+s21], $0x8, s29, s21, $0xb8;
	[tilespmem:$0xC5A0] =	vst v63  }
0x88: {  	s29 =	simm.s32 $0xF80;
	s28 =	simm.s32 $0x9180  }
0x89: {  	[tilespmem:s28], [sflag:$0x1] =	stream.indirect.gather [hbm4b:s6+s21], $0x8, s29, s21, $0xb8;
	[tilespmem:$0xC5A0] =	vst v63  }
0x8a: {  	s29 =	simm.s32 $0x1000;
	s28 =	simm.s32 $0x9580  }
0x8b: {  	[tilespmem:s28], [sflag:$0x1] =	stream.indirect.gather [hbm4b:s7+s21], $0x8, s29, s21, $0xb8;
	[tilespmem:$0xC5A0] =	vst v63  }
0x8c: {  	_ =	swait.ge [sflag:s23], $0x400  }
0x8d: {  	[sflag:s23] =	ssyncset.done $0x0  }
0x8e: {  	[sflag:s23] =	ssyncadd.s32 $0xFFFFFC00  }
0x8f: {  	_ =	swait.ge [sflag:s23], $0x400  }
0x90: {  	[sflag:s23] =	ssyncset.done $0x0  }
0x91: {  	[sflag:s23] =	ssyncadd.s32 $0xFFFFFC00  }
0x92: {  	_ =	swait.ge [sflag:s23], $0x400  }
0x93: {  	[sflag:s23] =	ssyncset.done $0x0  }
0x94: {  	[sflag:s23] =	ssyncadd.s32 $0xFFFFFC00  }
0x95: {  	_ =	swait.ge [sflag:s23], $0x400  }
0x96: {  	[sflag:s23] =	ssyncset.done $0x0  }
0x97: {  	[sflag:s23] =	ssyncadd.s32 $0xFFFFFC00  }
0x98: {  	_ =	swait.ge [sflag:s23], $0x400  }
0x99: {  	[sflag:s23] =	ssyncset.done $0x0  }
0x9a: {  	[sflag:s23] =	ssyncadd.s32 $0xFFFFFC00  }
0x9b: {  	_ =	swait.ge [sflag:s23], $0x400  }
0x9c: {  	[sflag:s23] =	ssyncset.done $0x0  }
0x9d: {  	[sflag:s23] =	ssyncadd.s32 $0xFFFFFC00  }
0x9e: {  	_ =	swait.ge [sflag:s23], $0x400  }
0x9f: {  	[sflag:s23] =	ssyncset.done $0x0  }
0xa0: {  	[sflag:s23] =	ssyncadd.s32 $0xFFFFFC00  }
0xa1: {  	_ =	swait.ge [sflag:s23], $0x400  }
0xa2: {  	[sflag:s23] =	ssyncset.done $0x0  }
0xa3: {  	[sflag:s23] =	ssyncadd.s32 $0xFFFFFC00  }
0xa4: {  	_ =	swait.ge [sflag:s23], $0x400  }
0xa5: {  	[sflag:s23] =	ssyncset.done $0x0  }
0xa6: {  	[sflag:s23] =	ssyncadd.s32 $0xFFFFFC00  }
0xa7: {  	_ =	swait.ge [sflag:s23], $0x400  }
0xa8: {  	[sflag:s23] =	ssyncset.done $0x0  }
0xa9: {  	[sflag:s23] =	ssyncadd.s32 $0xFFFFFC00  }
0xaa: {  	_ =	swait.ge [sflag:s23], $0x400  }
0xab: {  	[sflag:s23] =	ssyncset.done $0x0  }
0xac: {  	s29 =	simm.s32 $0x1080;
	s28 =	simm.s32 $0x9980;
	[sflag:s23] =	ssyncadd.s32 $0xFFFFFC00  }
0xad: {  	[tilespmem:s28], [sflag:$0x1] =	stream.indirect.gather [hbm4b:s8+s21], $0x8, s29, s21, $0xb8;
	[tilespmem:$0xC5A0] =	vst v63  }
0xae: {  	s29 =	simm.s32 $0x1100;
	s28 =	simm.s32 $0x9D80  }
0xaf: {  	[tilespmem:s28], [sflag:$0x1] =	stream.indirect.gather [hbm4b:s9+s21], $0x8, s29, s21, $0xb8;
	[tilespmem:$0xC5A0] =	vst v63  }
0xb0: {  	s29 =	simm.s32 $0x1180;
	s28 =	simm.s32 $0xA180  }
0xb1: {  	[tilespmem:s28], [sflag:$0x1] =	stream.indirect.gather [hbm4b:s10+s21], $0x8, s29, s21, $0xb8;
	[tilespmem:$0xC5A0] =	vst v63  }
0xb2: {  	s29 =	simm.s32 $0x1200;
	s28 =	simm.s32 $0xA580  }
0xb3: {  	[tilespmem:s28], [sflag:$0x1] =	stream.indirect.gather [hbm4b:s11+s21], $0x8, s29, s21, $0xb8;
	[tilespmem:$0xC5A0] =	vst v63  }
0xb4: {  	s29 =	simm.s32 $0x1280;
	s28 =	simm.s32 $0xA980  }
0xb5: {  	[tilespmem:s28], [sflag:$0x1] =	stream.indirect.gather [hbm4b:s12+s21], $0x8, s29, s21, $0xb8;
	[tilespmem:$0xC5A0] =	vst v63  }
0xb6: {  	s29 =	simm.s32 $0x1300;
	s28 =	simm.s32 $0xAD80  }
0xb7: {  	[tilespmem:s28], [sflag:$0x1] =	stream.indirect.gather [hbm4b:s13+s21], $0x8, s29, s21, $0xb8;
	[tilespmem:$0xC5A0] =	vst v63  }
0xb8: {  	s29 =	simm.s32 $0x1380;
	s28 =	simm.s32 $0xB180  }
0xb9: {  	[tilespmem:s28], [sflag:$0x1] =	stream.indirect.gather [hbm4b:s15+s21], $0x8, s29, s21, $0xb8;
	[tilespmem:$0xC5A0] =	vst v63  }
0xba: {  	s29 =	simm.s32 $0x1400;
	s28 =	simm.s32 $0xB580  }
0xbb: {  	[tilespmem:s28], [sflag:$0x1] =	stream.indirect.gather [hbm4b:s16+s21], $0x8, s29, s21, $0xb8;
	[tilespmem:$0xC5A0] =	vst v63  }
0xbc: {  	s29 =	simm.s32 $0x1480;
	s28 =	simm.s32 $0xB980  }
0xbd: {  	[tilespmem:s28], [sflag:$0x1] =	stream.indirect.gather [hbm4b:s17+s21], $0x8, s29, s21, $0xb8;
	[tilespmem:$0xC5A0] =	vst v63  }
0xbe: {  	s29 =	simm.s32 $0x1500;
	s28 =	simm.s32 $0xBD80  }
0xbf: {  	[tilespmem:s28], [sflag:$0x1] =	stream.indirect.gather [hbm4b:s18+s21], $0x8, s29, s21, $0xb8;
	[tilespmem:$0xC5A0] =	vst v63  }
0xc0: {  	_ =	swait.ge [sflag:s23], $0x400  }
0xc1: {  	[sflag:s23] =	ssyncset.done $0x0  }
0xc2: {  	[sflag:s23] =	ssyncadd.s32 $0xFFFFFC00  }
0xc3: {  	_ =	swait.ge [sflag:s23], $0x400  }
0xc4: {  	[sflag:s23] =	ssyncset.done $0x0  }
0xc5: {  	[sflag:s23] =	ssyncadd.s32 $0xFFFFFC00  }
0xc6: {  	_ =	swait.ge [sflag:s23], $0x400  }
0xc7: {  	[sflag:s23] =	ssyncset.done $0x0  }
0xc8: {  	[sflag:s23] =	ssyncadd.s32 $0xFFFFFC00  }
0xc9: {  	_ =	swait.ge [sflag:s23], $0x400  }
0xca: {  	[sflag:s23] =	ssyncset.done $0x0  }
0xcb: {  	[sflag:s23] =	ssyncadd.s32 $0xFFFFFC00  }
0xcc: {  	_ =	swait.ge [sflag:s23], $0x400  }
0xcd: {  	[sflag:s23] =	ssyncset.done $0x0  }
0xce: {  	[sflag:s23] =	ssyncadd.s32 $0xFFFFFC00  }
0xcf: {  	_ =	swait.ge [sflag:s23], $0x400  }
0xd0: {  	[sflag:s23] =	ssyncset.done $0x0  }
0xd1: {  	[sflag:s23] =	ssyncadd.s32 $0xFFFFFC00  }
0xd2: {  	_ =	swait.ge [sflag:s23], $0x400  }
0xd3: {  	[sflag:s23] =	ssyncset.done $0x0  }
0xd4: {  	[sflag:s23] =	ssyncadd.s32 $0xFFFFFC00  }
0xd5: {  	_ =	swait.ge [sflag:s23], $0x400  }
0xd6: {  	[sflag:s23] =	ssyncset.done $0x0  }
0xd7: {  	[sflag:s23] =	ssyncadd.s32 $0xFFFFFC00  }
0xd8: {  	_ =	swait.ge [sflag:s23], $0x400  }
0xd9: {  	[sflag:s23] =	ssyncset.done $0x0  }
0xda: {  	[sflag:s23] =	ssyncadd.s32 $0xFFFFFC00  }
0xdb: {  	_ =	swait.ge [sflag:s23], $0x400  }
0xdc: {  	[sflag:s23] =	ssyncset.done $0x0  }
0xdd: {  	[sflag:s23] =	ssyncadd.s32 $0xFFFFFC00  }
0xde: {  	_ =	swait.ge [sflag:s23], $0x400  }
0xdf: {  	[sflag:s23] =	ssyncset.done $0x0  }
0xe0: {  	[sflag:s23] =	ssyncadd.s32 $0xFFFFFC00  }
0xe1: {  	_ =	swait.ge [sflag:s23], $0x400  }
0xe2: {  	[sflag:s23] =	ssyncset.done $0x0  }
0xe3: {  	[sflag:s23] =	ssyncadd.s32 $0xFFFFFC00  }
0xe4: {  	_ =	swait.ge [sflag:s23], $0x400  }
0xe5: {  	[sflag:s23] =	ssyncset.done $0x0  }
0xe6: {  	[sflag:s23] =	ssyncadd.s32 $0xFFFFFC00  }
0xe7: {  	_ =	swait.ge [sflag:s23], $0x400  }
0xe8: {  	[sflag:s23] =	ssyncset.done $0x0  }
0xe9: {  	[sflag:s23] =	ssyncadd.s32 $0xFFFFFC00  }
0xea: {  	_ =	swait.ge [sflag:s23], $0x400  }
0xeb: {  	[sflag:s23] =	ssyncset.done $0x0  }
0xec: {  	[sflag:s23] =	ssyncadd.s32 $0xFFFFFC00  }
0xed: {  	_ =	swait.ge [sflag:s23], $0x400  }
0xee: {  	[sflag:s23] =	ssyncset.done $0x0  }
0xef: {  	[sflag:s23] =	ssyncadd.s32 $0xFFFFFC00  }
0xf0: {  	_ =	swait.ge [sflag:s23], $0x400  }
0xf1: {  	[sflag:s23] =	ssyncset.done $0x0  }
0xf2: {  	[sflag:s23] =	ssyncadd.s32 $0xFFFFFC00  }
0xf3: {  	_ =	swait.ge [sflag:s23], $0x400  }
0xf4: {  	[sflag:s23] =	ssyncset.done $0x0  }
0xf5: {  	[sflag:s23] =	ssyncadd.s32 $0xFFFFFC00  }
0xf6: {  	_ =	swait.ge [sflag:s23], $0x400  }
0xf7: {  	v44 =	vmov s2;
	[sflag:s23] =	ssyncset.done $0x0  }
0xf8: {  	v44 =	vshll.u32 v44, $0x3;
	[sflag:s23] =	ssyncadd.s32 $0xFFFFFC00  }
0xf9: {  	v45 =	vor.u32 v0, v44;
	_ =	swait.ge [sflag:s23], $0x400  }
0xfa: {  	v45 =	vor.u32 v43, v45;
	[sflag:s23] =	ssyncset.done $0x0  }
0xfb: {  	v46 =	vadd.s32 v42, v44;
	[sflag:s23] =	ssyncadd.s32 $0xFFFFFC00  }
0xfc: {  	v46 =	vor.u32 v43, v46;
	_ =	swait.ge [sflag:s23], $0x400  }
0xfd: {  	v47 =	vadd.s32 v41, v44;
	[sflag:s23] =	ssyncset.done $0x0  }
0xfe: {  	v47 =	vor.u32 v43, v47;
	[sflag:s23] =	ssyncadd.s32 $0xFFFFFC00  }
0xff: {  	v48 =	vadd.s32 v40, v44;
	v45 =	vld.idx.msk [tilespmem:v45+s22+$0x0], $0xffff  }
0x100: {  	v48 =	vor.u32 v43, v48  }
0x101: {  	v49 =	vadd.s32 v39, v44;
	v46 =	vld.idx.msk [tilespmem:v46+s22+$0x0], $0xffff  }
0x102: {  	v49 =	vor.u32 v43, v49  }
0x103: {  	v50 =	vadd.s32 v38, v44;
	v47 =	vld.idx.msk [tilespmem:v47+s22+$0x0], $0xffff  }
0x104: {  	v50 =	vor.u32 v43, v50;
	v45 =	vadd.f32 $0.0e+00, v45  }
0x105: {  	v51 =	vadd.s32 v37, v44;
	v48 =	vld.idx.msk [tilespmem:v48+s22+$0x0], $0xffff  }
0x106: {  	v51 =	vor.u32 v43, v51;
	v45 =	vadd.f32 v46, v45  }
0x107: {  	v56 =	vadd.s32 v36, v44;
	v55 =	vld.idx.msk [tilespmem:v49+s22+$0x0], $0xffff  }
0x108: {  	v49 =	vor.u32 v43, v56;
	v45 =	vadd.f32 v47, v45  }
0x109: {  	v58 =	vadd.s32 v35, v44;
	v57 =	vld.idx.msk [tilespmem:v50+s22+$0x0], $0xffff  }
0x10a: {  	v50 =	vor.u32 v43, v58;
	v45 =	vadd.f32 v48, v45  }
0x10b: {  	v60 =	vadd.s32 v34, v44;
	v59 =	vld.idx.msk [tilespmem:v51+s22+$0x0], $0xffff  }
0x10c: {  	v51 =	vor.u32 v43, v60;
	v45 =	vadd.f32 v55, v45  }
0x10d: {  	v62 =	vadd.s32 v33, v44;
	v61 =	vld.idx.msk [tilespmem:v49+s22+$0x0], $0xffff  }
0x10e: {  	v49 =	vor.u32 v43, v62;
	v45 =	vadd.f32 v57, v45  }
0x10f: {  	v54 =	vadd.s32 v32, v44;
	v63 =	vld.idx.msk [tilespmem:v50+s22+$0x0], $0xffff  }
0x110: {  	v50 =	vor.u32 v43, v54;
	v45 =	vadd.f32 v59, v45  }
0x111: {  	v56 =	vadd.s32 v31, v44;
	v55 =	vld.idx.msk [tilespmem:v51+s22+$0x0], $0xffff  }
0x112: {  	v51 =	vor.u32 v43, v56;
	v45 =	vadd.f32 v61, v45  }
0x113: {  	v58 =	vadd.s32 v30, v44;
	v57 =	vld.idx.msk [tilespmem:v49+s22+$0x0], $0xffff  }
0x114: {  	v49 =	vor.u32 v43, v58;
	v45 =	vadd.f32 v63, v45  }
0x115: {  	v60 =	vadd.s32 v29, v44;
	v59 =	vld.idx.msk [tilespmem:v50+s22+$0x0], $0xffff  }
0x116: {  	v50 =	vor.u32 v43, v60;
	v45 =	vadd.f32 v55, v45  }
0x117: {  	v62 =	vadd.s32 v28, v44;
	v61 =	vld.idx.msk [tilespmem:v51+s22+$0x0], $0xffff  }
0x118: {  	v51 =	vor.u32 v43, v62;
	v45 =	vadd.f32 v57, v45  }
0x119: {  	v54 =	vadd.s32 v27, v44;
	v63 =	vld.idx.msk [tilespmem:v49+s22+$0x0], $0xffff  }
0x11a: {  	v49 =	vor.u32 v43, v54;
	v45 =	vadd.f32 v59, v45  }
0x11b: {  	v56 =	vadd.s32 v26, v44;
	v55 =	vld.idx.msk [tilespmem:v50+s22+$0x0], $0xffff  }
0x11c: {  	v50 =	vor.u32 v43, v56;
	v45 =	vadd.f32 v61, v45  }
0x11d: {  	v58 =	vadd.s32 v25, v44;
	v57 =	vld.idx.msk [tilespmem:v51+s22+$0x0], $0xffff  }
0x11e: {  	v51 =	vor.u32 v43, v58;
	v45 =	vadd.f32 v63, v45  }
0x11f: {  	v60 =	vadd.s32 v24, v44;
	v59 =	vld.idx.msk [tilespmem:v49+s22+$0x0], $0xffff  }
0x120: {  	v49 =	vor.u32 v43, v60;
	v45 =	vadd.f32 v55, v45  }
0x121: {  	v62 =	vadd.s32 v23, v44;
	v61 =	vld.idx.msk [tilespmem:v50+s22+$0x0], $0xffff  }
0x122: {  	v50 =	vor.u32 v43, v62;
	v45 =	vadd.f32 v57, v45  }
0x123: {  	v54 =	vadd.s32 v22, v44;
	v63 =	vld.idx.msk [tilespmem:v51+s22+$0x0], $0xffff  }
0x124: {  	v51 =	vor.u32 v43, v54;
	v45 =	vadd.f32 v59, v45  }
0x125: {  	v56 =	vadd.s32 v21, v44;
	v55 =	vld.idx.msk [tilespmem:v49+s22+$0x0], $0xffff  }
0x126: {  	v49 =	vor.u32 v43, v56;
	v45 =	vadd.f32 v61, v45  }
0x127: {  	v58 =	vadd.s32 v20, v44;
	v57 =	vld.idx.msk [tilespmem:v50+s22+$0x0], $0xffff  }
0x128: {  	v50 =	vor.u32 v43, v58;
	v45 =	vadd.f32 v63, v45  }
0x129: {  	v60 =	vadd.s32 v19, v44;
	v59 =	vld.idx.msk [tilespmem:v51+s22+$0x0], $0xffff  }
0x12a: {  	v51 =	vor.u32 v43, v60;
	v45 =	vadd.f32 v55, v45  }
0x12b: {  	v62 =	vadd.s32 v18, v44;
	v61 =	vld.idx.msk [tilespmem:v49+s22+$0x0], $0xffff  }
0x12c: {  	v49 =	vor.u32 v43, v62;
	v45 =	vadd.f32 v57, v45  }
0x12d: {  	v54 =	vadd.s32 v17, v44;
	v63 =	vld.idx.msk [tilespmem:v50+s22+$0x0], $0xffff  }
0x12e: {  	v50 =	vor.u32 v43, v54;
	v45 =	vadd.f32 v59, v45  }
0x12f: {  	v56 =	vadd.s32 v16, v44;
	v55 =	vld.idx.msk [tilespmem:v51+s22+$0x0], $0xffff  }
0x130: {  	v51 =	vor.u32 v43, v56;
	v45 =	vadd.f32 v61, v45  }
0x131: {  	v58 =	vadd.s32 v15, v44;
	v57 =	vld.idx.msk [tilespmem:v49+s22+$0x0], $0xffff  }
0x132: {  	v49 =	vor.u32 v43, v58;
	v45 =	vadd.f32 v63, v45  }
0x133: {  	v60 =	vadd.s32 v14, v44;
	v59 =	vld.idx.msk [tilespmem:v50+s22+$0x0], $0xffff  }
0x134: {  	v50 =	vor.u32 v43, v60;
	v45 =	vadd.f32 v55, v45  }
0x135: {  	v62 =	vadd.s32 v13, v44;
	v61 =	vld.idx.msk [tilespmem:v51+s22+$0x0], $0xffff  }
0x136: {  	v51 =	vor.u32 v43, v62;
	v45 =	vadd.f32 v57, v45  }
0x137: {  	v53 =	vadd.s32 v12, v44;
	v63 =	vld.idx.msk [tilespmem:v49+s22+$0x0], $0xffff  }
0x138: {  	v49 =	vor.u32 v43, v53;
	v45 =	vadd.f32 v59, v45  }
0x139: {  	v54 =	vld.idx.msk [tilespmem:v50+s22+$0x0], $0xffff;
	v55 =	vadd.s32 v11, v44  }
0x13a: {  	v50 =	vor.u32 v43, v55;
	v45 =	vadd.f32 v61, v45  }
0x13b: {  	v56 =	vld.idx.msk [tilespmem:v51+s22+$0x0], $0xffff;
	v57 =	vadd.s32 v10, v44  }
0x13c: {  	v51 =	vor.u32 v43, v57;
	v45 =	vadd.f32 v63, v45  }
0x13d: {  	v58 =	vld.idx.msk [tilespmem:v49+s22+$0x0], $0xffff;
	v59 =	vadd.s32 v9, v44  }
0x13e: {  	v49 =	vor.u32 v43, v59;
	v45 =	vadd.f32 v54, v45  }
0x13f: {  	v60 =	vld.idx.msk [tilespmem:v50+s22+$0x0], $0xffff;
	v61 =	vadd.s32 v8, v44  }
0x140: {  	v50 =	vor.u32 v43, v61;
	v45 =	vadd.f32 v56, v45  }
0x141: {  	v62 =	vld.idx.msk [tilespmem:v51+s22+$0x0], $0xffff;
	v63 =	vadd.s32 v7, v44  }
0x142: {  	v51 =	vor.u32 v43, v63;
	v45 =	vadd.f32 v58, v45  }
0x143: {  	v55 =	vadd.s32 v6, v44;
	v54 =	vld.idx.msk [tilespmem:v49+s22+$0x0], $0xffff  }
0x144: {  	v49 =	vor.u32 v43, v55;
	v45 =	vadd.f32 v60, v45  }
0x145: {  	v57 =	vadd.s32 v5, v44;
	v56 =	vld.idx.msk [tilespmem:v50+s22+$0x0], $0xffff  }
0x146: {  	v50 =	vor.u32 v43, v57;
	v45 =	vadd.f32 v62, v45  }
0x147: {  	v59 =	vadd.s32 v4, v44;
	v58 =	vld.idx.msk [tilespmem:v51+s22+$0x0], $0xffff  }
0x148: {  	v51 =	vor.u32 v43, v59;
	v45 =	vadd.f32 v54, v45  }
0x149: {  	v61 =	vadd.s32 v3, v44;
	v60 =	vld.idx.msk [tilespmem:v49+s22+$0x0], $0xffff  }
0x14a: {  	v49 =	vor.u32 v43, v61;
	v45 =	vadd.f32 v56, v45  }
0x14b: {  	v63 =	vadd.s32 v2, v44;
	v62 =	vld.idx.msk [tilespmem:v50+s22+$0x0], $0xffff  }
0x14c: {  	v50 =	vor.u32 v43, v63;
	v45 =	vadd.f32 v58, v45  }
0x14d: {  	v44 =	vadd.s32 v1, v44;
	v52 =	vld.idx.msk [tilespmem:v51+s22+$0x0], $0xffff  }
0x14e: {  	v44 =	vor.u32 v43, v44;
	v45 =	vadd.f32 v60, v45  }
0x14f: {  	v53 =	vld.idx.msk [tilespmem:v49+s22+$0x0], $0xffff  }
0x150: {  	v45 =	vadd.f32 v62, v45  }
0x151: {  	v54 =	vld.idx.msk [tilespmem:v50+s22+$0x0], $0xffff  }
0x152: {  	v45 =	vadd.f32 v52, v45  }
0x153: {  	v44 =	vld.idx.msk [tilespmem:v44+s22+$0x0], $0xffff  }
0x154: {  	v45 =	vadd.f32 v53, v45;
	_ =	sdelay $0x1  }
0x155: {  	v45 =	vadd.f32 v54, v45;
	_ =	sdelay $0x1  }
0x156: {  	v44 =	vadd.f32 v44, v45;
	_ =	sdelay $0x1  }
0x157: {  	v44 =	vadd.f32 v44, v44;
	_ =	sdelay $0x1  }
0x158: {  	v44 =	vmul.f32 $1.442695020e+00, v44;
	_ =	sdelay $0x1  }
0x159: {  	(erf) = vpow2.f32 v44;
	_ =	sdelay $0x8  }
0x15a: {  	v44 =	vpop (erf)  }
0x15b: {  	v44 =	vadd.f32 $1.000000000e+00, v44;
	_ =	sdelay $0x1  }
0x15c: {  	(erf) = vrcp.f32 v44;
	_ =	sdelay $0x8  }
0x15d: {  	v44 =	vld [tilespmem:$0xC580];
	v55 =	vpop (erf)  }
0x15e: {  	s29 =	simm.s32 $0x2;
	v56 =	vadd.f32 v55, v55  }
0x15f: {  	v57 =	vmov s29;
	v45 =	vld [tilespmem:$0xC590]  }
0x160: {  	v46 =	vshll.u32 v57, $0x3;
	v47 =	vsub.f32 $1.000000000e+00, v56  }
0x161: {  	v58 =	vor.u32 v0, v46  }
0x162: {  	v48 =	vor.u32 v43, v58;
	v47 =	vmul.f32 v47, v44  }
0x163: {  	v59 =	vadd.s32 v42, v46  }
0x164: {  	v49 =	vor.u32 v43, v59;
	v47 =	vadd.f32 v47, v45  }
0x165: {  	v60 =	vadd.s32 v41, v46  }
0x166: {  	v50 =	vor.u32 v43, v60;
	[tilespmem:s24+$0x0] =	vst v47  }
0x167: {  	v61 =	vadd.s32 v40, v46;
	v47 =	vld.idx.msk [tilespmem:v48+s22+$0x0], $0xffff  }
0x168: {  	v48 =	vor.u32 v43, v61  }
0x169: {  	v62 =	vadd.s32 v39, v46;
	v49 =	vld.idx.msk [tilespmem:v49+s22+$0x0], $0xffff  }
0x16a: {  	v51 =	vor.u32 v43, v62  }
0x16b: {  	v52 =	vadd.s32 v38, v46;
	v50 =	vld.idx.msk [tilespmem:v50+s22+$0x0], $0xffff  }
0x16c: {  	v52 =	vor.u32 v43, v52;
	v47 =	vadd.f32 $0.0e+00, v47  }
0x16d: {  	v53 =	vadd.s32 v37, v46;
	v48 =	vld.idx.msk [tilespmem:v48+s22+$0x0], $0xffff  }
0x16e: {  	v53 =	vor.u32 v43, v53;
	v47 =	vadd.f32 v49, v47  }
0x16f: {  	v56 =	vadd.s32 v36, v46;
	v63 =	vld.idx.msk [tilespmem:v51+s22+$0x0], $0xffff  }
0x170: {  	v51 =	vor.u32 v43, v56;
	v47 =	vadd.f32 v50, v47  }
0x171: {  	v58 =	vadd.s32 v35, v46;
	v57 =	vld.idx.msk [tilespmem:v52+s22+$0x0], $0xffff  }
0x172: {  	v52 =	vor.u32 v43, v58;
	v47 =	vadd.f32 v48, v47  }
0x173: {  	v60 =	vadd.s32 v34, v46;
	v59 =	vld.idx.msk [tilespmem:v53+s22+$0x0], $0xffff  }
0x174: {  	v53 =	vor.u32 v43, v60;
	v47 =	vadd.f32 v63, v47  }
0x175: {  	v62 =	vadd.s32 v33, v46;
	v61 =	vld.idx.msk [tilespmem:v51+s22+$0x0], $0xffff  }
0x176: {  	v51 =	vor.u32 v43, v62;
	v47 =	vadd.f32 v57, v47  }
0x177: {  	v56 =	vadd.s32 v32, v46;
	v63 =	vld.idx.msk [tilespmem:v52+s22+$0x0], $0xffff  }
0x178: {  	v52 =	vor.u32 v43, v56;
	v47 =	vadd.f32 v59, v47  }
0x179: {  	v58 =	vadd.s32 v31, v46;
	v57 =	vld.idx.msk [tilespmem:v53+s22+$0x0], $0xffff  }
0x17a: {  	v53 =	vor.u32 v43, v58;
	v47 =	vadd.f32 v61, v47  }
0x17b: {  	v60 =	vadd.s32 v30, v46;
	v59 =	vld.idx.msk [tilespmem:v51+s22+$0x0], $0xffff  }
0x17c: {  	v51 =	vor.u32 v43, v60;
	v47 =	vadd.f32 v63, v47  }
0x17d: {  	v62 =	vadd.s32 v29, v46;
	v61 =	vld.idx.msk [tilespmem:v52+s22+$0x0], $0xffff  }
0x17e: {  	v52 =	vor.u32 v43, v62;
	v47 =	vadd.f32 v57, v47  }
0x17f: {  	v56 =	vadd.s32 v28, v46;
	v63 =	vld.idx.msk [tilespmem:v53+s22+$0x0], $0xffff  }
0x180: {  	v53 =	vor.u32 v43, v56;
	v47 =	vadd.f32 v59, v47  }
0x181: {  	v58 =	vadd.s32 v27, v46;
	v57 =	vld.idx.msk [tilespmem:v51+s22+$0x0], $0xffff  }
0x182: {  	v51 =	vor.u32 v43, v58;
	v47 =	vadd.f32 v61, v47  }
0x183: {  	v60 =	vadd.s32 v26, v46;
	v59 =	vld.idx.msk [tilespmem:v52+s22+$0x0], $0xffff  }
0x184: {  	v52 =	vor.u32 v43, v60;
	v47 =	vadd.f32 v63, v47  }
0x185: {  	v62 =	vadd.s32 v25, v46;
	v61 =	vld.idx.msk [tilespmem:v53+s22+$0x0], $0xffff  }
0x186: {  	v53 =	vor.u32 v43, v62;
	v47 =	vadd.f32 v57, v47  }
0x187: {  	v56 =	vadd.s32 v24, v46;
	v63 =	vld.idx.msk [tilespmem:v51+s22+$0x0], $0xffff  }
0x188: {  	v51 =	vor.u32 v43, v56;
	v47 =	vadd.f32 v59, v47  }
0x189: {  	v58 =	vadd.s32 v23, v46;
	v57 =	vld.idx.msk [tilespmem:v52+s22+$0x0], $0xffff  }
0x18a: {  	v52 =	vor.u32 v43, v58;
	v47 =	vadd.f32 v61, v47  }
0x18b: {  	v60 =	vadd.s32 v22, v46;
	v59 =	vld.idx.msk [tilespmem:v53+s22+$0x0], $0xffff  }
0x18c: {  	v53 =	vor.u32 v43, v60;
	v47 =	vadd.f32 v63, v47  }
0x18d: {  	v62 =	vadd.s32 v21, v46;
	v61 =	vld.idx.msk [tilespmem:v51+s22+$0x0], $0xffff  }
0x18e: {  	v51 =	vor.u32 v43, v62;
	v47 =	vadd.f32 v57, v47  }
0x18f: {  	v56 =	vadd.s32 v20, v46;
	v63 =	vld.idx.msk [tilespmem:v52+s22+$0x0], $0xffff  }
0x190: {  	v52 =	vor.u32 v43, v56;
	v47 =	vadd.f32 v59, v47  }
0x191: {  	v58 =	vadd.s32 v19, v46;
	v57 =	vld.idx.msk [tilespmem:v53+s22+$0x0], $0xffff  }
0x192: {  	v53 =	vor.u32 v43, v58;
	v47 =	vadd.f32 v61, v47  }
0x193: {  	v60 =	vadd.s32 v18, v46;
	v59 =	vld.idx.msk [tilespmem:v51+s22+$0x0], $0xffff  }
0x194: {  	v51 =	vor.u32 v43, v60;
	v47 =	vadd.f32 v63, v47  }
0x195: {  	v62 =	vadd.s32 v17, v46;
	v61 =	vld.idx.msk [tilespmem:v52+s22+$0x0], $0xffff  }
0x196: {  	v52 =	vor.u32 v43, v62;
	v47 =	vadd.f32 v57, v47  }
0x197: {  	v56 =	vadd.s32 v16, v46;
	v63 =	vld.idx.msk [tilespmem:v53+s22+$0x0], $0xffff  }
0x198: {  	v53 =	vor.u32 v43, v56;
	v47 =	vadd.f32 v59, v47  }
0x199: {  	v58 =	vadd.s32 v15, v46;
	v57 =	vld.idx.msk [tilespmem:v51+s22+$0x0], $0xffff  }
0x19a: {  	v51 =	vor.u32 v43, v58;
	v47 =	vadd.f32 v61, v47  }
0x19b: {  	v60 =	vadd.s32 v14, v46;
	v59 =	vld.idx.msk [tilespmem:v52+s22+$0x0], $0xffff  }
0x19c: {  	v52 =	vor.u32 v43, v60;
	v47 =	vadd.f32 v63, v47  }
0x19d: {  	v62 =	vadd.s32 v13, v46;
	v61 =	vld.idx.msk [tilespmem:v53+s22+$0x0], $0xffff  }
0x19e: {  	v53 =	vor.u32 v43, v62;
	v47 =	vadd.f32 v57, v47  }
0x19f: {  	v56 =	vadd.s32 v12, v46;
	v63 =	vld.idx.msk [tilespmem:v51+s22+$0x0], $0xffff  }
0x1a0: {  	v51 =	vor.u32 v43, v56;
	v47 =	vadd.f32 v59, v47  }
0x1a1: {  	v58 =	vadd.s32 v11, v46;
	v57 =	vld.idx.msk [tilespmem:v52+s22+$0x0], $0xffff  }
0x1a2: {  	v52 =	vor.u32 v43, v58;
	v47 =	vadd.f32 v61, v47  }
0x1a3: {  	v60 =	vadd.s32 v10, v46;
	v59 =	vld.idx.msk [tilespmem:v53+s22+$0x0], $0xffff  }
0x1a4: {  	v53 =	vor.u32 v43, v60;
	v47 =	vadd.f32 v63, v47  }
0x1a5: {  	v62 =	vadd.s32 v9, v46;
	v61 =	vld.idx.msk [tilespmem:v51+s22+$0x0], $0xffff  }
0x1a6: {  	v51 =	vor.u32 v43, v62;
	v47 =	vadd.f32 v57, v47  }
0x1a7: {  	v56 =	vadd.s32 v8, v46;
	v63 =	vld.idx.msk [tilespmem:v52+s22+$0x0], $0xffff  }
0x1a8: {  	v52 =	vor.u32 v43, v56;
	v47 =	vadd.f32 v59, v47  }
0x1a9: {  	v58 =	vadd.s32 v7, v46;
	v57 =	vld.idx.msk [tilespmem:v53+s22+$0x0], $0xffff  }
0x1aa: {  	v53 =	vor.u32 v43, v58;
	v47 =	vadd.f32 v61, v47  }
0x1ab: {  	v60 =	vadd.s32 v6, v46;
	v59 =	vld.idx.msk [tilespmem:v51+s22+$0x0], $0xffff  }
0x1ac: {  	v51 =	vor.u32 v43, v60;
	v47 =	vadd.f32 v63, v47  }
0x1ad: {  	v62 =	vadd.s32 v5, v46;
	v61 =	vld.idx.msk [tilespmem:v52+s22+$0x0], $0xffff  }
0x1ae: {  	v52 =	vor.u32 v43, v62;
	v47 =	vadd.f32 v57, v47  }
0x1af: {  	v56 =	vadd.s32 v4, v46;
	v63 =	vld.idx.msk [tilespmem:v53+s22+$0x0], $0xffff  }
0x1b0: {  	v53 =	vor.u32 v43, v56;
	v47 =	vadd.f32 v59, v47  }
0x1b1: {  	v58 =	vadd.s32 v3, v46;
	v57 =	vld.idx.msk [tilespmem:v51+s22+$0x0], $0xffff  }
0x1b2: {  	v51 =	vor.u32 v43, v58;
	v47 =	vadd.f32 v61, v47  }
0x1b3: {  	v60 =	vadd.s32 v2, v46;
	v59 =	vld.idx.msk [tilespmem:v52+s22+$0x0], $0xffff  }
0x1b4: {  	v52 =	vor.u32 v43, v60;
	v47 =	vadd.f32 v63, v47  }
0x1b5: {  	v46 =	vadd.s32 v1, v46;
	v61 =	vld.idx.msk [tilespmem:v53+s22+$0x0], $0xffff  }
0x1b6: {  	v46 =	vor.u32 v43, v46;
	v47 =	vadd.f32 v57, v47  }
0x1b7: {  	v62 =	vld.idx.msk [tilespmem:v51+s22+$0x0], $0xffff  }
0x1b8: {  	v47 =	vadd.f32 v59, v47  }
0x1b9: {  	v63 =	vld.idx.msk [tilespmem:v52+s22+$0x0], $0xffff  }
0x1ba: {  	v47 =	vadd.f32 v61, v47  }
0x1bb: {  	v46 =	vld.idx.msk [tilespmem:v46+s22+$0x0], $0xffff  }
0x1bc: {  	v47 =	vadd.f32 v62, v47;
	_ =	sdelay $0x1  }
0x1bd: {  	v47 =	vadd.f32 v63, v47;
	_ =	sdelay $0x1  }
0x1be: {  	v46 =	vadd.f32 v46, v47;
	_ =	sdelay $0x1  }
0x1bf: {  	v46 =	vadd.f32 v46, v46;
	_ =	sdelay $0x1  }
0x1c0: {  	v46 =	vmul.f32 $1.442695020e+00, v46;
	_ =	sdelay $0x1  }
0x1c1: {  	(erf) = vpow2.f32 v46;
	_ =	sdelay $0x8  }
0x1c2: {  	v46 =	vpop (erf)  }
0x1c3: {  	v46 =	vadd.f32 $1.000000000e+00, v46;
	_ =	sdelay $0x1  }
0x1c4: {  	(erf) = vrcp.f32 v46;
	_ =	sdelay $0x8  }
0x1c5: {  	v46 =	vpop (erf)  }
0x1c6: {  	s29 =	simm.s32 $0x4;
	v47 =	vadd.f32 v46, v46  }
0x1c7: {  	s26 =	simm.s32 $0xC180;
	s28 =	simm.s32 $0x6;
	v46 =	vmov s29  }
.LBB2_2:
0x1c8: {  	p0 =	sne.s32 s28, $0x7E;
	v46 =	vshll.u32 v46, $0x3;
	v47 =	vsub.f32 $1.000000000e+00, v47  }
0x1c9: {  	v48 =	vor.u32 v0, v46  }
0x1ca: {  	v48 =	vor.u32 v43, v48;
	v47 =	vmul.f32 v47, v44  }
0x1cb: {  	v49 =	vadd.s32 v42, v46  }
0x1cc: {  	v49 =	vor.u32 v43, v49;
	v47 =	vadd.f32 v47, v45  }
0x1cd: {  	s26 =	sadd.s32 $0x10, s26;
	v50 =	vadd.s32 v41, v46  }
0x1ce: {  	v50 =	vor.u32 v43, v50;
	[tilespmem:s26+$0x0] =	vst v47  }
0x1cf: {  	v47 =	vld.idx.msk [tilespmem:v48+s22+$0x0], $0xffff;
	v48 =	vadd.s32 v40, v46  }
0x1d0: {  	v48 =	vor.u32 v43, v48  }
0x1d1: {  	v51 =	vadd.s32 v39, v46;
	v49 =	vld.idx.msk [tilespmem:v49+s22+$0x0], $0xffff  }
0x1d2: {  	v51 =	vor.u32 v43, v51  }
0x1d3: {  	v52 =	vadd.s32 v38, v46;
	v50 =	vld.idx.msk [tilespmem:v50+s22+$0x0], $0xffff  }
0x1d4: {  	v52 =	vor.u32 v43, v52  }
0x1d5: {  	v53 =	vadd.s32 v37, v46;
	v47 =	vadd.f32 $0.0e+00, v47;
	v48 =	vld.idx.msk [tilespmem:v48+s22+$0x0], $0xffff  }
0x1d6: {  	v53 =	vor.u32 v43, v53  }
0x1d7: {  	v47 =	vadd.f32 v49, v47;
	v49 =	vld.idx.msk [tilespmem:v51+s22+$0x0], $0xffff;
	v51 =	vadd.s32 v36, v46  }
0x1d8: {  	v51 =	vor.u32 v43, v51  }
0x1d9: {  	v47 =	vadd.f32 v50, v47;
	v50 =	vld.idx.msk [tilespmem:v52+s22+$0x0], $0xffff;
	v52 =	vadd.s32 v35, v46  }
0x1da: {  	v52 =	vor.u32 v43, v52  }
0x1db: {  	v47 =	vadd.f32 v48, v47;
	v48 =	vld.idx.msk [tilespmem:v53+s22+$0x0], $0xffff;
	v53 =	vadd.s32 v34, v46  }
0x1dc: {  	v53 =	vor.u32 v43, v53  }
0x1dd: {  	v47 =	vadd.f32 v49, v47;
	v49 =	vld.idx.msk [tilespmem:v51+s22+$0x0], $0xffff;
	v51 =	vadd.s32 v33, v46  }
0x1de: {  	v51 =	vor.u32 v43, v51  }
0x1df: {  	v47 =	vadd.f32 v50, v47;
	v50 =	vld.idx.msk [tilespmem:v52+s22+$0x0], $0xffff;
	v52 =	vadd.s32 v32, v46  }
0x1e0: {  	v52 =	vor.u32 v43, v52  }
0x1e1: {  	v47 =	vadd.f32 v48, v47;
	v48 =	vld.idx.msk [tilespmem:v53+s22+$0x0], $0xffff;
	v53 =	vadd.s32 v31, v46  }
0x1e2: {  	v53 =	vor.u32 v43, v53  }
0x1e3: {  	v47 =	vadd.f32 v49, v47;
	v49 =	vld.idx.msk [tilespmem:v51+s22+$0x0], $0xffff;
	v51 =	vadd.s32 v30, v46  }
0x1e4: {  	v51 =	vor.u32 v43, v51  }
0x1e5: {  	v47 =	vadd.f32 v50, v47;
	v50 =	vld.idx.msk [tilespmem:v52+s22+$0x0], $0xffff;
	v52 =	vadd.s32 v29, v46  }
0x1e6: {  	v52 =	vor.u32 v43, v52  }
0x1e7: {  	v47 =	vadd.f32 v48, v47;
	v48 =	vld.idx.msk [tilespmem:v53+s22+$0x0], $0xffff;
	v53 =	vadd.s32 v28, v46  }
0x1e8: {  	v53 =	vor.u32 v43, v53  }
0x1e9: {  	v47 =	vadd.f32 v49, v47;
	v49 =	vld.idx.msk [tilespmem:v51+s22+$0x0], $0xffff;
	v51 =	vadd.s32 v27, v46  }
0x1ea: {  	v51 =	vor.u32 v43, v51  }
0x1eb: {  	v47 =	vadd.f32 v50, v47;
	v50 =	vld.idx.msk [tilespmem:v52+s22+$0x0], $0xffff;
	v52 =	vadd.s32 v26, v46  }
0x1ec: {  	v52 =	vor.u32 v43, v52  }
0x1ed: {  	v47 =	vadd.f32 v48, v47;
	v48 =	vld.idx.msk [tilespmem:v53+s22+$0x0], $0xffff;
	v53 =	vadd.s32 v25, v46  }
0x1ee: {  	v53 =	vor.u32 v43, v53  }
0x1ef: {  	v47 =	vadd.f32 v49, v47;
	v49 =	vld.idx.msk [tilespmem:v51+s22+$0x0], $0xffff;
	v51 =	vadd.s32 v24, v46  }
0x1f0: {  	v51 =	vor.u32 v43, v51  }
0x1f1: {  	v47 =	vadd.f32 v50, v47;
	v50 =	vld.idx.msk [tilespmem:v52+s22+$0x0], $0xffff;
	v52 =	vadd.s32 v23, v46  }
0x1f2: {  	v52 =	vor.u32 v43, v52  }
0x1f3: {  	v47 =	vadd.f32 v48, v47;
	v48 =	vld.idx.msk [tilespmem:v53+s22+$0x0], $0xffff;
	v53 =	vadd.s32 v22, v46  }
0x1f4: {  	v53 =	vor.u32 v43, v53  }
0x1f5: {  	v47 =	vadd.f32 v49, v47;
	v49 =	vld.idx.msk [tilespmem:v51+s22+$0x0], $0xffff;
	v51 =	vadd.s32 v21, v46  }
0x1f6: {  	v51 =	vor.u32 v43, v51  }
0x1f7: {  	v47 =	vadd.f32 v50, v47;
	v50 =	vld.idx.msk [tilespmem:v52+s22+$0x0], $0xffff;
	v52 =	vadd.s32 v20, v46  }
0x1f8: {  	v52 =	vor.u32 v43, v52  }
0x1f9: {  	v47 =	vadd.f32 v48, v47;
	v48 =	vld.idx.msk [tilespmem:v53+s22+$0x0], $0xffff;
	v53 =	vadd.s32 v19, v46  }
0x1fa: {  	v53 =	vor.u32 v43, v53  }
0x1fb: {  	v47 =	vadd.f32 v49, v47;
	v49 =	vld.idx.msk [tilespmem:v51+s22+$0x0], $0xffff;
	v51 =	vadd.s32 v18, v46  }
0x1fc: {  	v51 =	vor.u32 v43, v51  }
0x1fd: {  	v47 =	vadd.f32 v50, v47;
	v50 =	vld.idx.msk [tilespmem:v52+s22+$0x0], $0xffff;
	v52 =	vadd.s32 v17, v46  }
0x1fe: {  	v52 =	vor.u32 v43, v52  }
0x1ff: {  	v47 =	vadd.f32 v48, v47;
	v48 =	vld.idx.msk [tilespmem:v53+s22+$0x0], $0xffff;
	v53 =	vadd.s32 v16, v46  }
0x200: {  	v53 =	vor.u32 v43, v53  }
0x201: {  	v47 =	vadd.f32 v49, v47;
	v49 =	vld.idx.msk [tilespmem:v51+s22+$0x0], $0xffff;
	v51 =	vadd.s32 v15, v46  }
0x202: {  	v51 =	vor.u32 v43, v51  }
0x203: {  	v47 =	vadd.f32 v50, v47;
	v50 =	vld.idx.msk [tilespmem:v52+s22+$0x0], $0xffff;
	v52 =	vadd.s32 v14, v46  }
0x204: {  	v52 =	vor.u32 v43, v52  }
0x205: {  	v47 =	vadd.f32 v48, v47;
	v48 =	vld.idx.msk [tilespmem:v53+s22+$0x0], $0xffff;
	v53 =	vadd.s32 v13, v46  }
0x206: {  	v53 =	vor.u32 v43, v53  }
0x207: {  	v47 =	vadd.f32 v49, v47;
	v49 =	vld.idx.msk [tilespmem:v51+s22+$0x0], $0xffff;
	v51 =	vadd.s32 v12, v46  }
0x208: {  	v51 =	vor.u32 v43, v51  }
0x209: {  	v47 =	vadd.f32 v50, v47;
	v50 =	vld.idx.msk [tilespmem:v52+s22+$0x0], $0xffff;
	v52 =	vadd.s32 v11, v46  }
0x20a: {  	v52 =	vor.u32 v43, v52  }
0x20b: {  	v47 =	vadd.f32 v48, v47;
	v48 =	vld.idx.msk [tilespmem:v53+s22+$0x0], $0xffff;
	v53 =	vadd.s32 v10, v46  }
0x20c: {  	v53 =	vor.u32 v43, v53  }
0x20d: {  	v47 =	vadd.f32 v49, v47;
	v49 =	vld.idx.msk [tilespmem:v51+s22+$0x0], $0xffff;
	v51 =	vadd.s32 v9, v46  }
0x20e: {  	v51 =	vor.u32 v43, v51  }
0x20f: {  	v47 =	vadd.f32 v50, v47;
	v50 =	vld.idx.msk [tilespmem:v52+s22+$0x0], $0xffff;
	v52 =	vadd.s32 v8, v46  }
0x210: {  	v52 =	vor.u32 v43, v52  }
0x211: {  	v47 =	vadd.f32 v48, v47;
	v48 =	vld.idx.msk [tilespmem:v53+s22+$0x0], $0xffff;
	v53 =	vadd.s32 v7, v46  }
0x212: {  	v53 =	vor.u32 v43, v53  }
0x213: {  	v47 =	vadd.f32 v49, v47;
	v49 =	vld.idx.msk [tilespmem:v51+s22+$0x0], $0xffff;
	v51 =	vadd.s32 v6, v46  }
0x214: {  	v51 =	vor.u32 v43, v51  }
0x215: {  	v47 =	vadd.f32 v50, v47;
	v50 =	vld.idx.msk [tilespmem:v52+s22+$0x0], $0xffff;
	v52 =	vadd.s32 v5, v46  }
0x216: {  	v52 =	vor.u32 v43, v52  }
0x217: {  	v47 =	vadd.f32 v48, v47;
	v48 =	vld.idx.msk [tilespmem:v53+s22+$0x0], $0xffff;
	v53 =	vadd.s32 v4, v46  }
0x218: {  	v53 =	vor.u32 v43, v53  }
0x219: {  	v47 =	vadd.f32 v49, v47;
	v49 =	vld.idx.msk [tilespmem:v51+s22+$0x0], $0xffff;
	v51 =	vadd.s32 v3, v46  }
0x21a: {  	v51 =	vor.u32 v43, v51  }
0x21b: {  	v47 =	vadd.f32 v50, v47;
	v50 =	vld.idx.msk [tilespmem:v52+s22+$0x0], $0xffff;
	v52 =	vadd.s32 v2, v46  }
0x21c: {  	v52 =	vor.u32 v43, v52  }
0x21d: {  	v46 =	vadd.s32 v1, v46;
	v47 =	vadd.f32 v48, v47;
	v48 =	vld.idx.msk [tilespmem:v53+s22+$0x0], $0xffff  }
0x21e: {  	v46 =	vor.u32 v43, v46  }
0x21f: {  	v47 =	vadd.f32 v49, v47;
	v49 =	vld.idx.msk [tilespmem:v51+s22+$0x0], $0xffff;
	_ =	sdelay $0x1  }
0x220: {  	v47 =	vadd.f32 v50, v47;
	v50 =	vld.idx.msk [tilespmem:v52+s22+$0x0], $0xffff;
	_ =	sdelay $0x1  }
0x221: {  	v47 =	vadd.f32 v48, v47;
	v46 =	vld.idx.msk [tilespmem:v46+s22+$0x0], $0xffff;
	_ =	sdelay $0x1  }
0x222: {  	v47 =	vadd.f32 v49, v47;
	_ =	sdelay $0x1  }
0x223: {  	v47 =	vadd.f32 v50, v47;
	_ =	sdelay $0x1  }
0x224: {  	v46 =	vadd.f32 v46, v47;
	_ =	sdelay $0x1  }
0x225: {  	v46 =	vadd.f32 v46, v46;
	_ =	sdelay $0x1  }
0x226: {  	v46 =	vmul.f32 $1.442695020e+00, v46;
	_ =	sdelay $0x1  }
0x227: {  	(erf) = vpow2.f32 v46;
	_ =	sdelay $0x8  }
0x228: {  	v46 =	vpop (erf)  }
0x229: {  	v46 =	vadd.f32 $1.000000000e+00, v46;
	_ =	sdelay $0x1  }
0x22a: {  	(erf) = vrcp.f32 v46;
	_ =	sdelay $0x6  }
.Ltmp0:
0x22b: {  	(pc) =	sbr.rel @p0 .LBB2_2-.Ltmp0, $4  }
0x22c: {  	_ = 	snop  }
0x22d: {  	v46 =	vpop (erf)  }
0x22e: {  	v47 =	vadd.f32 v46, v46  }
0x22f: {  	v46 =	vmov s28;
	s28 =	sadd.s32 $0x2, s28  }
0x230: {  	v46 =	vshll.u32 v46, $0x3;
	v47 =	vsub.f32 $1.000000000e+00, v47  }
0x231: {  	v48 =	vor.u32 v0, v46  }
0x232: {  	v48 =	vor.u32 v43, v48;
	v47 =	vmul.f32 v47, v44  }
0x233: {  	v49 =	vadd.s32 v42, v46  }
0x234: {  	v49 =	vor.u32 v43, v49;
	v47 =	vadd.f32 v47, v45  }
0x235: {  	s26 =	sadd.s32 $0x10, s26;
	v50 =	vadd.s32 v41, v46  }
0x236: {  	v50 =	vor.u32 v43, v50;
	[tilespmem:s26+$0x0] =	vst v47  }
0x237: {  	v62 =	vadd.s32 v40, v46;
	v47 =	vld.idx.msk [tilespmem:v48+s22+$0x0], $0xffff  }
0x238: {  	v48 =	vor.u32 v43, v62  }
0x239: {  	v51 =	vadd.s32 v39, v46;
	v49 =	vld.idx.msk [tilespmem:v49+s22+$0x0], $0xffff  }
0x23a: {  	v51 =	vor.u32 v43, v51  }
0x23b: {  	v52 =	vadd.s32 v38, v46;
	v50 =	vld.idx.msk [tilespmem:v50+s22+$0x0], $0xffff  }
0x23c: {  	v52 =	vor.u32 v43, v52;
	v47 =	vadd.f32 $0.0e+00, v47  }
0x23d: {  	v53 =	vadd.s32 v37, v46;
	v48 =	vld.idx.msk [tilespmem:v48+s22+$0x0], $0xffff  }
0x23e: {  	v53 =	vor.u32 v43, v53;
	v47 =	vadd.f32 v49, v47  }
0x23f: {  	v56 =	vadd.s32 v36, v46;
	v63 =	vld.idx.msk [tilespmem:v51+s22+$0x0], $0xffff  }
0x240: {  	v51 =	vor.u32 v43, v56;
	v47 =	vadd.f32 v50, v47  }
0x241: {  	v58 =	vadd.s32 v35, v46;
	v57 =	vld.idx.msk [tilespmem:v52+s22+$0x0], $0xffff  }
0x242: {  	v52 =	vor.u32 v43, v58;
	v47 =	vadd.f32 v48, v47  }
0x243: {  	v60 =	vadd.s32 v34, v46;
	v59 =	vld.idx.msk [tilespmem:v53+s22+$0x0], $0xffff  }
0x244: {  	v53 =	vor.u32 v43, v60;
	v47 =	vadd.f32 v63, v47  }
0x245: {  	v62 =	vadd.s32 v33, v46;
	v61 =	vld.idx.msk [tilespmem:v51+s22+$0x0], $0xffff  }
0x246: {  	v51 =	vor.u32 v43, v62;
	v47 =	vadd.f32 v57, v47  }
0x247: {  	v56 =	vadd.s32 v32, v46;
	v63 =	vld.idx.msk [tilespmem:v52+s22+$0x0], $0xffff  }
0x248: {  	v52 =	vor.u32 v43, v56;
	v47 =	vadd.f32 v59, v47  }
0x249: {  	v58 =	vadd.s32 v31, v46;
	v57 =	vld.idx.msk [tilespmem:v53+s22+$0x0], $0xffff  }
0x24a: {  	v53 =	vor.u32 v43, v58;
	v47 =	vadd.f32 v61, v47  }
0x24b: {  	v60 =	vadd.s32 v30, v46;
	v59 =	vld.idx.msk [tilespmem:v51+s22+$0x0], $0xffff  }
0x24c: {  	v51 =	vor.u32 v43, v60;
	v47 =	vadd.f32 v63, v47  }
0x24d: {  	v62 =	vadd.s32 v29, v46;
	v61 =	vld.idx.msk [tilespmem:v52+s22+$0x0], $0xffff  }
0x24e: {  	v52 =	vor.u32 v43, v62;
	v47 =	vadd.f32 v57, v47  }
0x24f: {  	v56 =	vadd.s32 v28, v46;
	v63 =	vld.idx.msk [tilespmem:v53+s22+$0x0], $0xffff  }
0x250: {  	v53 =	vor.u32 v43, v56;
	v47 =	vadd.f32 v59, v47  }
0x251: {  	v58 =	vadd.s32 v27, v46;
	v57 =	vld.idx.msk [tilespmem:v51+s22+$0x0], $0xffff  }
0x252: {  	v51 =	vor.u32 v43, v58;
	v47 =	vadd.f32 v61, v47  }
0x253: {  	v60 =	vadd.s32 v26, v46;
	v59 =	vld.idx.msk [tilespmem:v52+s22+$0x0], $0xffff  }
0x254: {  	v52 =	vor.u32 v43, v60;
	v47 =	vadd.f32 v63, v47  }
0x255: {  	v62 =	vadd.s32 v25, v46;
	v61 =	vld.idx.msk [tilespmem:v53+s22+$0x0], $0xffff  }
0x256: {  	v53 =	vor.u32 v43, v62;
	v47 =	vadd.f32 v57, v47  }
0x257: {  	v56 =	vadd.s32 v24, v46;
	v63 =	vld.idx.msk [tilespmem:v51+s22+$0x0], $0xffff  }
0x258: {  	v51 =	vor.u32 v43, v56;
	v47 =	vadd.f32 v59, v47  }
0x259: {  	v58 =	vadd.s32 v23, v46;
	v57 =	vld.idx.msk [tilespmem:v52+s22+$0x0], $0xffff  }
0x25a: {  	v52 =	vor.u32 v43, v58;
	v47 =	vadd.f32 v61, v47  }
0x25b: {  	v60 =	vadd.s32 v22, v46;
	v59 =	vld.idx.msk [tilespmem:v53+s22+$0x0], $0xffff  }
0x25c: {  	v53 =	vor.u32 v43, v60;
	v47 =	vadd.f32 v63, v47  }
0x25d: {  	v62 =	vadd.s32 v21, v46;
	v61 =	vld.idx.msk [tilespmem:v51+s22+$0x0], $0xffff  }
0x25e: {  	v51 =	vor.u32 v43, v62;
	v47 =	vadd.f32 v57, v47  }
0x25f: {  	v56 =	vadd.s32 v20, v46;
	v63 =	vld.idx.msk [tilespmem:v52+s22+$0x0], $0xffff  }
0x260: {  	v52 =	vor.u32 v43, v56;
	v47 =	vadd.f32 v59, v47  }
0x261: {  	v58 =	vadd.s32 v19, v46;
	v57 =	vld.idx.msk [tilespmem:v53+s22+$0x0], $0xffff  }
0x262: {  	v53 =	vor.u32 v43, v58;
	v47 =	vadd.f32 v61, v47  }
0x263: {  	v60 =	vadd.s32 v18, v46;
	v59 =	vld.idx.msk [tilespmem:v51+s22+$0x0], $0xffff  }
0x264: {  	v51 =	vor.u32 v43, v60;
	v47 =	vadd.f32 v63, v47  }
0x265: {  	v62 =	vadd.s32 v17, v46;
	v61 =	vld.idx.msk [tilespmem:v52+s22+$0x0], $0xffff  }
0x266: {  	v52 =	vor.u32 v43, v62;
	v47 =	vadd.f32 v57, v47  }
0x267: {  	v56 =	vadd.s32 v16, v46;
	v63 =	vld.idx.msk [tilespmem:v53+s22+$0x0], $0xffff  }
0x268: {  	v53 =	vor.u32 v43, v56;
	v47 =	vadd.f32 v59, v47  }
0x269: {  	v58 =	vadd.s32 v15, v46;
	v57 =	vld.idx.msk [tilespmem:v51+s22+$0x0], $0xffff  }
0x26a: {  	v51 =	vor.u32 v43, v58;
	v47 =	vadd.f32 v61, v47  }
0x26b: {  	v60 =	vadd.s32 v14, v46;
	v59 =	vld.idx.msk [tilespmem:v52+s22+$0x0], $0xffff  }
0x26c: {  	v52 =	vor.u32 v43, v60;
	v47 =	vadd.f32 v63, v47  }
0x26d: {  	v62 =	vadd.s32 v13, v46;
	v61 =	vld.idx.msk [tilespmem:v53+s22+$0x0], $0xffff  }
0x26e: {  	v53 =	vor.u32 v43, v62;
	v47 =	vadd.f32 v57, v47  }
0x26f: {  	v55 =	vadd.s32 v12, v46;
	v63 =	vld.idx.msk [tilespmem:v51+s22+$0x0], $0xffff  }
0x270: {  	v51 =	vor.u32 v43, v55;
	v47 =	vadd.f32 v59, v47  }
0x271: {  	v56 =	vld.idx.msk [tilespmem:v52+s22+$0x0], $0xffff;
	v57 =	vadd.s32 v11, v46  }
0x272: {  	v52 =	vor.u32 v43, v57;
	v47 =	vadd.f32 v61, v47  }
0x273: {  	v58 =	vld.idx.msk [tilespmem:v53+s22+$0x0], $0xffff;
	v59 =	vadd.s32 v10, v46  }
0x274: {  	v53 =	vor.u32 v43, v59;
	v47 =	vadd.f32 v63, v47  }
0x275: {  	v60 =	vld.idx.msk [tilespmem:v51+s22+$0x0], $0xffff;
	v61 =	vadd.s32 v9, v46  }
0x276: {  	v51 =	vor.u32 v43, v61;
	v47 =	vadd.f32 v56, v47  }
0x277: {  	v62 =	vld.idx.msk [tilespmem:v52+s22+$0x0], $0xffff;
	v63 =	vadd.s32 v8, v46  }
0x278: {  	v52 =	vor.u32 v43, v63;
	v47 =	vadd.f32 v58, v47  }
0x279: {  	v57 =	vadd.s32 v7, v46;
	v56 =	vld.idx.msk [tilespmem:v53+s22+$0x0], $0xffff  }
0x27a: {  	v53 =	vor.u32 v43, v57;
	v47 =	vadd.f32 v60, v47  }
0x27b: {  	v59 =	vadd.s32 v6, v46;
	v58 =	vld.idx.msk [tilespmem:v51+s22+$0x0], $0xffff  }
0x27c: {  	v51 =	vor.u32 v43, v59;
	v47 =	vadd.f32 v62, v47  }
0x27d: {  	v61 =	vadd.s32 v5, v46;
	v60 =	vld.idx.msk [tilespmem:v52+s22+$0x0], $0xffff  }
0x27e: {  	v52 =	vor.u32 v43, v61;
	v47 =	vadd.f32 v56, v47  }
0x27f: {  	v63 =	vadd.s32 v4, v46;
	v62 =	vld.idx.msk [tilespmem:v53+s22+$0x0], $0xffff  }
0x280: {  	v53 =	vor.u32 v43, v63;
	v47 =	vadd.f32 v58, v47  }
0x281: {  	v57 =	vadd.s32 v3, v46;
	v56 =	vld.idx.msk [tilespmem:v51+s22+$0x0], $0xffff  }
0x282: {  	v51 =	vor.u32 v43, v57;
	v47 =	vadd.f32 v60, v47  }
0x283: {  	v59 =	vadd.s32 v2, v46;
	v58 =	vld.idx.msk [tilespmem:v52+s22+$0x0], $0xffff  }
0x284: {  	v52 =	vor.u32 v43, v59;
	v47 =	vadd.f32 v62, v47  }
0x285: {  	v46 =	vadd.s32 v1, v46;
	v60 =	vld.idx.msk [tilespmem:v53+s22+$0x0], $0xffff  }
0x286: {  	v46 =	vor.u32 v43, v46;
	v47 =	vadd.f32 v56, v47  }
0x287: {  	v61 =	vld.idx.msk [tilespmem:v51+s22+$0x0], $0xffff  }
0x288: {  	v47 =	vadd.f32 v58, v47  }
0x289: {  	v62 =	vld.idx.msk [tilespmem:v52+s22+$0x0], $0xffff  }
0x28a: {  	v47 =	vadd.f32 v60, v47  }
0x28b: {  	v46 =	vld.idx.msk [tilespmem:v46+s22+$0x0], $0xffff  }
0x28c: {  	v47 =	vadd.f32 v61, v47;
	_ =	sdelay $0x1  }
0x28d: {  	v47 =	vadd.f32 v62, v47;
	_ =	sdelay $0x1  }
0x28e: {  	v46 =	vadd.f32 v46, v47;
	_ =	sdelay $0x1  }
0x28f: {  	v46 =	vadd.f32 v46, v46;
	_ =	sdelay $0x1  }
0x290: {  	v46 =	vmul.f32 $1.442695020e+00, v46;
	_ =	sdelay $0x1  }
0x291: {  	(erf) = vpow2.f32 v46;
	_ =	sdelay $0x8  }
0x292: {  	v46 =	vpop (erf)  }
0x293: {  	v46 =	vadd.f32 $1.000000000e+00, v46;
	_ =	sdelay $0x1  }
0x294: {  	(erf) = vrcp.f32 v46;
	_ =	sdelay $0x8  }
0x295: {  	v46 =	vpop (erf)  }
0x296: {  	v46 =	vadd.f32 v46, v46;
	_ =	sdelay $0x1  }
0x297: {  	v46 =	vsub.f32 $1.000000000e+00, v46;
	_ =	sdelay $0x1  }
0x298: {  	v63 =	vmul.f32 v46, v44;
	_ =	sdelay $0x1  }
0x299: {  	s25 =	sadd.s32 $0x1, s25;
	v44 =	vadd.f32 v63, v45  }
0x29a: {  	p0 =	sne.s32 s25, s19;
	s26 =	sadd.s32 $0x10, s26  }
.Ltmp1:
0x29b: {  	[tilespmem:s26+$0x0] =	vst v44;
	(pc) =	sbr.rel @p0 .LBB2_1-.Ltmp1, $4  }
0x29c: {  	[hbm4b:s14+s2] =	stream.linear.scatter [tilespmem:s24], [sflag:$0x2], $0x400, $0x38;
	[tilespmem:$0xC5A0] =	vst v63  }
0x29d: {  	_ =	swait.ge [sflag:s20], $0x400  }
0x29e: {  	[sflag:s20] =	ssyncset.done $0x0  }
0x29f: {  	[sflag:s20] =	ssyncadd.s32 $0xFFFFFC00  }
0x2a0: {  	_ =	sfence.sel $0x180000  }
0x2a1: {  	[bflag:$0x0] =	sbarrier.arrive $0xFFFF  }
0x2a2: {  	_ =	strace $0x90000047  }
0x2a3: {  	s0 =	stileid.u32;
	[bflag:$0x2] =	sbarrier.arrive $0xFFFF  }
0x2a4: {  	p0 =	sne.s32 s0, $0x0;
	s0 =	rddreg [dreg:$0x2]  }
0x2a5: {  	s0 =	sadd.s32 @!p0 $0x100000, s0  }
0x2a6: {  	[sflag:s0] =	ssyncadd.tile.s32 @!p0 $0x1;
	_ =	shalt  }
.Lfunc_end2:
_tile_overlayer_lowered:
.L_overlay_start_2:
0x2a7: {  	(tag) =	ssettag $0x2  }
0x2a8: {  	s0 =	rddreg [dreg:$0x0];
	s2 =	stileid.u32  }
0x2a9: {  	s1 =	rddreg [dreg:$0x1];
	p0 =	sne.s32 s2, $0x0  }
0x2aa: {  	s3 =	rddreg [dreg:$0x2];
	[bflag:$0x3] =	sbarrier.arrive $0xFFFF;
	s2 =	simm.s32 @!p0 $0x1C02  }
0x2ab: {  	[timem:s3], [sflag:s2] =	dma.local @!p0 [hbm:s0], s1  }
0x2ac: {  	s0 =	simm.s32 @!p0 $0x2  }
0x2ad: {  	_ =	swait.ge @!p0 [sflag:s0], s1  }
0x2ae: {  	s1 =	ssub.s32 @!p0 $0x0, s1;
	[sflag:s0] =	ssyncset.done @!p0 $0x0  }
0x2af: {  	[sflag:s0] =	ssyncadd.s32 @!p0 s1  }
0x2b0: {  	[bflag:$0x3] =	sbarrier.arrive $0xFFFF  }
0x2b1: {  	_ =	shalt  }

</sc_bundles>
